<compile_context>
chip_gen: v7x
topology: tpu7x:2x2x1
jax: 0.10.2.dev20260603
libtpu: 0.0.44.dev20260713+nightly
codegen_flags: <defaults>
</compile_context>

<pallas_src>
import jax
import jax.numpy as jnp
import numpy as np
from jax import lax
from jax.experimental import pallas as pl
from jax.experimental.pallas import tpu as pltpu
from jax.experimental.pallas import tpu_sc as plsc

N = 10000
E = 320000
D = 128

NC = 2
NS = 16
NW = NC * NS
G = 128

CH0 = 80
CH1 = 80
TCH = NS * (CH0 + CH1)
TCH_ARR = TCH + 16
E_PAD = TCH_ARR * G
N_PAD = 10240
RPS = N_PAD // NS


def _sc_agg_build(want_deg):
    mesh = plsc.VectorSubcoreMesh(
        core_axis_name="c", subcore_axis_name="s", num_cores=NC, num_subcores=NS
    )
    out_type = [jax.ShapeDtypeStruct((NC, N_PAD, D), jnp.float32)]
    scratch = [
        pltpu.VMEM((48, G), jnp.int32),
        pltpu.VMEM((48, G), jnp.int32),
        pltpu.VMEM((2, G, D), jnp.float32),
        pltpu.VMEM_SHARED((N_PAD, D), jnp.float32),
        [pltpu.SemaphoreType.DMA] * 2,
    ]
    if want_deg:
        out_type.append(jax.ShapeDtypeStruct((NC, N_PAD), jnp.float32))
        scratch += [
            pltpu.VMEM((G,), jnp.float32),
            pltpu.VMEM_SHARED((N_PAD,), jnp.float32),
        ]

    def body(y_hbm, src_hbm, dst_hbm, *refs):
        if want_deg:
            agg_out, deg_out, src_v, dst_v, rows_v, agg_sh, sems, ones_v, deg_sh = refs
        else:
            agg_out, src_v, dst_v, rows_v, agg_sh, sems = refs
        c = lax.axis_index("c")
        s = lax.axis_index("s")

        def zrow(i, carry):
            for k in range(D // 16):
                rows_v[0, i, pl.ds(k * 16, 16)] = jnp.zeros((16,), jnp.float32)
            return carry

        lax.fori_loop(0, G, zrow, 0)
        for r in range(RPS // G):
            pltpu.sync_copy(rows_v.at[0], agg_sh.at[pl.ds(s * RPS + r * G, G)])
        if want_deg:
            for r in range(RPS // D):
                pltpu.sync_copy(
                    rows_v.at[0, 0], deg_sh.at[pl.ds(s * RPS + r * D, D)]
                )
            for k in range(G // 16):
                ones_v[pl.ds(k * 16, 16)] = jnp.ones((16,), jnp.float32)
        plsc.subcore_barrier()

        H, O = (48, 32), (0, 48)
        for h in range(2):
            base_h = jnp.where(
                c == 0, s * CH0 + O[h], NS * CH0 + s * CH1 + O[h]
            )
            pltpu.sync_copy(src_hbm.at[pl.ds(base_h, 48)], src_v)
            pltpu.sync_copy(dst_hbm.at[pl.ds(base_h, 48)], dst_v)

            Q = H[h] // 2
            for t in range(2):
                pltpu.async_copy(
                    y_hbm.at[src_v.at[t * Q]], rows_v.at[t], sems[t]
                )

            def rchunk(jj, carry):
                for t in range(2):
                    j = t * Q + jj
                    pltpu.make_async_copy(
                        y_hbm.at[pl.ds(0, G)], rows_v.at[t], sems[t]
                    ).wait()
                    pltpu.sync_copy(
                        rows_v.at[t], agg_sh.at[dst_v.at[j]], add=True
                    )
                    if want_deg:
                        pltpu.sync_copy(ones_v, deg_sh.at[dst_v.at[j]], add=True)

                    @pl.when(jj + 1 < Q)
                    def _():
                        pltpu.async_copy(
                            y_hbm.at[src_v.at[j + 1]], rows_v.at[t], sems[t]
                        )

                return carry

            lax.fori_loop(0, Q, rchunk, 0)

        plsc.subcore_barrier()

        pltpu.sync_copy(
            agg_sh.at[pl.ds(s * RPS, RPS)], agg_out.at[c, pl.ds(s * RPS, RPS)]
        )
        if want_deg:
            pltpu.sync_copy(
                deg_sh.at[pl.ds(s * RPS, RPS)], deg_out.at[c, pl.ds(s * RPS, RPS)]
            )

    return pl.kernel(body, out_type=out_type, mesh=mesh, scratch_types=scratch)


_sc_agg_deg = _sc_agg_build(True)
_sc_agg = _sc_agg_build(False)


BN = 2000
_GRID = N // BN


def _mm_body(x_ref, w_ref, o_ref):
    o_ref[...] = lax.dot_general(
        x_ref[...], w_ref[...], (((1,), (1,)), ((), ())),
        preferred_element_type=jnp.float32,
    )


_mm = pl.pallas_call(
    _mm_body,
    grid=(_GRID,),
    in_specs=[
        pl.BlockSpec((BN, D), lambda i: (i, 0)),
        pl.BlockSpec((D, D), lambda i: (0, 0)),
    ],
    out_specs=pl.BlockSpec((BN, D), lambda i: (i, 0)),
    out_shape=jax.ShapeDtypeStruct((N, D), jnp.float32),
)


def _combine_mm_body(p_ref, y_ref, dg_ref, b_ref, w_ref, o_ref):
    agg = p_ref[0] + p_ref[1]
    deg = dg_ref[0] + dg_ref[1] + 1.0
    h = (agg + y_ref[...]) / deg + b_ref[...]
    h = jnp.where(h >= 0.0, h, 0.01 * h)
    o_ref[...] = lax.dot_general(
        h, w_ref[...], (((1,), (1,)), ((), ())),
        preferred_element_type=jnp.float32,
    )


_combine_mm = pl.pallas_call(
    _combine_mm_body,
    grid=(_GRID,),
    in_specs=[
        pl.BlockSpec((NC, BN, D), lambda i: (0, i, 0)),
        pl.BlockSpec((BN, D), lambda i: (i, 0)),
        pl.BlockSpec((NC, BN, 1), lambda i: (0, i, 0)),
        pl.BlockSpec((1, D), lambda i: (0, 0)),
        pl.BlockSpec((D, D), lambda i: (0, 0)),
    ],
    out_specs=pl.BlockSpec((BN, D), lambda i: (i, 0)),
    out_shape=jax.ShapeDtypeStruct((N, D), jnp.float32),
)


def _combine_body(p_ref, y_ref, dg_ref, b_ref, o_ref):
    agg = p_ref[0] + p_ref[1]
    deg = dg_ref[0] + dg_ref[1] + 1.0
    h = (agg + y_ref[...]) / deg + b_ref[...]
    o_ref[...] = jnp.where(h >= 0.0, h, 0.01 * h)


_combine = pl.pallas_call(
    _combine_body,
    grid=(_GRID,),
    in_specs=[
        pl.BlockSpec((NC, BN, D), lambda i: (0, i, 0)),
        pl.BlockSpec((BN, D), lambda i: (i, 0)),
        pl.BlockSpec((NC, BN, 1), lambda i: (0, i, 0)),
        pl.BlockSpec((1, D), lambda i: (0, 0)),
    ],
    out_specs=pl.BlockSpec((BN, D), lambda i: (i, 0)),
    out_shape=jax.ShapeDtypeStruct((N, D), jnp.float32),
)


def kernel(feat, edge_index, W1, b1, W2, b2):
    ei = jnp.asarray(edge_index, jnp.int32)
    pad = E_PAD - E
    di = np.arange(pad, dtype=np.int32)
    src = jnp.concatenate([ei[0], jnp.asarray(di % N)]).reshape(TCH_ARR, G)
    dst = jnp.concatenate([ei[1], jnp.asarray(N + di % (N_PAD - N))]).reshape(TCH_ARR, G)
    b1r = b1.reshape(1, D)
    b2r = b2.reshape(1, D)

    y1 = _mm(feat, W1)
    p1, dg = _sc_agg_deg(y1, src, dst)
    dg3 = dg.reshape(NC, N_PAD, 1)
    y2 = _combine_mm(p1, y1, dg3, b1r, W2)
    p2 = _sc_agg(y2, src, dst)
    if isinstance(p2, (tuple, list)):
        p2 = p2[0]
    out = _combine(p2, y2, dg3, b2r)
    return out

# --- scband reference (transcript-rebuilt; emitter-appended) ---
"""Pipeline reference for scband-my-graph-sage-11622181503636 (READ-ONLY COPY).

The authoritative reference and input builder live on the scoring server;
editing this copy changes nothing except your own understanding.
"""

import jax, jax.numpy as jnp
import numpy as np

N = 10000
E = 320000
D_IN = 128
D_HID = 128
D_OUT = 128


def setup_inputs(seed: int = 0) -> dict:
    key = jax.random.key(seed)
    k1, k2, k3, k4, k5, k6 = jax.random.split(key, 6)
    feat = jax.random.normal(k1, (N, D_IN), dtype=jnp.float32)
    edge_index = jax.random.randint(k2, (2, E), 0, N).astype(jnp.int64)
    # DGL SAGEConv('gcn'): fc_neigh = Linear(in, out, bias=False); separate additive bias param
    W1 = jax.random.normal(k3, (D_HID, D_IN), dtype=jnp.float32) * (1.0 / np.sqrt(D_IN))
    b1 = jnp.zeros((D_HID,), dtype=jnp.float32)
    W2 = jax.random.normal(k4, (D_OUT, D_HID), dtype=jnp.float32) * (1.0 / np.sqrt(D_HID))
    b2 = jnp.zeros((D_OUT,), dtype=jnp.float32)
    return {"feat": feat, "edge_index": edge_index, "W1": W1, "b1": b1, "W2": W2, "b2": b2}


def sage_gcn_layer(feat, edge_index, W, b):
    # DGL SAGEConv gcn aggregator, lin_before_mp=False (in_feats <= out_feats):
    #   neigh = sum_{src->dst} feat[src]
    #   h_neigh = (neigh + feat) / (in_degree + 1)
    #   rst = fc_neigh(h_neigh) + bias
    src = edge_index[0]
    dst = edge_index[1]
    msg = jnp.take(feat, src, axis=0)                      # gather over edges
    agg = jax.ops.segment_sum(msg, dst, num_segments=N)    # scatter-add to dst nodes
    deg = jax.ops.segment_sum(jnp.ones((E,), dtype=feat.dtype), dst, num_segments=N)
    h_neigh = (agg + feat) / (deg[:, None] + 1.0)
    return h_neigh @ W.T + b


def reference(feat, edge_index, W1, b1, W2, b2):
    h = sage_gcn_layer(feat, edge_index, W1, b1)
    h = jax.nn.leaky_relu(h, negative_slope=0.01)
    # dropout p=0 -> identity
    h = sage_gcn_layer(h, edge_index, W2, b2)
    h = jax.nn.leaky_relu(h, negative_slope=0.01)
    return h

if __name__ == "__main__":
    import jax
    _d = setup_inputs()
    print(jax.jit(kernel)(*tuple(_d.values())))

</pallas_src>

<mosaic_0001>
#map = affine_map<(d0, d1) -> (0, 0)>
#map1 = affine_map<(d0, d1) -> (0, 0, 0)>
module attributes {stable_mosaic.version = 14 : i64} {
  func.func @body(%arg0: i32, %arg1: i32, %arg2: memref<10000x128xf32, #tpu.memory_space<hbm>>, %arg3: memref<2576x128xi32, #tpu.memory_space<hbm>>, %arg4: memref<2576x128xi32, #tpu.memory_space<hbm>>, %arg5: memref<2x10240x128xf32, #tpu.memory_space<hbm>>, %arg6: memref<2x10240xf32, #tpu.memory_space<hbm>>, %arg7: memref<48x128xi32, #tpu.memory_space<vmem>>, %arg8: memref<48x128xi32, #tpu.memory_space<vmem>>, %arg9: memref<2x128x128xf32, #tpu.memory_space<vmem>>, %arg10: memref<10240x128xf32, #tpu.memory_space<vmem_shared>>, %arg11: memref<!tpu.dma_semaphore, #tpu.memory_space<semaphore_mem>>, %arg12: memref<!tpu.dma_semaphore, #tpu.memory_space<semaphore_mem>>, %arg13: memref<128xf32, #tpu.memory_space<vmem>>, %arg14: memref<10240xf32, #tpu.memory_space<vmem_shared>>) attributes {dimension_semantics = [#tpu.dimension_semantics<core_parallel>, #tpu.dimension_semantics<subcore_parallel>], iteration_bounds = array<i64: 2, 16>, scalar_prefetch = 0 : i64, scratch_operands = 8 : i64, tpu.core_type = #tpu.core_type<sc_vector_subcore>, window_params = [{transform_indices = #map}, {transform_indices = #map}, {transform_indices = #map}, {transform_indices = #map1}, {transform_indices = #map}]} {
    %scan3A = arith.constant 0 : i32
    %scan3A_0 = arith.constant 0 : i32
    %scan3A_1 = arith.constant 128 : i32
    %scan3A_2 = arith.addi %scan3A_0, %scan3A_1 : i32
    %scan3A_3 = arith.constant 1 : i32
    scf.for %scan3A_195 = %scan3A_0 to %scan3A_2 step %scan3A_3  : i32 {
      %broadcast_in_dim3A_196 = arith.constant 0.000000e+00 : f32
      %broadcast_in_dim3A_197 = vector.broadcast %broadcast_in_dim3A_196 : f32 to vector<16xf32>
      %swap3A_198 = arith.constant 0 : i32
      %swap3A_199 = arith.index_cast %swap3A_198 : i32 to index
      %swap3A_200 = arith.index_cast %scan3A_195 : i32 to index
      %swap3A_201 = arith.constant 0 : index
      %swap3A_202 = tpu.vector_load %arg9[%swap3A_199, %swap3A_200, %swap3A_201] {strides = array<i32>} : memref<2x128x128xf32, #tpu.memory_space<vmem>>, vector<1x1x16xf32>,
      %swap3A_203 = vector.shape_cast %swap3A_202 : vector<1x1x16xf32> to vector<16xf32>
      %swap3A_204 = vector.shape_cast %broadcast_in_dim3A_197 : vector<16xf32> to vector<1x1x16xf32>
      tpu.vector_store %arg9[%swap3A_199, %swap3A_200, %swap3A_201], %swap3A_204 {strides = array<i32>} : memref<2x128x128xf32, #tpu.memory_space<vmem>>, vector<1x1x16xf32>,
      %broadcast_in_dim3A_205 = arith.constant 0.000000e+00 : f32
      %broadcast_in_dim3A_206 = vector.broadcast %broadcast_in_dim3A_205 : f32 to vector<16xf32>
      %swap3A_207 = arith.constant 0 : i32
      %swap3A_208 = arith.index_cast %swap3A_207 : i32 to index
      %swap3A_209 = arith.index_cast %scan3A_195 : i32 to index
      %swap3A_210 = arith.constant 16 : index
      %swap3A_211 = tpu.vector_load %arg9[%swap3A_208, %swap3A_209, %swap3A_210] {strides = array<i32>} : memref<2x128x128xf32, #tpu.memory_space<vmem>>, vector<1x1x16xf32>,
      %swap3A_212 = vector.shape_cast %swap3A_211 : vector<1x1x16xf32> to vector<16xf32>
      %swap3A_213 = vector.shape_cast %broadcast_in_dim3A_206 : vector<16xf32> to vector<1x1x16xf32>
      tpu.vector_store %arg9[%swap3A_208, %swap3A_209, %swap3A_210], %swap3A_213 {strides = array<i32>} : memref<2x128x128xf32, #tpu.memory_space<vmem>>, vector<1x1x16xf32>,
      %broadcast_in_dim3A_214 = arith.constant 0.000000e+00 : f32
      %broadcast_in_dim3A_215 = vector.broadcast %broadcast_in_dim3A_214 : f32 to vector<16xf32>
      %swap3A_216 = arith.constant 0 : i32
      %swap3A_217 = arith.index_cast %swap3A_216 : i32 to index
      %swap3A_218 = arith.index_cast %scan3A_195 : i32 to index
      %swap3A_219 = arith.constant 32 : index
      %swap3A_220 = tpu.vector_load %arg9[%swap3A_217, %swap3A_218, %swap3A_219] {strides = array<i32>} : memref<2x128x128xf32, #tpu.memory_space<vmem>>, vector<1x1x16xf32>,
      %swap3A_221 = vector.shape_cast %swap3A_220 : vector<1x1x16xf32> to vector<16xf32>
      %swap3A_222 = vector.shape_cast %broadcast_in_dim3A_215 : vector<16xf32> to vector<1x1x16xf32>
      tpu.vector_store %arg9[%swap3A_217, %swap3A_218, %swap3A_219], %swap3A_222 {strides = array<i32>} : memref<2x128x128xf32, #tpu.memory_space<vmem>>, vector<1x1x16xf32>,
      %broadcast_in_dim3A_223 = arith.constant 0.000000e+00 : f32
      %broadcast_in_dim3A_224 = vector.broadcast %broadcast_in_dim3A_223 : f32 to vector<16xf32>
      %swap3A_225 = arith.constant 0 : i32
      %swap3A_226 = arith.index_cast %swap3A_225 : i32 to index
      %swap3A_227 = arith.index_cast %scan3A_195 : i32 to index
      %swap3A_228 = arith.constant 48 : index
      %swap3A_229 = tpu.vector_load %arg9[%swap3A_226, %swap3A_227, %swap3A_228] {strides = array<i32>} : memref<2x128x128xf32, #tpu.memory_space<vmem>>, vector<1x1x16xf32>,
      %swap3A_230 = vector.shape_cast %swap3A_229 : vector<1x1x16xf32> to vector<16xf32>
      %swap3A_231 = vector.shape_cast %broadcast_in_dim3A_224 : vector<16xf32> to vector<1x1x16xf32>
      tpu.vector_store %arg9[%swap3A_226, %swap3A_227, %swap3A_228], %swap3A_231 {strides = array<i32>} : memref<2x128x128xf32, #tpu.memory_space<vmem>>, vector<1x1x16xf32>,
      %broadcast_in_dim3A_232 = arith.constant 0.000000e+00 : f32
      %broadcast_in_dim3A_233 = vector.broadcast %broadcast_in_dim3A_232 : f32 to vector<16xf32>
      %swap3A_234 = arith.constant 0 : i32
      %swap3A_235 = arith.index_cast %swap3A_234 : i32 to index
      %swap3A_236 = arith.index_cast %scan3A_195 : i32 to index
      %swap3A_237 = arith.constant 64 : index
      %swap3A_238 = tpu.vector_load %arg9[%swap3A_235, %swap3A_236, %swap3A_237] {strides = array<i32>} : memref<2x128x128xf32, #tpu.memory_space<vmem>>, vector<1x1x16xf32>,
      %swap3A_239 = vector.shape_cast %swap3A_238 : vector<1x1x16xf32> to vector<16xf32>
      %swap3A_240 = vector.shape_cast %broadcast_in_dim3A_233 : vector<16xf32> to vector<1x1x16xf32>
      tpu.vector_store %arg9[%swap3A_235, %swap3A_236, %swap3A_237], %swap3A_240 {strides = array<i32>} : memref<2x128x128xf32, #tpu.memory_space<vmem>>, vector<1x1x16xf32>,
      %broadcast_in_dim3A_241 = arith.constant 0.000000e+00 : f32
      %broadcast_in_dim3A_242 = vector.broadcast %broadcast_in_dim3A_241 : f32 to vector<16xf32>
      %swap3A_243 = arith.constant 0 : i32
      %swap3A_244 = arith.index_cast %swap3A_243 : i32 to index
      %swap3A_245 = arith.index_cast %scan3A_195 : i32 to index
      %swap3A_246 = arith.constant 80 : index
      %swap3A_247 = tpu.vector_load %arg9[%swap3A_244, %swap3A_245, %swap3A_246] {strides = array<i32>} : memref<2x128x128xf32, #tpu.memory_space<vmem>>, vector<1x1x16xf32>,
      %swap3A_248 = vector.shape_cast %swap3A_247 : vector<1x1x16xf32> to vector<16xf32>
      %swap3A_249 = vector.shape_cast %broadcast_in_dim3A_242 : vector<16xf32> to vector<1x1x16xf32>
      tpu.vector_store %arg9[%swap3A_244, %swap3A_245, %swap3A_246], %swap3A_249 {strides = array<i32>} : memref<2x128x128xf32, #tpu.memory_space<vmem>>, vector<1x1x16xf32>,
      %broadcast_in_dim3A_250 = arith.constant 0.000000e+00 : f32
      %broadcast_in_dim3A_251 = vector.broadcast %broadcast_in_dim3A_250 : f32 to vector<16xf32>
      %swap3A_252 = arith.constant 0 : i32
      %swap3A_253 = arith.index_cast %swap3A_252 : i32 to index
      %swap3A_254 = arith.index_cast %scan3A_195 : i32 to index
      %swap3A_255 = arith.constant 96 : index
      %swap3A_256 = tpu.vector_load %arg9[%swap3A_253, %swap3A_254, %swap3A_255] {strides = array<i32>} : memref<2x128x128xf32, #tpu.memory_space<vmem>>, vector<1x1x16xf32>,
      %swap3A_257 = vector.shape_cast %swap3A_256 : vector<1x1x16xf32> to vector<16xf32>
      %swap3A_258 = vector.shape_cast %broadcast_in_dim3A_251 : vector<16xf32> to vector<1x1x16xf32>
      tpu.vector_store %arg9[%swap3A_253, %swap3A_254, %swap3A_255], %swap3A_258 {strides = array<i32>} : memref<2x128x128xf32, #tpu.memory_space<vmem>>, vector<1x1x16xf32>,
      %broadcast_in_dim3A_259 = arith.constant 0.000000e+00 : f32
      %broadcast_in_dim3A_260 = vector.broadcast %broadcast_in_dim3A_259 : f32 to vector<16xf32>
      %swap3A_261 = arith.constant 0 : i32
      %swap3A_262 = arith.index_cast %swap3A_261 : i32 to index
      %swap3A_263 = arith.index_cast %scan3A_195 : i32 to index
      %swap3A_264 = arith.constant 112 : index
      %swap3A_265 = tpu.vector_load %arg9[%swap3A_262, %swap3A_263, %swap3A_264] {strides = array<i32>} : memref<2x128x128xf32, #tpu.memory_space<vmem>>, vector<1x1x16xf32>,
      %swap3A_266 = vector.shape_cast %swap3A_265 : vector<1x1x16xf32> to vector<16xf32>
      %swap3A_267 = vector.shape_cast %broadcast_in_dim3A_260 : vector<16xf32> to vector<1x1x16xf32>
      tpu.vector_store %arg9[%swap3A_262, %swap3A_263, %swap3A_264], %swap3A_267 {strides = array<i32>} : memref<2x128x128xf32, #tpu.memory_space<vmem>>, vector<1x1x16xf32>,
    }
    %scan3A_4 = arith.constant 128 : i32
    %mul3A = arith.constant 640 : i32
    %mul3A_5 = arith.muli %arg1, %mul3A : i32
    %add3A = arith.constant 0 : i32
    %add3A_6 = arith.addi %mul3A_5, %add3A : i32
    %run_scoped3A = arith.constant 0 : i32
    "tpu.region"() ({
      %run_scoped3A_195 = tpu.sem_alloc : memref<!tpu.dma_semaphore, #tpu.memory_space<semaphore_mem>>
      %dma_start3A_196 = arith.constant 0 : i32
      %dma_start3A_197 = arith.constant 0 : i32
      %dma_start3A_198 = tpu.memref_slice %arg9[%run_scoped3A, %dma_start3A_196, %dma_start3A_197] : memref<2x128x128xf32, #tpu.memory_space<vmem>> -> memref<1x128x128xf32, #tpu.memory_space<vmem>>
      %dma_start3A_199 = tpu.memref_squeeze %dma_start3A_198 : memref<1x128x128xf32, #tpu.memory_space<vmem>> -> memref<128x128xf32, #tpu.memory_space<vmem>>
      %dma_start3A_200 = arith.constant 0 : i32
      %dma_start3A_201 = tpu.memref_slice %arg10[%add3A_6, %dma_start3A_200] : memref<10240x128xf32, #tpu.memory_space<vmem_shared>> -> memref<128x128xf32, #tpu.memory_space<vmem_shared>>
      %dma_start3A_202 = arith.constant 0 : i32
      %dma_start3A_203 = tpu.memref_slice %arg10[%add3A_6, %dma_start3A_202] : memref<10240x128xf32, #tpu.memory_space<vmem_shared>> -> memref<128x128xf32, #tpu.memory_space<vmem_shared>>
      %dma_start3A_204 = arith.constant 0 : i32
      %dma_start3A_205 = arith.constant 0 : i32
      %dma_start3A_206 = tpu.memref_slice %arg9[%run_scoped3A, %dma_start3A_204, %dma_start3A_205] : memref<2x128x128xf32, #tpu.memory_space<vmem>> -> memref<1x128x128xf32, #tpu.memory_space<vmem>>
      %dma_start3A_207 = tpu.memref_squeeze %dma_start3A_206 : memref<1x128x128xf32, #tpu.memory_space<vmem>> -> memref<128x128xf32, #tpu.memory_space<vmem>>
      tpu.enqueue_dma source(%dma_start3A_207 : memref<128x128xf32, #tpu.memory_space<vmem>>) target(%dma_start3A_203 : memref<128x128xf32, #tpu.memory_space<vmem_shared>>) target_semaphore(%run_scoped3A_195 : memref<!tpu.dma_semaphore, #tpu.memory_space<semaphore_mem>>)
      %dma_wait3A = arith.constant 0 : i32
      %dma_wait3A_208 = arith.constant 0 : i32
      %dma_wait3A_209 = tpu.memref_slice %arg9[%run_scoped3A, %dma_wait3A, %dma_wait3A_208] : memref<2x128x128xf32, #tpu.memory_space<vmem>> -> memref<1x128x128xf32, #tpu.memory_space<vmem>>
      %dma_wait3A_210 = tpu.memref_squeeze %dma_wait3A_209 : memref<1x128x128xf32, #tpu.memory_space<vmem>> -> memref<128x128xf32, #tpu.memory_space<vmem>>
      %dma_wait3A_211 = arith.constant 0 : i32
      %dma_wait3A_212 = tpu.memref_slice %arg10[%add3A_6, %dma_wait3A_211] : memref<10240x128xf32, #tpu.memory_space<vmem_shared>> -> memref<128x128xf32, #tpu.memory_space<vmem_shared>>
      %dma_wait3A_213 = arith.constant 0 : i32
      %dma_wait3A_214 = tpu.memref_slice %arg10[%add3A_6, %dma_wait3A_213] : memref<10240x128xf32, #tpu.memory_space<vmem_shared>> -> memref<128x128xf32, #tpu.memory_space<vmem_shared>>
      %dma_wait3A_215 = arith.constant 0 : i32
      %dma_wait3A_216 = arith.constant 0 : i32
      %dma_wait3A_217 = tpu.memref_slice %arg9[%run_scoped3A, %dma_wait3A_215, %dma_wait3A_216] : memref<2x128x128xf32, #tpu.memory_space<vmem>> -> memref<1x128x128xf32, #tpu.memory_space<vmem>>
      %dma_wait3A_218 = tpu.memref_squeeze %dma_wait3A_217 : memref<1x128x128xf32, #tpu.memory_space<vmem>> -> memref<128x128xf32, #tpu.memory_space<vmem>>
      tpu.wait_dma2 semaphore(%run_scoped3A_195 : memref<!tpu.dma_semaphore, #tpu.memory_space<semaphore_mem>>) src(%dma_wait3A_218 : memref<128x128xf32, #tpu.memory_space<vmem>>) dst(%dma_wait3A_214 : memref<128x128xf32, #tpu.memory_space<vmem_shared>>)
      tpu.yield
    }) : () -> ()
    %mul3A_7 = arith.constant 640 : i32
    %mul3A_8 = arith.muli %arg1, %mul3A_7 : i32
    %add3A_9 = arith.constant 128 : i32
    %add3A_10 = arith.addi %mul3A_8, %add3A_9 : i32
    %run_scoped3A_11 = arith.constant 0 : i32
    "tpu.region"() ({
      %run_scoped3A_195 = tpu.sem_alloc : memref<!tpu.dma_semaphore, #tpu.memory_space<semaphore_mem>>
      %dma_start3A_196 = arith.constant 0 : i32
      %dma_start3A_197 = arith.constant 0 : i32
      %dma_start3A_198 = tpu.memref_slice %arg9[%run_scoped3A_11, %dma_start3A_196, %dma_start3A_197] : memref<2x128x128xf32, #tpu.memory_space<vmem>> -> memref<1x128x128xf32, #tpu.memory_space<vmem>>
      %dma_start3A_199 = tpu.memref_squeeze %dma_start3A_198 : memref<1x128x128xf32, #tpu.memory_space<vmem>> -> memref<128x128xf32, #tpu.memory_space<vmem>>
      %dma_start3A_200 = arith.constant 0 : i32
      %dma_start3A_201 = tpu.memref_slice %arg10[%add3A_10, %dma_start3A_200] : memref<10240x128xf32, #tpu.memory_space<vmem_shared>> -> memref<128x128xf32, #tpu.memory_space<vmem_shared>>
      %dma_start3A_202 = arith.constant 0 : i32
      %dma_start3A_203 = tpu.memref_slice %arg10[%add3A_10, %dma_start3A_202] : memref<10240x128xf32, #tpu.memory_space<vmem_shared>> -> memref<128x128xf32, #tpu.memory_space<vmem_shared>>
      %dma_start3A_204 = arith.constant 0 : i32
      %dma_start3A_205 = arith.constant 0 : i32
      %dma_start3A_206 = tpu.memref_slice %arg9[%run_scoped3A_11, %dma_start3A_204, %dma_start3A_205] : memref<2x128x128xf32, #tpu.memory_space<vmem>> -> memref<1x128x128xf32, #tpu.memory_space<vmem>>
      %dma_start3A_207 = tpu.memref_squeeze %dma_start3A_206 : memref<1x128x128xf32, #tpu.memory_space<vmem>> -> memref<128x128xf32, #tpu.memory_space<vmem>>
      tpu.enqueue_dma source(%dma_start3A_207 : memref<128x128xf32, #tpu.memory_space<vmem>>) target(%dma_start3A_203 : memref<128x128xf32, #tpu.memory_space<vmem_shared>>) target_semaphore(%run_scoped3A_195 : memref<!tpu.dma_semaphore, #tpu.memory_space<semaphore_mem>>)
      %dma_wait3A = arith.constant 0 : i32
      %dma_wait3A_208 = arith.constant 0 : i32
      %dma_wait3A_209 = tpu.memref_slice %arg9[%run_scoped3A_11, %dma_wait3A, %dma_wait3A_208] : memref<2x128x128xf32, #tpu.memory_space<vmem>> -> memref<1x128x128xf32, #tpu.memory_space<vmem>>
      %dma_wait3A_210 = tpu.memref_squeeze %dma_wait3A_209 : memref<1x128x128xf32, #tpu.memory_space<vmem>> -> memref<128x128xf32, #tpu.memory_space<vmem>>
      %dma_wait3A_211 = arith.constant 0 : i32
      %dma_wait3A_212 = tpu.memref_slice %arg10[%add3A_10, %dma_wait3A_211] : memref<10240x128xf32, #tpu.memory_space<vmem_shared>> -> memref<128x128xf32, #tpu.memory_space<vmem_shared>>
      %dma_wait3A_213 = arith.constant 0 : i32
      %dma_wait3A_214 = tpu.memref_slice %arg10[%add3A_10, %dma_wait3A_213] : memref<10240x128xf32, #tpu.memory_space<vmem_shared>> -> memref<128x128xf32, #tpu.memory_space<vmem_shared>>
      %dma_wait3A_215 = arith.constant 0 : i32
      %dma_wait3A_216 = arith.constant 0 : i32
      %dma_wait3A_217 = tpu.memref_slice %arg9[%run_scoped3A_11, %dma_wait3A_215, %dma_wait3A_216] : memref<2x128x128xf32, #tpu.memory_space<vmem>> -> memref<1x128x128xf32, #tpu.memory_space<vmem>>
      %dma_wait3A_218 = tpu.memref_squeeze %dma_wait3A_217 : memref<1x128x128xf32, #tpu.memory_space<vmem>> -> memref<128x128xf32, #tpu.memory_space<vmem>>
      tpu.wait_dma2 semaphore(%run_scoped3A_195 : memref<!tpu.dma_semaphore, #tpu.memory_space<semaphore_mem>>) src(%dma_wait3A_218 : memref<128x128xf32, #tpu.memory_space<vmem>>) dst(%dma_wait3A_214 : memref<128x128xf32, #tpu.memory_space<vmem_shared>>)
      tpu.yield
    }) : () -> ()
    %mul3A_12 = arith.constant 640 : i32
    %mul3A_13 = arith.muli %arg1, %mul3A_12 : i32
    %add3A_14 = arith.constant 256 : i32
    %add3A_15 = arith.addi %mul3A_13, %add3A_14 : i32
    %run_scoped3A_16 = arith.constant 0 : i32
    "tpu.region"() ({
      %run_scoped3A_195 = tpu.sem_alloc : memref<!tpu.dma_semaphore, #tpu.memory_space<semaphore_mem>>
      %dma_start3A_196 = arith.constant 0 : i32
      %dma_start3A_197 = arith.constant 0 : i32
      %dma_start3A_198 = tpu.memref_slice %arg9[%run_scoped3A_16, %dma_start3A_196, %dma_start3A_197] : memref<2x128x128xf32, #tpu.memory_space<vmem>> -> memref<1x128x128xf32, #tpu.memory_space<vmem>>
      %dma_start3A_199 = tpu.memref_squeeze %dma_start3A_198 : memref<1x128x128xf32, #tpu.memory_space<vmem>> -> memref<128x128xf32, #tpu.memory_space<vmem>>
      %dma_start3A_200 = arith.constant 0 : i32
      %dma_start3A_201 = tpu.memref_slice %arg10[%add3A_15, %dma_start3A_200] : memref<10240x128xf32, #tpu.memory_space<vmem_shared>> -> memref<128x128xf32, #tpu.memory_space<vmem_shared>>
      %dma_start3A_202 = arith.constant 0 : i32
      %dma_start3A_203 = tpu.memref_slice %arg10[%add3A_15, %dma_start3A_202] : memref<10240x128xf32, #tpu.memory_space<vmem_shared>> -> memref<128x128xf32, #tpu.memory_space<vmem_shared>>
      %dma_start3A_204 = arith.constant 0 : i32
      %dma_start3A_205 = arith.constant 0 : i32
      %dma_start3A_206 = tpu.memref_slice %arg9[%run_scoped3A_16, %dma_start3A_204, %dma_start3A_205] : memref<2x128x128xf32, #tpu.memory_space<vmem>> -> memref<1x128x128xf32, #tpu.memory_space<vmem>>
      %dma_start3A_207 = tpu.memref_squeeze %dma_start3A_206 : memref<1x128x128xf32, #tpu.memory_space<vmem>> -> memref<128x128xf32, #tpu.memory_space<vmem>>
      tpu.enqueue_dma source(%dma_start3A_207 : memref<128x128xf32, #tpu.memory_space<vmem>>) target(%dma_start3A_203 : memref<128x128xf32, #tpu.memory_space<vmem_shared>>) target_semaphore(%run_scoped3A_195 : memref<!tpu.dma_semaphore, #tpu.memory_space<semaphore_mem>>)
      %dma_wait3A = arith.constant 0 : i32
      %dma_wait3A_208 = arith.constant 0 : i32
      %dma_wait3A_209 = tpu.memref_slice %arg9[%run_scoped3A_16, %dma_wait3A, %dma_wait3A_208] : memref<2x128x128xf32, #tpu.memory_space<vmem>> -> memref<1x128x128xf32, #tpu.memory_space<vmem>>
      %dma_wait3A_210 = tpu.memref_squeeze %dma_wait3A_209 : memref<1x128x128xf32, #tpu.memory_space<vmem>> -> memref<128x128xf32, #tpu.memory_space<vmem>>
      %dma_wait3A_211 = arith.constant 0 : i32
      %dma_wait3A_212 = tpu.memref_slice %arg10[%add3A_15, %dma_wait3A_211] : memref<10240x128xf32, #tpu.memory_space<vmem_shared>> -> memref<128x128xf32, #tpu.memory_space<vmem_shared>>
      %dma_wait3A_213 = arith.constant 0 : i32
      %dma_wait3A_214 = tpu.memref_slice %arg10[%add3A_15, %dma_wait3A_213] : memref<10240x128xf32, #tpu.memory_space<vmem_shared>> -> memref<128x128xf32, #tpu.memory_space<vmem_shared>>
      %dma_wait3A_215 = arith.constant 0 : i32
      %dma_wait3A_216 = arith.constant 0 : i32
      %dma_wait3A_217 = tpu.memref_slice %arg9[%run_scoped3A_16, %dma_wait3A_215, %dma_wait3A_216] : memref<2x128x128xf32, #tpu.memory_space<vmem>> -> memref<1x128x128xf32, #tpu.memory_space<vmem>>
      %dma_wait3A_218 = tpu.memref_squeeze %dma_wait3A_217 : memref<1x128x128xf32, #tpu.memory_space<vmem>> -> memref<128x128xf32, #tpu.memory_space<vmem>>
      tpu.wait_dma2 semaphore(%run_scoped3A_195 : memref<!tpu.dma_semaphore, #tpu.memory_space<semaphore_mem>>) src(%dma_wait3A_218 : memref<128x128xf32, #tpu.memory_space<vmem>>) dst(%dma_wait3A_214 : memref<128x128xf32, #tpu.memory_space<vmem_shared>>)
      tpu.yield
    }) : () -> ()
    %mul3A_17 = arith.constant 640 : i32
    %mul3A_18 = arith.muli %arg1, %mul3A_17 : i32
    %add3A_19 = arith.constant 384 : i32
    %add3A_20 = arith.addi %mul3A_18, %add3A_19 : i32
    %run_scoped3A_21 = arith.constant 0 : i32
    "tpu.region"() ({
      %run_scoped3A_195 = tpu.sem_alloc : memref<!tpu.dma_semaphore, #tpu.memory_space<semaphore_mem>>
      %dma_start3A_196 = arith.constant 0 : i32
      %dma_start3A_197 = arith.constant 0 : i32
      %dma_start3A_198 = tpu.memref_slice %arg9[%run_scoped3A_21, %dma_start3A_196, %dma_start3A_197] : memref<2x128x128xf32, #tpu.memory_space<vmem>> -> memref<1x128x128xf32, #tpu.memory_space<vmem>>
      %dma_start3A_199 = tpu.memref_squeeze %dma_start3A_198 : memref<1x128x128xf32, #tpu.memory_space<vmem>> -> memref<128x128xf32, #tpu.memory_space<vmem>>
      %dma_start3A_200 = arith.constant 0 : i32
      %dma_start3A_201 = tpu.memref_slice %arg10[%add3A_20, %dma_start3A_200] : memref<10240x128xf32, #tpu.memory_space<vmem_shared>> -> memref<128x128xf32, #tpu.memory_space<vmem_shared>>
      %dma_start3A_202 = arith.constant 0 : i32
      %dma_start3A_203 = tpu.memref_slice %arg10[%add3A_20, %dma_start3A_202] : memref<10240x128xf32, #tpu.memory_space<vmem_shared>> -> memref<128x128xf32, #tpu.memory_space<vmem_shared>>
      %dma_start3A_204 = arith.constant 0 : i32
      %dma_start3A_205 = arith.constant 0 : i32
      %dma_start3A_206 = tpu.memref_slice %arg9[%run_scoped3A_21, %dma_start3A_204, %dma_start3A_205] : memref<2x128x128xf32, #tpu.memory_space<vmem>> -> memref<1x128x128xf32, #tpu.memory_space<vmem>>
      %dma_start3A_207 = tpu.memref_squeeze %dma_start3A_206 : memref<1x128x128xf32, #tpu.memory_space<vmem>> -> memref<128x128xf32, #tpu.memory_space<vmem>>
      tpu.enqueue_dma source(%dma_start3A_207 : memref<128x128xf32, #tpu.memory_space<vmem>>) target(%dma_start3A_203 : memref<128x128xf32, #tpu.memory_space<vmem_shared>>) target_semaphore(%run_scoped3A_195 : memref<!tpu.dma_semaphore, #tpu.memory_space<semaphore_mem>>)
      %dma_wait3A = arith.constant 0 : i32
      %dma_wait3A_208 = arith.constant 0 : i32
      %dma_wait3A_209 = tpu.memref_slice %arg9[%run_scoped3A_21, %dma_wait3A, %dma_wait3A_208] : memref<2x128x128xf32, #tpu.memory_space<vmem>> -> memref<1x128x128xf32, #tpu.memory_space<vmem>>
      %dma_wait3A_210 = tpu.memref_squeeze %dma_wait3A_209 : memref<1x128x128xf32, #tpu.memory_space<vmem>> -> memref<128x128xf32, #tpu.memory_space<vmem>>
      %dma_wait3A_211 = arith.constant 0 : i32
      %dma_wait3A_212 = tpu.memref_slice %arg10[%add3A_20, %dma_wait3A_211] : memref<10240x128xf32, #tpu.memory_space<vmem_shared>> -> memref<128x128xf32, #tpu.memory_space<vmem_shared>>
      %dma_wait3A_213 = arith.constant 0 : i32
      %dma_wait3A_214 = tpu.memref_slice %arg10[%add3A_20, %dma_wait3A_213] : memref<10240x128xf32, #tpu.memory_space<vmem_shared>> -> memref<128x128xf32, #tpu.memory_space<vmem_shared>>
      %dma_wait3A_215 = arith.constant 0 : i32
      %dma_wait3A_216 = arith.constant 0 : i32
      %dma_wait3A_217 = tpu.memref_slice %arg9[%run_scoped3A_21, %dma_wait3A_215, %dma_wait3A_216] : memref<2x128x128xf32, #tpu.memory_space<vmem>> -> memref<1x128x128xf32, #tpu.memory_space<vmem>>
      %dma_wait3A_218 = tpu.memref_squeeze %dma_wait3A_217 : memref<1x128x128xf32, #tpu.memory_space<vmem>> -> memref<128x128xf32, #tpu.memory_space<vmem>>
      tpu.wait_dma2 semaphore(%run_scoped3A_195 : memref<!tpu.dma_semaphore, #tpu.memory_space<semaphore_mem>>) src(%dma_wait3A_218 : memref<128x128xf32, #tpu.memory_space<vmem>>) dst(%dma_wait3A_214 : memref<128x128xf32, #tpu.memory_space<vmem_shared>>)
      tpu.yield
    }) : () -> ()
    %mul3A_22 = arith.constant 640 : i32
    %mul3A_23 = arith.muli %arg1, %mul3A_22 : i32
    %add3A_24 = arith.constant 512 : i32
    %add3A_25 = arith.addi %mul3A_23, %add3A_24 : i32
    %run_scoped3A_26 = arith.constant 0 : i32
    "tpu.region"() ({
      %run_scoped3A_195 = tpu.sem_alloc : memref<!tpu.dma_semaphore, #tpu.memory_space<semaphore_mem>>
      %dma_start3A_196 = arith.constant 0 : i32
      %dma_start3A_197 = arith.constant 0 : i32
      %dma_start3A_198 = tpu.memref_slice %arg9[%run_scoped3A_26, %dma_start3A_196, %dma_start3A_197] : memref<2x128x128xf32, #tpu.memory_space<vmem>> -> memref<1x128x128xf32, #tpu.memory_space<vmem>>
      %dma_start3A_199 = tpu.memref_squeeze %dma_start3A_198 : memref<1x128x128xf32, #tpu.memory_space<vmem>> -> memref<128x128xf32, #tpu.memory_space<vmem>>
      %dma_start3A_200 = arith.constant 0 : i32
      %dma_start3A_201 = tpu.memref_slice %arg10[%add3A_25, %dma_start3A_200] : memref<10240x128xf32, #tpu.memory_space<vmem_shared>> -> memref<128x128xf32, #tpu.memory_space<vmem_shared>>
      %dma_start3A_202 = arith.constant 0 : i32
      %dma_start3A_203 = tpu.memref_slice %arg10[%add3A_25, %dma_start3A_202] : memref<10240x128xf32, #tpu.memory_space<vmem_shared>> -> memref<128x128xf32, #tpu.memory_space<vmem_shared>>
      %dma_start3A_204 = arith.constant 0 : i32
      %dma_start3A_205 = arith.constant 0 : i32
      %dma_start3A_206 = tpu.memref_slice %arg9[%run_scoped3A_26, %dma_start3A_204, %dma_start3A_205] : memref<2x128x128xf32, #tpu.memory_space<vmem>> -> memref<1x128x128xf32, #tpu.memory_space<vmem>>
      %dma_start3A_207 = tpu.memref_squeeze %dma_start3A_206 : memref<1x128x128xf32, #tpu.memory_space<vmem>> -> memref<128x128xf32, #tpu.memory_space<vmem>>
      tpu.enqueue_dma source(%dma_start3A_207 : memref<128x128xf32, #tpu.memory_space<vmem>>) target(%dma_start3A_203 : memref<128x128xf32, #tpu.memory_space<vmem_shared>>) target_semaphore(%run_scoped3A_195 : memref<!tpu.dma_semaphore, #tpu.memory_space<semaphore_mem>>)
      %dma_wait3A = arith.constant 0 : i32
      %dma_wait3A_208 = arith.constant 0 : i32
      %dma_wait3A_209 = tpu.memref_slice %arg9[%run_scoped3A_26, %dma_wait3A, %dma_wait3A_208] : memref<2x128x128xf32, #tpu.memory_space<vmem>> -> memref<1x128x128xf32, #tpu.memory_space<vmem>>
      %dma_wait3A_210 = tpu.memref_squeeze %dma_wait3A_209 : memref<1x128x128xf32, #tpu.memory_space<vmem>> -> memref<128x128xf32, #tpu.memory_space<vmem>>
      %dma_wait3A_211 = arith.constant 0 : i32
      %dma_wait3A_212 = tpu.memref_slice %arg10[%add3A_25, %dma_wait3A_211] : memref<10240x128xf32, #tpu.memory_space<vmem_shared>> -> memref<128x128xf32, #tpu.memory_space<vmem_shared>>
      %dma_wait3A_213 = arith.constant 0 : i32
      %dma_wait3A_214 = tpu.memref_slice %arg10[%add3A_25, %dma_wait3A_213] : memref<10240x128xf32, #tpu.memory_space<vmem_shared>> -> memref<128x128xf32, #tpu.memory_space<vmem_shared>>
      %dma_wait3A_215 = arith.constant 0 : i32
      %dma_wait3A_216 = arith.constant 0 : i32
      %dma_wait3A_217 = tpu.memref_slice %arg9[%run_scoped3A_26, %dma_wait3A_215, %dma_wait3A_216] : memref<2x128x128xf32, #tpu.memory_space<vmem>> -> memref<1x128x128xf32, #tpu.memory_space<vmem>>
      %dma_wait3A_218 = tpu.memref_squeeze %dma_wait3A_217 : memref<1x128x128xf32, #tpu.memory_space<vmem>> -> memref<128x128xf32, #tpu.memory_space<vmem>>
      tpu.wait_dma2 semaphore(%run_scoped3A_195 : memref<!tpu.dma_semaphore, #tpu.memory_space<semaphore_mem>>) src(%dma_wait3A_218 : memref<128x128xf32, #tpu.memory_space<vmem>>) dst(%dma_wait3A_214 : memref<128x128xf32, #tpu.memory_space<vmem_shared>>)
      tpu.yield
    }) : () -> ()
    %mul3A_27 = arith.constant 640 : i32
    %mul3A_28 = arith.muli %arg1, %mul3A_27 : i32
    %add3A_29 = arith.constant 0 : i32
    %add3A_30 = arith.addi %mul3A_28, %add3A_29 : i32
    %run_scoped3A_31 = arith.constant 0 : i32
    %run_scoped3A_32 = arith.constant 0 : i32
    "tpu.region"() ({
      %run_scoped3A_195 = tpu.sem_alloc : memref<!tpu.dma_semaphore, #tpu.memory_space<semaphore_mem>>
      %dma_start3A_196 = arith.constant 0 : i32
      %dma_start3A_197 = tpu.memref_slice %arg9[%run_scoped3A_31, %run_scoped3A_32, %dma_start3A_196] : memref<2x128x128xf32, #tpu.memory_space<vmem>> -> memref<1x1x128xf32, #tpu.memory_space<vmem>>
      %dma_start3A_198 = tpu.memref_squeeze %dma_start3A_197 : memref<1x1x128xf32, #tpu.memory_space<vmem>> -> memref<128xf32, #tpu.memory_space<vmem>>
      %dma_start3A_199 = tpu.memref_slice %arg14[%add3A_30] : memref<10240xf32, #tpu.memory_space<vmem_shared>> -> memref<128xf32, #tpu.memory_space<vmem_shared>>
      %dma_start3A_200 = tpu.memref_slice %arg14[%add3A_30] : memref<10240xf32, #tpu.memory_space<vmem_shared>> -> memref<128xf32, #tpu.memory_space<vmem_shared>>
      %dma_start3A_201 = arith.constant 0 : i32
      %dma_start3A_202 = tpu.memref_slice %arg9[%run_scoped3A_31, %run_scoped3A_32, %dma_start3A_201] : memref<2x128x128xf32, #tpu.memory_space<vmem>> -> memref<1x1x128xf32, #tpu.memory_space<vmem>>
      %dma_start3A_203 = tpu.memref_squeeze %dma_start3A_202 : memref<1x1x128xf32, #tpu.memory_space<vmem>> -> memref<128xf32, #tpu.memory_space<vmem>>
      tpu.enqueue_dma source(%dma_start3A_203 : memref<128xf32, #tpu.memory_space<vmem>>) target(%dma_start3A_200 : memref<128xf32, #tpu.memory_space<vmem_shared>>) target_semaphore(%run_scoped3A_195 : memref<!tpu.dma_semaphore, #tpu.memory_space<semaphore_mem>>)
      %dma_wait3A = arith.constant 0 : i32
      %dma_wait3A_204 = tpu.memref_slice %arg9[%run_scoped3A_31, %run_scoped3A_32, %dma_wait3A] : memref<2x128x128xf32, #tpu.memory_space<vmem>> -> memref<1x1x128xf32, #tpu.memory_space<vmem>>
      %dma_wait3A_205 = tpu.memref_squeeze %dma_wait3A_204 : memref<1x1x128xf32, #tpu.memory_space<vmem>> -> memref<128xf32, #tpu.memory_space<vmem>>
      %dma_wait3A_206 = tpu.memref_slice %arg14[%add3A_30] : memref<10240xf32, #tpu.memory_space<vmem_shared>> -> memref<128xf32, #tpu.memory_space<vmem_shared>>
      %dma_wait3A_207 = tpu.memref_slice %arg14[%add3A_30] : memref<10240xf32, #tpu.memory_space<vmem_shared>> -> memref<128xf32, #tpu.memory_space<vmem_shared>>
      %dma_wait3A_208 = arith.constant 0 : i32
      %dma_wait3A_209 = tpu.memref_slice %arg9[%run_scoped3A_31, %run_scoped3A_32, %dma_wait3A_208] : memref<2x128x128xf32, #tpu.memory_space<vmem>> -> memref<1x1x128xf32, #tpu.memory_space<vmem>>
      %dma_wait3A_210 = tpu.memref_squeeze %dma_wait3A_209 : memref<1x1x128xf32, #tpu.memory_space<vmem>> -> memref<128xf32, #tpu.memory_space<vmem>>
      tpu.wait_dma2 semaphore(%run_scoped3A_195 : memref<!tpu.dma_semaphore, #tpu.memory_space<semaphore_mem>>) src(%dma_wait3A_210 : memref<128xf32, #tpu.memory_space<vmem>>) dst(%dma_wait3A_207 : memref<128xf32, #tpu.memory_space<vmem_shared>>)
      tpu.yield
    }) : () -> ()
    %mul3A_33 = arith.constant 640 : i32
    %mul3A_34 = arith.muli %arg1, %mul3A_33 : i32
    %add3A_35 = arith.constant 128 : i32
    %add3A_36 = arith.addi %mul3A_34, %add3A_35 : i32
    %run_scoped3A_37 = arith.constant 0 : i32
    %run_scoped3A_38 = arith.constant 0 : i32
    "tpu.region"() ({
      %run_scoped3A_195 = tpu.sem_alloc : memref<!tpu.dma_semaphore, #tpu.memory_space<semaphore_mem>>
      %dma_start3A_196 = arith.constant 0 : i32
      %dma_start3A_197 = tpu.memref_slice %arg9[%run_scoped3A_37, %run_scoped3A_38, %dma_start3A_196] : memref<2x128x128xf32, #tpu.memory_space<vmem>> -> memref<1x1x128xf32, #tpu.memory_space<vmem>>
      %dma_start3A_198 = tpu.memref_squeeze %dma_start3A_197 : memref<1x1x128xf32, #tpu.memory_space<vmem>> -> memref<128xf32, #tpu.memory_space<vmem>>
      %dma_start3A_199 = tpu.memref_slice %arg14[%add3A_36] : memref<10240xf32, #tpu.memory_space<vmem_shared>> -> memref<128xf32, #tpu.memory_space<vmem_shared>>
      %dma_start3A_200 = tpu.memref_slice %arg14[%add3A_36] : memref<10240xf32, #tpu.memory_space<vmem_shared>> -> memref<128xf32, #tpu.memory_space<vmem_shared>>
      %dma_start3A_201 = arith.constant 0 : i32
      %dma_start3A_202 = tpu.memref_slice %arg9[%run_scoped3A_37, %run_scoped3A_38, %dma_start3A_201] : memref<2x128x128xf32, #tpu.memory_space<vmem>> -> memref<1x1x128xf32, #tpu.memory_space<vmem>>
      %dma_start3A_203 = tpu.memref_squeeze %dma_start3A_202 : memref<1x1x128xf32, #tpu.memory_space<vmem>> -> memref<128xf32, #tpu.memory_space<vmem>>
      tpu.enqueue_dma source(%dma_start3A_203 : memref<128xf32, #tpu.memory_space<vmem>>) target(%dma_start3A_200 : memref<128xf32, #tpu.memory_space<vmem_shared>>) target_semaphore(%run_scoped3A_195 : memref<!tpu.dma_semaphore, #tpu.memory_space<semaphore_mem>>)
      %dma_wait3A = arith.constant 0 : i32
      %dma_wait3A_204 = tpu.memref_slice %arg9[%run_scoped3A_37, %run_scoped3A_38, %dma_wait3A] : memref<2x128x128xf32, #tpu.memory_space<vmem>> -> memref<1x1x128xf32, #tpu.memory_space<vmem>>
      %dma_wait3A_205 = tpu.memref_squeeze %dma_wait3A_204 : memref<1x1x128xf32, #tpu.memory_space<vmem>> -> memref<128xf32, #tpu.memory_space<vmem>>
      %dma_wait3A_206 = tpu.memref_slice %arg14[%add3A_36] : memref<10240xf32, #tpu.memory_space<vmem_shared>> -> memref<128xf32, #tpu.memory_space<vmem_shared>>
      %dma_wait3A_207 = tpu.memref_slice %arg14[%add3A_36] : memref<10240xf32, #tpu.memory_space<vmem_shared>> -> memref<128xf32, #tpu.memory_space<vmem_shared>>
      %dma_wait3A_208 = arith.constant 0 : i32
      %dma_wait3A_209 = tpu.memref_slice %arg9[%run_scoped3A_37, %run_scoped3A_38, %dma_wait3A_208] : memref<2x128x128xf32, #tpu.memory_space<vmem>> -> memref<1x1x128xf32, #tpu.memory_space<vmem>>
      %dma_wait3A_210 = tpu.memref_squeeze %dma_wait3A_209 : memref<1x1x128xf32, #tpu.memory_space<vmem>> -> memref<128xf32, #tpu.memory_space<vmem>>
      tpu.wait_dma2 semaphore(%run_scoped3A_195 : memref<!tpu.dma_semaphore, #tpu.memory_space<semaphore_mem>>) src(%dma_wait3A_210 : memref<128xf32, #tpu.memory_space<vmem>>) dst(%dma_wait3A_207 : memref<128xf32, #tpu.memory_space<vmem_shared>>)
      tpu.yield
    }) : () -> ()
    %mul3A_39 = arith.constant 640 : i32
    %mul3A_40 = arith.muli %arg1, %mul3A_39 : i32
    %add3A_41 = arith.constant 256 : i32
    %add3A_42 = arith.addi %mul3A_40, %add3A_41 : i32
    %run_scoped3A_43 = arith.constant 0 : i32
    %run_scoped3A_44 = arith.constant 0 : i32
    "tpu.region"() ({
      %run_scoped3A_195 = tpu.sem_alloc : memref<!tpu.dma_semaphore, #tpu.memory_space<semaphore_mem>>
      %dma_start3A_196 = arith.constant 0 : i32
      %dma_start3A_197 = tpu.memref_slice %arg9[%run_scoped3A_43, %run_scoped3A_44, %dma_start3A_196] : memref<2x128x128xf32, #tpu.memory_space<vmem>> -> memref<1x1x128xf32, #tpu.memory_space<vmem>>
      %dma_start3A_198 = tpu.memref_squeeze %dma_start3A_197 : memref<1x1x128xf32, #tpu.memory_space<vmem>> -> memref<128xf32, #tpu.memory_space<vmem>>
      %dma_start3A_199 = tpu.memref_slice %arg14[%add3A_42] : memref<10240xf32, #tpu.memory_space<vmem_shared>> -> memref<128xf32, #tpu.memory_space<vmem_shared>>
      %dma_start3A_200 = tpu.memref_slice %arg14[%add3A_42] : memref<10240xf32, #tpu.memory_space<vmem_shared>> -> memref<128xf32, #tpu.memory_space<vmem_shared>>
      %dma_start3A_201 = arith.constant 0 : i32
      %dma_start3A_202 = tpu.memref_slice %arg9[%run_scoped3A_43, %run_scoped3A_44, %dma_start3A_201] : memref<2x128x128xf32, #tpu.memory_space<vmem>> -> memref<1x1x128xf32, #tpu.memory_space<vmem>>
      %dma_start3A_203 = tpu.memref_squeeze %dma_start3A_202 : memref<1x1x128xf32, #tpu.memory_space<vmem>> -> memref<128xf32, #tpu.memory_space<vmem>>
      tpu.enqueue_dma source(%dma_start3A_203 : memref<128xf32, #tpu.memory_space<vmem>>) target(%dma_start3A_200 : memref<128xf32, #tpu.memory_space<vmem_shared>>) target_semaphore(%run_scoped3A_195 : memref<!tpu.dma_semaphore, #tpu.memory_space<semaphore_mem>>)
      %dma_wait3A = arith.constant 0 : i32
      %dma_wait3A_204 = tpu.memref_slice %arg9[%run_scoped3A_43, %run_scoped3A_44, %dma_wait3A] : memref<2x128x128xf32, #tpu.memory_space<vmem>> -> memref<1x1x128xf32, #tpu.memory_space<vmem>>
      %dma_wait3A_205 = tpu.memref_squeeze %dma_wait3A_204 : memref<1x1x128xf32, #tpu.memory_space<vmem>> -> memref<128xf32, #tpu.memory_space<vmem>>
      %dma_wait3A_206 = tpu.memref_slice %arg14[%add3A_42] : memref<10240xf32, #tpu.memory_space<vmem_shared>> -> memref<128xf32, #tpu.memory_space<vmem_shared>>
      %dma_wait3A_207 = tpu.memref_slice %arg14[%add3A_42] : memref<10240xf32, #tpu.memory_space<vmem_shared>> -> memref<128xf32, #tpu.memory_space<vmem_shared>>
      %dma_wait3A_208 = arith.constant 0 : i32
      %dma_wait3A_209 = tpu.memref_slice %arg9[%run_scoped3A_43, %run_scoped3A_44, %dma_wait3A_208] : memref<2x128x128xf32, #tpu.memory_space<vmem>> -> memref<1x1x128xf32, #tpu.memory_space<vmem>>
      %dma_wait3A_210 = tpu.memref_squeeze %dma_wait3A_209 : memref<1x1x128xf32, #tpu.memory_space<vmem>> -> memref<128xf32, #tpu.memory_space<vmem>>
      tpu.wait_dma2 semaphore(%run_scoped3A_195 : memref<!tpu.dma_semaphore, #tpu.memory_space<semaphore_mem>>) src(%dma_wait3A_210 : memref<128xf32, #tpu.memory_space<vmem>>) dst(%dma_wait3A_207 : memref<128xf32, #tpu.memory_space<vmem_shared>>)
      tpu.yield
    }) : () -> ()
    %mul3A_45 = arith.constant 640 : i32
    %mul3A_46 = arith.muli %arg1, %mul3A_45 : i32
    %add3A_47 = arith.constant 384 : i32
    %add3A_48 = arith.addi %mul3A_46, %add3A_47 : i32
    %run_scoped3A_49 = arith.constant 0 : i32
    %run_scoped3A_50 = arith.constant 0 : i32
    "tpu.region"() ({
      %run_scoped3A_195 = tpu.sem_alloc : memref<!tpu.dma_semaphore, #tpu.memory_space<semaphore_mem>>
      %dma_start3A_196 = arith.constant 0 : i32
      %dma_start3A_197 = tpu.memref_slice %arg9[%run_scoped3A_49, %run_scoped3A_50, %dma_start3A_196] : memref<2x128x128xf32, #tpu.memory_space<vmem>> -> memref<1x1x128xf32, #tpu.memory_space<vmem>>
      %dma_start3A_198 = tpu.memref_squeeze %dma_start3A_197 : memref<1x1x128xf32, #tpu.memory_space<vmem>> -> memref<128xf32, #tpu.memory_space<vmem>>
      %dma_start3A_199 = tpu.memref_slice %arg14[%add3A_48] : memref<10240xf32, #tpu.memory_space<vmem_shared>> -> memref<128xf32, #tpu.memory_space<vmem_shared>>
      %dma_start3A_200 = tpu.memref_slice %arg14[%add3A_48] : memref<10240xf32, #tpu.memory_space<vmem_shared>> -> memref<128xf32, #tpu.memory_space<vmem_shared>>
      %dma_start3A_201 = arith.constant 0 : i32
      %dma_start3A_202 = tpu.memref_slice %arg9[%run_scoped3A_49, %run_scoped3A_50, %dma_start3A_201] : memref<2x128x128xf32, #tpu.memory_space<vmem>> -> memref<1x1x128xf32, #tpu.memory_space<vmem>>
      %dma_start3A_203 = tpu.memref_squeeze %dma_start3A_202 : memref<1x1x128xf32, #tpu.memory_space<vmem>> -> memref<128xf32, #tpu.memory_space<vmem>>
      tpu.enqueue_dma source(%dma_start3A_203 : memref<128xf32, #tpu.memory_space<vmem>>) target(%dma_start3A_200 : memref<128xf32, #tpu.memory_space<vmem_shared>>) target_semaphore(%run_scoped3A_195 : memref<!tpu.dma_semaphore, #tpu.memory_space<semaphore_mem>>)
      %dma_wait3A = arith.constant 0 : i32
      %dma_wait3A_204 = tpu.memref_slice %arg9[%run_scoped3A_49, %run_scoped3A_50, %dma_wait3A] : memref<2x128x128xf32, #tpu.memory_space<vmem>> -> memref<1x1x128xf32, #tpu.memory_space<vmem>>
      %dma_wait3A_205 = tpu.memref_squeeze %dma_wait3A_204 : memref<1x1x128xf32, #tpu.memory_space<vmem>> -> memref<128xf32, #tpu.memory_space<vmem>>
      %dma_wait3A_206 = tpu.memref_slice %arg14[%add3A_48] : memref<10240xf32, #tpu.memory_space<vmem_shared>> -> memref<128xf32, #tpu.memory_space<vmem_shared>>
      %dma_wait3A_207 = tpu.memref_slice %arg14[%add3A_48] : memref<10240xf32, #tpu.memory_space<vmem_shared>> -> memref<128xf32, #tpu.memory_space<vmem_shared>>
      %dma_wait3A_208 = arith.constant 0 : i32
      %dma_wait3A_209 = tpu.memref_slice %arg9[%run_scoped3A_49, %run_scoped3A_50, %dma_wait3A_208] : memref<2x128x128xf32, #tpu.memory_space<vmem>> -> memref<1x1x128xf32, #tpu.memory_space<vmem>>
      %dma_wait3A_210 = tpu.memref_squeeze %dma_wait3A_209 : memref<1x1x128xf32, #tpu.memory_space<vmem>> -> memref<128xf32, #tpu.memory_space<vmem>>
      tpu.wait_dma2 semaphore(%run_scoped3A_195 : memref<!tpu.dma_semaphore, #tpu.memory_space<semaphore_mem>>) src(%dma_wait3A_210 : memref<128xf32, #tpu.memory_space<vmem>>) dst(%dma_wait3A_207 : memref<128xf32, #tpu.memory_space<vmem_shared>>)
      tpu.yield
    }) : () -> ()
    %mul3A_51 = arith.constant 640 : i32
    %mul3A_52 = arith.muli %arg1, %mul3A_51 : i32
    %add3A_53 = arith.constant 512 : i32
    %add3A_54 = arith.addi %mul3A_52, %add3A_53 : i32
    %run_scoped3A_55 = arith.constant 0 : i32
    %run_scoped3A_56 = arith.constant 0 : i32
    "tpu.region"() ({
      %run_scoped3A_195 = tpu.sem_alloc : memref<!tpu.dma_semaphore, #tpu.memory_space<semaphore_mem>>
      %dma_start3A_196 = arith.constant 0 : i32
      %dma_start3A_197 = tpu.memref_slice %arg9[%run_scoped3A_55, %run_scoped3A_56, %dma_start3A_196] : memref<2x128x128xf32, #tpu.memory_space<vmem>> -> memref<1x1x128xf32, #tpu.memory_space<vmem>>
      %dma_start3A_198 = tpu.memref_squeeze %dma_start3A_197 : memref<1x1x128xf32, #tpu.memory_space<vmem>> -> memref<128xf32, #tpu.memory_space<vmem>>
      %dma_start3A_199 = tpu.memref_slice %arg14[%add3A_54] : memref<10240xf32, #tpu.memory_space<vmem_shared>> -> memref<128xf32, #tpu.memory_space<vmem_shared>>
      %dma_start3A_200 = tpu.memref_slice %arg14[%add3A_54] : memref<10240xf32, #tpu.memory_space<vmem_shared>> -> memref<128xf32, #tpu.memory_space<vmem_shared>>
      %dma_start3A_201 = arith.constant 0 : i32
      %dma_start3A_202 = tpu.memref_slice %arg9[%run_scoped3A_55, %run_scoped3A_56, %dma_start3A_201] : memref<2x128x128xf32, #tpu.memory_space<vmem>> -> memref<1x1x128xf32, #tpu.memory_space<vmem>>
      %dma_start3A_203 = tpu.memref_squeeze %dma_start3A_202 : memref<1x1x128xf32, #tpu.memory_space<vmem>> -> memref<128xf32, #tpu.memory_space<vmem>>
      tpu.enqueue_dma source(%dma_start3A_203 : memref<128xf32, #tpu.memory_space<vmem>>) target(%dma_start3A_200 : memref<128xf32, #tpu.memory_space<vmem_shared>>) target_semaphore(%run_scoped3A_195 : memref<!tpu.dma_semaphore, #tpu.memory_space<semaphore_mem>>)
      %dma_wait3A = arith.constant 0 : i32
      %dma_wait3A_204 = tpu.memref_slice %arg9[%run_scoped3A_55, %run_scoped3A_56, %dma_wait3A] : memref<2x128x128xf32, #tpu.memory_space<vmem>> -> memref<1x1x128xf32, #tpu.memory_space<vmem>>
      %dma_wait3A_205 = tpu.memref_squeeze %dma_wait3A_204 : memref<1x1x128xf32, #tpu.memory_space<vmem>> -> memref<128xf32, #tpu.memory_space<vmem>>
      %dma_wait3A_206 = tpu.memref_slice %arg14[%add3A_54] : memref<10240xf32, #tpu.memory_space<vmem_shared>> -> memref<128xf32, #tpu.memory_space<vmem_shared>>
      %dma_wait3A_207 = tpu.memref_slice %arg14[%add3A_54] : memref<10240xf32, #tpu.memory_space<vmem_shared>> -> memref<128xf32, #tpu.memory_space<vmem_shared>>
      %dma_wait3A_208 = arith.constant 0 : i32
      %dma_wait3A_209 = tpu.memref_slice %arg9[%run_scoped3A_55, %run_scoped3A_56, %dma_wait3A_208] : memref<2x128x128xf32, #tpu.memory_space<vmem>> -> memref<1x1x128xf32, #tpu.memory_space<vmem>>
      %dma_wait3A_210 = tpu.memref_squeeze %dma_wait3A_209 : memref<1x1x128xf32, #tpu.memory_space<vmem>> -> memref<128xf32, #tpu.memory_space<vmem>>
      tpu.wait_dma2 semaphore(%run_scoped3A_195 : memref<!tpu.dma_semaphore, #tpu.memory_space<semaphore_mem>>) src(%dma_wait3A_210 : memref<128xf32, #tpu.memory_space<vmem>>) dst(%dma_wait3A_207 : memref<128xf32, #tpu.memory_space<vmem_shared>>)
      tpu.yield
    }) : () -> ()
    %broadcast_in_dim3A = arith.constant 1.000000e+00 : f32
    %broadcast_in_dim3A_57 = vector.broadcast %broadcast_in_dim3A : f32 to vector<16xf32>
    %swap3A = arith.constant 0 : index
    %swap3A_58 = tpu.vector_load %arg13[%swap3A] {strides = array<i32>} : memref<128xf32, #tpu.memory_space<vmem>>, vector<16xf32>,
    %swap3A_59 = vector.shape_cast %swap3A_58 : vector<16xf32> to vector<16xf32>
    %swap3A_60 = vector.shape_cast %broadcast_in_dim3A_57 : vector<16xf32> to vector<16xf32>
    tpu.vector_store %arg13[%swap3A], %swap3A_60 {strides = array<i32>} : memref<128xf32, #tpu.memory_space<vmem>>, vector<16xf32>,
    %broadcast_in_dim3A_61 = arith.constant 1.000000e+00 : f32
    %broadcast_in_dim3A_62 = vector.broadcast %broadcast_in_dim3A_61 : f32 to vector<16xf32>
    %swap3A_63 = arith.constant 16 : index
    %swap3A_64 = tpu.vector_load %arg13[%swap3A_63] {strides = array<i32>} : memref<128xf32, #tpu.memory_space<vmem>>, vector<16xf32>,
    %swap3A_65 = vector.shape_cast %swap3A_64 : vector<16xf32> to vector<16xf32>
    %swap3A_66 = vector.shape_cast %broadcast_in_dim3A_62 : vector<16xf32> to vector<16xf32>
    tpu.vector_store %arg13[%swap3A_63], %swap3A_66 {strides = array<i32>} : memref<128xf32, #tpu.memory_space<vmem>>, vector<16xf32>,
    %broadcast_in_dim3A_67 = arith.constant 1.000000e+00 : f32
    %broadcast_in_dim3A_68 = vector.broadcast %broadcast_in_dim3A_67 : f32 to vector<16xf32>
    %swap3A_69 = arith.constant 32 : index
    %swap3A_70 = tpu.vector_load %arg13[%swap3A_69] {strides = array<i32>} : memref<128xf32, #tpu.memory_space<vmem>>, vector<16xf32>,
    %swap3A_71 = vector.shape_cast %swap3A_70 : vector<16xf32> to vector<16xf32>
    %swap3A_72 = vector.shape_cast %broadcast_in_dim3A_68 : vector<16xf32> to vector<16xf32>
    tpu.vector_store %arg13[%swap3A_69], %swap3A_72 {strides = array<i32>} : memref<128xf32, #tpu.memory_space<vmem>>, vector<16xf32>,
    %broadcast_in_dim3A_73 = arith.constant 1.000000e+00 : f32
    %broadcast_in_dim3A_74 = vector.broadcast %broadcast_in_dim3A_73 : f32 to vector<16xf32>
    %swap3A_75 = arith.constant 48 : index
    %swap3A_76 = tpu.vector_load %arg13[%swap3A_75] {strides = array<i32>} : memref<128xf32, #tpu.memory_space<vmem>>, vector<16xf32>,
    %swap3A_77 = vector.shape_cast %swap3A_76 : vector<16xf32> to vector<16xf32>
    %swap3A_78 = vector.shape_cast %broadcast_in_dim3A_74 : vector<16xf32> to vector<16xf32>
    tpu.vector_store %arg13[%swap3A_75], %swap3A_78 {strides = array<i32>} : memref<128xf32, #tpu.memory_space<vmem>>, vector<16xf32>,
    %broadcast_in_dim3A_79 = arith.constant 1.000000e+00 : f32
    %broadcast_in_dim3A_80 = vector.broadcast %broadcast_in_dim3A_79 : f32 to vector<16xf32>
    %swap3A_81 = arith.constant 64 : index
    %swap3A_82 = tpu.vector_load %arg13[%swap3A_81] {strides = array<i32>} : memref<128xf32, #tpu.memory_space<vmem>>, vector<16xf32>,
    %swap3A_83 = vector.shape_cast %swap3A_82 : vector<16xf32> to vector<16xf32>
    %swap3A_84 = vector.shape_cast %broadcast_in_dim3A_80 : vector<16xf32> to vector<16xf32>
    tpu.vector_store %arg13[%swap3A_81], %swap3A_84 {strides = array<i32>} : memref<128xf32, #tpu.memory_space<vmem>>, vector<16xf32>,
    %broadcast_in_dim3A_85 = arith.constant 1.000000e+00 : f32
    %broadcast_in_dim3A_86 = vector.broadcast %broadcast_in_dim3A_85 : f32 to vector<16xf32>
    %swap3A_87 = arith.constant 80 : index
    %swap3A_88 = tpu.vector_load %arg13[%swap3A_87] {strides = array<i32>} : memref<128xf32, #tpu.memory_space<vmem>>, vector<16xf32>,
    %swap3A_89 = vector.shape_cast %swap3A_88 : vector<16xf32> to vector<16xf32>
    %swap3A_90 = vector.shape_cast %broadcast_in_dim3A_86 : vector<16xf32> to vector<16xf32>
    tpu.vector_store %arg13[%swap3A_87], %swap3A_90 {strides = array<i32>} : memref<128xf32, #tpu.memory_space<vmem>>, vector<16xf32>,
    %broadcast_in_dim3A_91 = arith.constant 1.000000e+00 : f32
    %broadcast_in_dim3A_92 = vector.broadcast %broadcast_in_dim3A_91 : f32 to vector<16xf32>
    %swap3A_93 = arith.constant 96 : index
    %swap3A_94 = tpu.vector_load %arg13[%swap3A_93] {strides = array<i32>} : memref<128xf32, #tpu.memory_space<vmem>>, vector<16xf32>,
    %swap3A_95 = vector.shape_cast %swap3A_94 : vector<16xf32> to vector<16xf32>
    %swap3A_96 = vector.shape_cast %broadcast_in_dim3A_92 : vector<16xf32> to vector<16xf32>
    tpu.vector_store %arg13[%swap3A_93], %swap3A_96 {strides = array<i32>} : memref<128xf32, #tpu.memory_space<vmem>>, vector<16xf32>,
    %broadcast_in_dim3A_97 = arith.constant 1.000000e+00 : f32
    %broadcast_in_dim3A_98 = vector.broadcast %broadcast_in_dim3A_97 : f32 to vector<16xf32>
    %swap3A_99 = arith.constant 112 : index
    %swap3A_100 = tpu.vector_load %arg13[%swap3A_99] {strides = array<i32>} : memref<128xf32, #tpu.memory_space<vmem>>, vector<16xf32>,
    %swap3A_101 = vector.shape_cast %swap3A_100 : vector<16xf32> to vector<16xf32>
    %swap3A_102 = vector.shape_cast %broadcast_in_dim3A_98 : vector<16xf32> to vector<16xf32>
    tpu.vector_store %arg13[%swap3A_99], %swap3A_102 {strides = array<i32>} : memref<128xf32, #tpu.memory_space<vmem>>, vector<16xf32>,
    %barrier3A = arith.constant 0 : index
    tpu.barrier barrier_id(%barrier3A)
    %eq3A = arith.constant 0 : i32
    %eq3A_103 = arith.cmpi eq, %arg0, %eq3A : i32
    %mul3A_104 = arith.constant 80 : i32
    %mul3A_105 = arith.muli %arg1, %mul3A_104 : i32
    %add3A_106 = arith.constant 0 : i32
    %add3A_107 = arith.addi %mul3A_105, %add3A_106 : i32
    %mul3A_108 = arith.constant 80 : i32
    %mul3A_109 = arith.muli %arg1, %mul3A_108 : i32
    %add3A_110 = arith.constant 1280 : i32
    %add3A_111 = arith.addi %add3A_110, %mul3A_109 : i32
    %add3A_112 = arith.constant 0 : i32
    %add3A_113 = arith.addi %add3A_111, %add3A_112 : i32
    %select_n3A = arith.select %eq3A_103, %add3A_107, %add3A_113 : i32
    "tpu.region"() ({
      %run_scoped3A_195 = tpu.sem_alloc : memref<!tpu.dma_semaphore, #tpu.memory_space<semaphore_mem>>
      %dma_start3A_196 = arith.constant 0 : i32
      %dma_start3A_197 = tpu.memref_slice %arg3[%select_n3A, %dma_start3A_196] : memref<2576x128xi32, #tpu.memory_space<hbm>> -> memref<48x128xi32, #tpu.memory_space<hbm>>
      %dma_start3A_198 = arith.constant 0 : i32
      %dma_start3A_199 = tpu.memref_slice %arg3[%select_n3A, %dma_start3A_198] : memref<2576x128xi32, #tpu.memory_space<hbm>> -> memref<48x128xi32, #tpu.memory_space<hbm>>
      tpu.enqueue_dma source(%dma_start3A_199 : memref<48x128xi32, #tpu.memory_space<hbm>>) target(%arg7 : memref<48x128xi32, #tpu.memory_space<vmem>>) target_semaphore(%run_scoped3A_195 : memref<!tpu.dma_semaphore, #tpu.memory_space<semaphore_mem>>)
      %dma_wait3A = arith.constant 0 : i32
      %dma_wait3A_200 = tpu.memref_slice %arg3[%select_n3A, %dma_wait3A] : memref<2576x128xi32, #tpu.memory_space<hbm>> -> memref<48x128xi32, #tpu.memory_space<hbm>>
      %dma_wait3A_201 = arith.constant 0 : i32
      %dma_wait3A_202 = tpu.memref_slice %arg3[%select_n3A, %dma_wait3A_201] : memref<2576x128xi32, #tpu.memory_space<hbm>> -> memref<48x128xi32, #tpu.memory_space<hbm>>
      tpu.wait_dma2 semaphore(%run_scoped3A_195 : memref<!tpu.dma_semaphore, #tpu.memory_space<semaphore_mem>>) src(%dma_wait3A_202 : memref<48x128xi32, #tpu.memory_space<hbm>>) dst(%arg7 : memref<48x128xi32, #tpu.memory_space<vmem>>)
      tpu.yield
    }) : () -> ()
    "tpu.region"() ({
      %run_scoped3A_195 = tpu.sem_alloc : memref<!tpu.dma_semaphore, #tpu.memory_space<semaphore_mem>>
      %dma_start3A_196 = arith.constant 0 : i32
      %dma_start3A_197 = tpu.memref_slice %arg4[%select_n3A, %dma_start3A_196] : memref<2576x128xi32, #tpu.memory_space<hbm>> -> memref<48x128xi32, #tpu.memory_space<hbm>>
      %dma_start3A_198 = arith.constant 0 : i32
      %dma_start3A_199 = tpu.memref_slice %arg4[%select_n3A, %dma_start3A_198] : memref<2576x128xi32, #tpu.memory_space<hbm>> -> memref<48x128xi32, #tpu.memory_space<hbm>>
      tpu.enqueue_dma source(%dma_start3A_199 : memref<48x128xi32, #tpu.memory_space<hbm>>) target(%arg8 : memref<48x128xi32, #tpu.memory_space<vmem>>) target_semaphore(%run_scoped3A_195 : memref<!tpu.dma_semaphore, #tpu.memory_space<semaphore_mem>>)
      %dma_wait3A = arith.constant 0 : i32
      %dma_wait3A_200 = tpu.memref_slice %arg4[%select_n3A, %dma_wait3A] : memref<2576x128xi32, #tpu.memory_space<hbm>> -> memref<48x128xi32, #tpu.memory_space<hbm>>
      %dma_wait3A_201 = arith.constant 0 : i32
      %dma_wait3A_202 = tpu.memref_slice %arg4[%select_n3A, %dma_wait3A_201] : memref<2576x128xi32, #tpu.memory_space<hbm>> -> memref<48x128xi32, #tpu.memory_space<hbm>>
      tpu.wait_dma2 semaphore(%run_scoped3A_195 : memref<!tpu.dma_semaphore, #tpu.memory_space<semaphore_mem>>) src(%dma_wait3A_202 : memref<48x128xi32, #tpu.memory_space<hbm>>) dst(%arg8 : memref<48x128xi32, #tpu.memory_space<vmem>>)
      tpu.yield
    }) : () -> ()
    %dma_start3A = arith.constant 0 : i32
    %dma_start3A_114 = arith.constant 0 : i32
    %dma_start3A_115 = arith.constant 0 : i32
    %dma_start3A_116 = arith.constant 0 : i32
    %dma_start3A_117 = tpu.memref_slice %arg9[%dma_start3A_114, %dma_start3A_115, %dma_start3A_116] : memref<2x128x128xf32, #tpu.memory_space<vmem>> -> memref<1x128x128xf32, #tpu.memory_space<vmem>>
    %dma_start3A_118 = tpu.memref_squeeze %dma_start3A_117 : memref<1x128x128xf32, #tpu.memory_space<vmem>> -> memref<128x128xf32, #tpu.memory_space<vmem>>
    %dma_start3A_119 = arith.constant 0 : i32
    %dma_start3A_120 = tpu.memref_slice %arg7[%dma_start3A, %dma_start3A_119] : memref<48x128xi32, #tpu.memory_space<vmem>> -> memref<1x128xi32, #tpu.memory_space<vmem>>
    %dma_start3A_121 = tpu.memref_squeeze %dma_start3A_120 : memref<1x128xi32, #tpu.memory_space<vmem>> -> memref<128xi32, #tpu.memory_space<vmem>>
    %dma_start3A_122 = arith.constant 0 : i32
    %dma_start3A_123 = arith.constant 0 : i32
    %dma_start3A_124 = tpu.memref_slice %arg2[%dma_start3A_122, %dma_start3A_123] : memref<10000x128xf32, #tpu.memory_space<hbm>> -> memref<10000x128xf32, #tpu.memory_space<hbm>>
    tpu.enqueue_indirect_dma source(%dma_start3A_124 : memref<10000x128xf32, #tpu.memory_space<hbm>>) target(%dma_start3A_118 : memref<128x128xf32, #tpu.memory_space<vmem>>) offsets(%dma_start3A_121 : memref<128xi32, #tpu.memory_space<vmem>>) semaphore(%arg11 : memref<!tpu.dma_semaphore, #tpu.memory_space<semaphore_mem>>)
    %dma_start3A_125 = arith.constant 24 : i32
    %dma_start3A_126 = arith.constant 1 : i32
    %dma_start3A_127 = arith.constant 0 : i32
    %dma_start3A_128 = arith.constant 0 : i32
    %dma_start3A_129 = tpu.memref_slice %arg9[%dma_start3A_126, %dma_start3A_127, %dma_start3A_128] : memref<2x128x128xf32, #tpu.memory_space<vmem>> -> memref<1x128x128xf32, #tpu.memory_space<vmem>>
    %dma_start3A_130 = tpu.memref_squeeze %dma_start3A_129 : memref<1x128x128xf32, #tpu.memory_space<vmem>> -> memref<128x128xf32, #tpu.memory_space<vmem>>
    %dma_start3A_131 = arith.constant 0 : i32
    %dma_start3A_132 = tpu.memref_slice %arg7[%dma_start3A_125, %dma_start3A_131] : memref<48x128xi32, #tpu.memory_space<vmem>> -> memref<1x128xi32, #tpu.memory_space<vmem>>
    %dma_start3A_133 = tpu.memref_squeeze %dma_start3A_132 : memref<1x128xi32, #tpu.memory_space<vmem>> -> memref<128xi32, #tpu.memory_space<vmem>>
    %dma_start3A_134 = arith.constant 0 : i32
    %dma_start3A_135 = arith.constant 0 : i32
    %dma_start3A_136 = tpu.memref_slice %arg2[%dma_start3A_134, %dma_start3A_135] : memref<10000x128xf32, #tpu.memory_space<hbm>> -> memref<10000x128xf32, #tpu.memory_space<hbm>>
    tpu.enqueue_indirect_dma source(%dma_start3A_136 : memref<10000x128xf32, #tpu.memory_space<hbm>>) target(%dma_start3A_130 : memref<128x128xf32, #tpu.memory_space<vmem>>) offsets(%dma_start3A_133 : memref<128xi32, #tpu.memory_space<vmem>>) semaphore(%arg12 : memref<!tpu.dma_semaphore, #tpu.memory_space<semaphore_mem>>)
    %scan3A_137 = arith.constant 0 : i32
    %scan3A_138 = arith.constant 0 : i32
    %scan3A_139 = arith.constant 24 : i32
    %scan3A_140 = arith.addi %scan3A_138, %scan3A_139 : i32
    %scan3A_141 = arith.constant 1 : i32
    scf.for %scan3A_195 = %scan3A_138 to %scan3A_140 step %scan3A_141  : i32 {
      %add3A_196 = arith.constant 0 : i32
      %add3A_197 = arith.addi %add3A_196, %scan3A_195 : i32
      %dma_wait3A = arith.constant 0 : i32
      %dma_wait3A_198 = arith.constant 0 : i32
      %dma_wait3A_199 = arith.constant 0 : i32
      %dma_wait3A_200 = tpu.memref_slice %arg9[%dma_wait3A, %dma_wait3A_198, %dma_wait3A_199] : memref<2x128x128xf32, #tpu.memory_space<vmem>> -> memref<1x128x128xf32, #tpu.memory_space<vmem>>
      %dma_wait3A_201 = tpu.memref_squeeze %dma_wait3A_200 : memref<1x128x128xf32, #tpu.memory_space<vmem>> -> memref<128x128xf32, #tpu.memory_space<vmem>>
      %dma_wait3A_202 = arith.constant 0 : i32
      %dma_wait3A_203 = arith.constant 0 : i32
      %dma_wait3A_204 = tpu.memref_slice %arg2[%dma_wait3A_202, %dma_wait3A_203] : memref<10000x128xf32, #tpu.memory_space<hbm>> -> memref<128x128xf32, #tpu.memory_space<hbm>>
      %dma_wait3A_205 = arith.constant 0 : i32
      %dma_wait3A_206 = arith.constant 0 : i32
      %dma_wait3A_207 = tpu.memref_slice %arg9[%dma_wait3A, %dma_wait3A_205, %dma_wait3A_206] : memref<2x128x128xf32, #tpu.memory_space<vmem>> -> memref<1x128x128xf32, #tpu.memory_space<vmem>>
      %dma_wait3A_208 = tpu.memref_squeeze %dma_wait3A_207 : memref<1x128x128xf32, #tpu.memory_space<vmem>> -> memref<128x128xf32, #tpu.memory_space<vmem>>
      %dma_wait3A_209 = arith.constant 0 : i32
      %dma_wait3A_210 = arith.constant 0 : i32
      %dma_wait3A_211 = tpu.memref_slice %arg2[%dma_wait3A_209, %dma_wait3A_210] : memref<10000x128xf32, #tpu.memory_space<hbm>> -> memref<128x128xf32, #tpu.memory_space<hbm>>
      tpu.wait_dma2 semaphore(%arg11 : memref<!tpu.dma_semaphore, #tpu.memory_space<semaphore_mem>>) src(%dma_wait3A_211 : memref<128x128xf32, #tpu.memory_space<hbm>>) dst(%dma_wait3A_208 : memref<128x128xf32, #tpu.memory_space<vmem>>)
      %run_scoped3A_212 = arith.constant 0 : i32
      "tpu.region"() ({
        %run_scoped3A_242 = tpu.sem_alloc : memref<!tpu.dma_semaphore, #tpu.memory_space<semaphore_mem>>
        %dma_start3A_243 = arith.constant 0 : i32
        %dma_start3A_244 = arith.constant 0 : i32
        %dma_start3A_245 = tpu.memref_slice %arg9[%run_scoped3A_212, %dma_start3A_243, %dma_start3A_244] : memref<2x128x128xf32, #tpu.memory_space<vmem>> -> memref<1x128x128xf32, #tpu.memory_space<vmem>>
        %dma_start3A_246 = tpu.memref_squeeze %dma_start3A_245 : memref<1x128x128xf32, #tpu.memory_space<vmem>> -> memref<128x128xf32, #tpu.memory_space<vmem>>
        %dma_start3A_247 = arith.constant 0 : i32
        %dma_start3A_248 = tpu.memref_slice %arg8[%add3A_197, %dma_start3A_247] : memref<48x128xi32, #tpu.memory_space<vmem>> -> memref<1x128xi32, #tpu.memory_space<vmem>>
        %dma_start3A_249 = tpu.memref_squeeze %dma_start3A_248 : memref<1x128xi32, #tpu.memory_space<vmem>> -> memref<128xi32, #tpu.memory_space<vmem>>
        %dma_start3A_250 = arith.constant 0 : i32
        %dma_start3A_251 = arith.constant 0 : i32
        %dma_start3A_252 = tpu.memref_slice %arg10[%dma_start3A_250, %dma_start3A_251] : memref<10240x128xf32, #tpu.memory_space<vmem_shared>> -> memref<10240x128xf32, #tpu.memory_space<vmem_shared>>
        tpu.enqueue_indirect_dma source(%dma_start3A_246 : memref<128x128xf32, #tpu.memory_space<vmem>>) target(%dma_start3A_252 : memref<10240x128xf32, #tpu.memory_space<vmem_shared>>) offsets(%dma_start3A_249 : memref<128xi32, #tpu.memory_space<vmem>>) semaphore(%run_scoped3A_242 : memref<!tpu.dma_semaphore, #tpu.memory_space<semaphore_mem>>) {add = true}
        %dma_wait3A_253 = arith.constant 0 : i32
        %dma_wait3A_254 = arith.constant 0 : i32
        %dma_wait3A_255 = tpu.memref_slice %arg9[%run_scoped3A_212, %dma_wait3A_253, %dma_wait3A_254] : memref<2x128x128xf32, #tpu.memory_space<vmem>> -> memref<1x128x128xf32, #tpu.memory_space<vmem>>
        %dma_wait3A_256 = tpu.memref_squeeze %dma_wait3A_255 : memref<1x128x128xf32, #tpu.memory_space<vmem>> -> memref<128x128xf32, #tpu.memory_space<vmem>>
        %dma_wait3A_257 = arith.constant 0 : i32
        %dma_wait3A_258 = tpu.memref_slice %arg8[%add3A_197, %dma_wait3A_257] : memref<48x128xi32, #tpu.memory_space<vmem>> -> memref<1x128xi32, #tpu.memory_space<vmem>>
        %dma_wait3A_259 = tpu.memref_squeeze %dma_wait3A_258 : memref<1x128xi32, #tpu.memory_space<vmem>> -> memref<128xi32, #tpu.memory_space<vmem>>
        %dma_wait3A_260 = arith.constant 0 : i32
        %dma_wait3A_261 = arith.constant 0 : i32
        %dma_wait3A_262 = tpu.memref_slice %arg10[%dma_wait3A_260, %dma_wait3A_261] : memref<10240x128xf32, #tpu.memory_space<vmem_shared>> -> memref<10240x128xf32, #tpu.memory_space<vmem_shared>>
        tpu.wait_indirect_dma semaphore(%run_scoped3A_242 : memref<!tpu.dma_semaphore, #tpu.memory_space<semaphore_mem>>) src(%dma_wait3A_256 : memref<128x128xf32, #tpu.memory_space<vmem>>) dst(%dma_wait3A_262 : memref<10240x128xf32, #tpu.memory_space<vmem_shared>>)
        tpu.yield
      }) : () -> ()
      "tpu.region"() ({
        %run_scoped3A_242 = tpu.sem_alloc : memref<!tpu.dma_semaphore, #tpu.memory_space<semaphore_mem>>
        %dma_start3A_243 = arith.constant 0 : i32
        %dma_start3A_244 = tpu.memref_slice %arg8[%add3A_197, %dma_start3A_243] : memref<48x128xi32, #tpu.memory_space<vmem>> -> memref<1x128xi32, #tpu.memory_space<vmem>>
        %dma_start3A_245 = tpu.memref_squeeze %dma_start3A_244 : memref<1x128xi32, #tpu.memory_space<vmem>> -> memref<128xi32, #tpu.memory_space<vmem>>
        %dma_start3A_246 = arith.constant 0 : i32
        %dma_start3A_247 = tpu.memref_slice %arg14[%dma_start3A_246] : memref<10240xf32, #tpu.memory_space<vmem_shared>> -> memref<10240xf32, #tpu.memory_space<vmem_shared>>
        tpu.enqueue_indirect_dma source(%arg13 : memref<128xf32, #tpu.memory_space<vmem>>) target(%dma_start3A_247 : memref<10240xf32, #tpu.memory_space<vmem_shared>>) offsets(%dma_start3A_245 : memref<128xi32, #tpu.memory_space<vmem>>) semaphore(%run_scoped3A_242 : memref<!tpu.dma_semaphore, #tpu.memory_space<semaphore_mem>>) {add = true}
        %dma_wait3A_248 = arith.constant 0 : i32
        %dma_wait3A_249 = tpu.memref_slice %arg8[%add3A_197, %dma_wait3A_248] : memref<48x128xi32, #tpu.memory_space<vmem>> -> memref<1x128xi32, #tpu.memory_space<vmem>>
        %dma_wait3A_250 = tpu.memref_squeeze %dma_wait3A_249 : memref<1x128xi32, #tpu.memory_space<vmem>> -> memref<128xi32, #tpu.memory_space<vmem>>
        %dma_wait3A_251 = arith.constant 0 : i32
        %dma_wait3A_252 = tpu.memref_slice %arg14[%dma_wait3A_251] : memref<10240xf32, #tpu.memory_space<vmem_shared>> -> memref<10240xf32, #tpu.memory_space<vmem_shared>>
        tpu.wait_indirect_dma semaphore(%run_scoped3A_242 : memref<!tpu.dma_semaphore, #tpu.memory_space<semaphore_mem>>) src(%arg13 : memref<128xf32, #tpu.memory_space<vmem>>) dst(%dma_wait3A_252 : memref<10240xf32, #tpu.memory_space<vmem_shared>>)
        tpu.yield
      }) : () -> ()
      %add3A_213 = arith.constant 1 : i32
      %add3A_214 = arith.addi %scan3A_195, %add3A_213 : i32
      %lt3A = arith.constant 24 : i32
      %lt3A_215 = arith.cmpi slt, %add3A_214, %lt3A : i32
      %convert_element_type3A = arith.extui %lt3A_215 : i1 to i32
      %cond3A = arith.constant 0 : i32
      %cond3A_216 = arith.cmpi ne, %convert_element_type3A, %cond3A : i32
      scf.if %cond3A_216 {
        %add3A_242 = arith.constant 1 : i32
        %add3A_243 = arith.addi %add3A_197, %add3A_242 : i32
        %dma_start3A_244 = arith.constant 0 : i32
        %dma_start3A_245 = arith.constant 0 : i32
        %dma_start3A_246 = arith.constant 0 : i32
        %dma_start3A_247 = tpu.memref_slice %arg9[%dma_start3A_244, %dma_start3A_245, %dma_start3A_246] : memref<2x128x128xf32, #tpu.memory_space<vmem>> -> memref<1x128x128xf32, #tpu.memory_space<vmem>>
        %dma_start3A_248 = tpu.memref_squeeze %dma_start3A_247 : memref<1x128x128xf32, #tpu.memory_space<vmem>> -> memref<128x128xf32, #tpu.memory_space<vmem>>
        %dma_start3A_249 = arith.constant 0 : i32
        %dma_start3A_250 = tpu.memref_slice %arg7[%add3A_243, %dma_start3A_249] : memref<48x128xi32, #tpu.memory_space<vmem>> -> memref<1x128xi32, #tpu.memory_space<vmem>>
        %dma_start3A_251 = tpu.memref_squeeze %dma_start3A_250 : memref<1x128xi32, #tpu.memory_space<vmem>> -> memref<128xi32, #tpu.memory_space<vmem>>
        %dma_start3A_252 = arith.constant 0 : i32
        %dma_start3A_253 = arith.constant 0 : i32
        %dma_start3A_254 = tpu.memref_slice %arg2[%dma_start3A_252, %dma_start3A_253] : memref<10000x128xf32, #tpu.memory_space<hbm>> -> memref<10000x128xf32, #tpu.memory_space<hbm>>
        tpu.enqueue_indirect_dma source(%dma_start3A_254 : memref<10000x128xf32, #tpu.memory_space<hbm>>) target(%dma_start3A_248 : memref<128x128xf32, #tpu.memory_space<vmem>>) offsets(%dma_start3A_251 : memref<128xi32, #tpu.memory_space<vmem>>) semaphore(%arg11 : memref<!tpu.dma_semaphore, #tpu.memory_space<semaphore_mem>>)
      } else {
      }
      %add3A_217 = arith.constant 24 : i32
      %add3A_218 = arith.addi %add3A_217, %scan3A_195 : i32
      %dma_wait3A_219 = arith.constant 1 : i32
      %dma_wait3A_220 = arith.constant 0 : i32
      %dma_wait3A_221 = arith.constant 0 : i32
      %dma_wait3A_222 = tpu.memref_slice %arg9[%dma_wait3A_219, %dma_wait3A_220, %dma_wait3A_221] : memref<2x128x128xf32, #tpu.memory_space<vmem>> -> memref<1x128x128xf32, #tpu.memory_space<vmem>>
      %dma_wait3A_223 = tpu.memref_squeeze %dma_wait3A_222 : memref<1x128x128xf32, #tpu.memory_space<vmem>> -> memref<128x128xf32, #tpu.memory_space<vmem>>
      %dma_wait3A_224 = arith.constant 0 : i32
      %dma_wait3A_225 = arith.constant 0 : i32
      %dma_wait3A_226 = tpu.memref_slice %arg2[%dma_wait3A_224, %dma_wait3A_225] : memref<10000x128xf32, #tpu.memory_space<hbm>> -> memref<128x128xf32, #tpu.memory_space<hbm>>
      %dma_wait3A_227 = arith.constant 0 : i32
      %dma_wait3A_228 = arith.constant 0 : i32
      %dma_wait3A_229 = tpu.memref_slice %arg9[%dma_wait3A_219, %dma_wait3A_227, %dma_wait3A_228] : memref<2x128x128xf32, #tpu.memory_space<vmem>> -> memref<1x128x128xf32, #tpu.memory_space<vmem>>
      %dma_wait3A_230 = tpu.memref_squeeze %dma_wait3A_229 : memref<1x128x128xf32, #tpu.memory_space<vmem>> -> memref<128x128xf32, #tpu.memory_space<vmem>>
      %dma_wait3A_231 = arith.constant 0 : i32
      %dma_wait3A_232 = arith.constant 0 : i32
      %dma_wait3A_233 = tpu.memref_slice %arg2[%dma_wait3A_231, %dma_wait3A_232] : memref<10000x128xf32, #tpu.memory_space<hbm>> -> memref<128x128xf32, #tpu.memory_space<hbm>>
      tpu.wait_dma2 semaphore(%arg12 : memref<!tpu.dma_semaphore, #tpu.memory_space<semaphore_mem>>) src(%dma_wait3A_233 : memref<128x128xf32, #tpu.memory_space<hbm>>) dst(%dma_wait3A_230 : memref<128x128xf32, #tpu.memory_space<vmem>>)
      %run_scoped3A_234 = arith.constant 1 : i32
      "tpu.region"() ({
        %run_scoped3A_242 = tpu.sem_alloc : memref<!tpu.dma_semaphore, #tpu.memory_space<semaphore_mem>>
        %dma_start3A_243 = arith.constant 0 : i32
        %dma_start3A_244 = arith.constant 0 : i32
        %dma_start3A_245 = tpu.memref_slice %arg9[%run_scoped3A_234, %dma_start3A_243, %dma_start3A_244] : memref<2x128x128xf32, #tpu.memory_space<vmem>> -> memref<1x128x128xf32, #tpu.memory_space<vmem>>
        %dma_start3A_246 = tpu.memref_squeeze %dma_start3A_245 : memref<1x128x128xf32, #tpu.memory_space<vmem>> -> memref<128x128xf32, #tpu.memory_space<vmem>>
        %dma_start3A_247 = arith.constant 0 : i32
        %dma_start3A_248 = tpu.memref_slice %arg8[%add3A_218, %dma_start3A_247] : memref<48x128xi32, #tpu.memory_space<vmem>> -> memref<1x128xi32, #tpu.memory_space<vmem>>
        %dma_start3A_249 = tpu.memref_squeeze %dma_start3A_248 : memref<1x128xi32, #tpu.memory_space<vmem>> -> memref<128xi32, #tpu.memory_space<vmem>>
        %dma_start3A_250 = arith.constant 0 : i32
        %dma_start3A_251 = arith.constant 0 : i32
        %dma_start3A_252 = tpu.memref_slice %arg10[%dma_start3A_250, %dma_start3A_251] : memref<10240x128xf32, #tpu.memory_space<vmem_shared>> -> memref<10240x128xf32, #tpu.memory_space<vmem_shared>>
        tpu.enqueue_indirect_dma source(%dma_start3A_246 : memref<128x128xf32, #tpu.memory_space<vmem>>) target(%dma_start3A_252 : memref<10240x128xf32, #tpu.memory_space<vmem_shared>>) offsets(%dma_start3A_249 : memref<128xi32, #tpu.memory_space<vmem>>) semaphore(%run_scoped3A_242 : memref<!tpu.dma_semaphore, #tpu.memory_space<semaphore_mem>>) {add = true}
        %dma_wait3A_253 = arith.constant 0 : i32
        %dma_wait3A_254 = arith.constant 0 : i32
        %dma_wait3A_255 = tpu.memref_slice %arg9[%run_scoped3A_234, %dma_wait3A_253, %dma_wait3A_254] : memref<2x128x128xf32, #tpu.memory_space<vmem>> -> memref<1x128x128xf32, #tpu.memory_space<vmem>>
        %dma_wait3A_256 = tpu.memref_squeeze %dma_wait3A_255 : memref<1x128x128xf32, #tpu.memory_space<vmem>> -> memref<128x128xf32, #tpu.memory_space<vmem>>
        %dma_wait3A_257 = arith.constant 0 : i32
        %dma_wait3A_258 = tpu.memref_slice %arg8[%add3A_218, %dma_wait3A_257] : memref<48x128xi32, #tpu.memory_space<vmem>> -> memref<1x128xi32, #tpu.memory_space<vmem>>
        %dma_wait3A_259 = tpu.memref_squeeze %dma_wait3A_258 : memref<1x128xi32, #tpu.memory_space<vmem>> -> memref<128xi32, #tpu.memory_space<vmem>>
        %dma_wait3A_260 = arith.constant 0 : i32
        %dma_wait3A_261 = arith.constant 0 : i32
        %dma_wait3A_262 = tpu.memref_slice %arg10[%dma_wait3A_260, %dma_wait3A_261] : memref<10240x128xf32, #tpu.memory_space<vmem_shared>> -> memref<10240x128xf32, #tpu.memory_space<vmem_shared>>
        tpu.wait_indirect_dma semaphore(%run_scoped3A_242 : memref<!tpu.dma_semaphore, #tpu.memory_space<semaphore_mem>>) src(%dma_wait3A_256 : memref<128x128xf32, #tpu.memory_space<vmem>>) dst(%dma_wait3A_262 : memref<10240x128xf32, #tpu.memory_space<vmem_shared>>)
        tpu.yield
      }) : () -> ()
      "tpu.region"() ({
        %run_scoped3A_242 = tpu.sem_alloc : memref<!tpu.dma_semaphore, #tpu.memory_space<semaphore_mem>>
        %dma_start3A_243 = arith.constant 0 : i32
        %dma_start3A_244 = tpu.memref_slice %arg8[%add3A_218, %dma_start3A_243] : memref<48x128xi32, #tpu.memory_space<vmem>> -> memref<1x128xi32, #tpu.memory_space<vmem>>
        %dma_start3A_245 = tpu.memref_squeeze %dma_start3A_244 : memref<1x128xi32, #tpu.memory_space<vmem>> -> memref<128xi32, #tpu.memory_space<vmem>>
        %dma_start3A_246 = arith.constant 0 : i32
        %dma_start3A_247 = tpu.memref_slice %arg14[%dma_start3A_246] : memref<10240xf32, #tpu.memory_space<vmem_shared>> -> memref<10240xf32, #tpu.memory_space<vmem_shared>>
        tpu.enqueue_indirect_dma source(%arg13 : memref<128xf32, #tpu.memory_space<vmem>>) target(%dma_start3A_247 : memref<10240xf32, #tpu.memory_space<vmem_shared>>) offsets(%dma_start3A_245 : memref<128xi32, #tpu.memory_space<vmem>>) semaphore(%run_scoped3A_242 : memref<!tpu.dma_semaphore, #tpu.memory_space<semaphore_mem>>) {add = true}
        %dma_wait3A_248 = arith.constant 0 : i32
        %dma_wait3A_249 = tpu.memref_slice %arg8[%add3A_218, %dma_wait3A_248] : memref<48x128xi32, #tpu.memory_space<vmem>> -> memref<1x128xi32, #tpu.memory_space<vmem>>
        %dma_wait3A_250 = tpu.memref_squeeze %dma_wait3A_249 : memref<1x128xi32, #tpu.memory_space<vmem>> -> memref<128xi32, #tpu.memory_space<vmem>>
        %dma_wait3A_251 = arith.constant 0 : i32
        %dma_wait3A_252 = tpu.memref_slice %arg14[%dma_wait3A_251] : memref<10240xf32, #tpu.memory_space<vmem_shared>> -> memref<10240xf32, #tpu.memory_space<vmem_shared>>
        tpu.wait_indirect_dma semaphore(%run_scoped3A_242 : memref<!tpu.dma_semaphore, #tpu.memory_space<semaphore_mem>>) src(%arg13 : memref<128xf32, #tpu.memory_space<vmem>>) dst(%dma_wait3A_252 : memref<10240xf32, #tpu.memory_space<vmem_shared>>)
        tpu.yield
      }) : () -> ()
      %add3A_235 = arith.constant 1 : i32
      %add3A_236 = arith.addi %scan3A_195, %add3A_235 : i32
      %lt3A_237 = arith.constant 24 : i32
      %lt3A_238 = arith.cmpi slt, %add3A_236, %lt3A_237 : i32
      %convert_element_type3A_239 = arith.extui %lt3A_238 : i1 to i32
      %cond3A_240 = arith.constant 0 : i32
      %cond3A_241 = arith.cmpi ne, %convert_element_type3A_239, %cond3A_240 : i32
      scf.if %cond3A_241 {
        %add3A_242 = arith.constant 1 : i32
        %add3A_243 = arith.addi %add3A_218, %add3A_242 : i32
        %dma_start3A_244 = arith.constant 1 : i32
        %dma_start3A_245 = arith.constant 0 : i32
        %dma_start3A_246 = arith.constant 0 : i32
        %dma_start3A_247 = tpu.memref_slice %arg9[%dma_start3A_244, %dma_start3A_245, %dma_start3A_246] : memref<2x128x128xf32, #tpu.memory_space<vmem>> -> memref<1x128x128xf32, #tpu.memory_space<vmem>>
        %dma_start3A_248 = tpu.memref_squeeze %dma_start3A_247 : memref<1x128x128xf32, #tpu.memory_space<vmem>> -> memref<128x128xf32, #tpu.memory_space<vmem>>
        %dma_start3A_249 = arith.constant 0 : i32
        %dma_start3A_250 = tpu.memref_slice %arg7[%add3A_243, %dma_start3A_249] : memref<48x128xi32, #tpu.memory_space<vmem>> -> memref<1x128xi32, #tpu.memory_space<vmem>>
        %dma_start3A_251 = tpu.memref_squeeze %dma_start3A_250 : memref<1x128xi32, #tpu.memory_space<vmem>> -> memref<128xi32, #tpu.memory_space<vmem>>
        %dma_start3A_252 = arith.constant 0 : i32
        %dma_start3A_253 = arith.constant 0 : i32
        %dma_start3A_254 = tpu.memref_slice %arg2[%dma_start3A_252, %dma_start3A_253] : memref<10000x128xf32, #tpu.memory_space<hbm>> -> memref<10000x128xf32, #tpu.memory_space<hbm>>
        tpu.enqueue_indirect_dma source(%dma_start3A_254 : memref<10000x128xf32, #tpu.memory_space<hbm>>) target(%dma_start3A_248 : memref<128x128xf32, #tpu.memory_space<vmem>>) offsets(%dma_start3A_251 : memref<128xi32, #tpu.memory_space<vmem>>) semaphore(%arg12 : memref<!tpu.dma_semaphore, #tpu.memory_space<semaphore_mem>>)
      } else {
      }
    }
    %scan3A_142 = arith.constant 24 : i32
    %eq3A_143 = arith.constant 0 : i32
    %eq3A_144 = arith.cmpi eq, %arg0, %eq3A_143 : i32
    %mul3A_145 = arith.constant 80 : i32
    %mul3A_146 = arith.muli %arg1, %mul3A_145 : i32
    %add3A_147 = arith.constant 48 : i32
    %add3A_148 = arith.addi %mul3A_146, %add3A_147 : i32
    %mul3A_149 = arith.constant 80 : i32
    %mul3A_150 = arith.muli %arg1, %mul3A_149 : i32
    %add3A_151 = arith.constant 1280 : i32
    %add3A_152 = arith.addi %add3A_151, %mul3A_150 : i32
    %add3A_153 = arith.constant 48 : i32
    %add3A_154 = arith.addi %add3A_152, %add3A_153 : i32
    %select_n3A_155 = arith.select %eq3A_144, %add3A_148, %add3A_154 : i32
    "tpu.region"() ({
      %run_scoped3A_195 = tpu.sem_alloc : memref<!tpu.dma_semaphore, #tpu.memory_space<semaphore_mem>>
      %dma_start3A_196 = arith.constant 0 : i32
      %dma_start3A_197 = tpu.memref_slice %arg3[%select_n3A_155, %dma_start3A_196] : memref<2576x128xi32, #tpu.memory_space<hbm>> -> memref<48x128xi32, #tpu.memory_space<hbm>>
      %dma_start3A_198 = arith.constant 0 : i32
      %dma_start3A_199 = tpu.memref_slice %arg3[%select_n3A_155, %dma_start3A_198] : memref<2576x128xi32, #tpu.memory_space<hbm>> -> memref<48x128xi32, #tpu.memory_space<hbm>>
      tpu.enqueue_dma source(%dma_start3A_199 : memref<48x128xi32, #tpu.memory_space<hbm>>) target(%arg7 : memref<48x128xi32, #tpu.memory_space<vmem>>) target_semaphore(%run_scoped3A_195 : memref<!tpu.dma_semaphore, #tpu.memory_space<semaphore_mem>>)
      %dma_wait3A = arith.constant 0 : i32
      %dma_wait3A_200 = tpu.memref_slice %arg3[%select_n3A_155, %dma_wait3A] : memref<2576x128xi32, #tpu.memory_space<hbm>> -> memref<48x128xi32, #tpu.memory_space<hbm>>
      %dma_wait3A_201 = arith.constant 0 : i32
      %dma_wait3A_202 = tpu.memref_slice %arg3[%select_n3A_155, %dma_wait3A_201] : memref<2576x128xi32, #tpu.memory_space<hbm>> -> memref<48x128xi32, #tpu.memory_space<hbm>>
      tpu.wait_dma2 semaphore(%run_scoped3A_195 : memref<!tpu.dma_semaphore, #tpu.memory_space<semaphore_mem>>) src(%dma_wait3A_202 : memref<48x128xi32, #tpu.memory_space<hbm>>) dst(%arg7 : memref<48x128xi32, #tpu.memory_space<vmem>>)
      tpu.yield
    }) : () -> ()
    "tpu.region"() ({
      %run_scoped3A_195 = tpu.sem_alloc : memref<!tpu.dma_semaphore, #tpu.memory_space<semaphore_mem>>
      %dma_start3A_196 = arith.constant 0 : i32
      %dma_start3A_197 = tpu.memref_slice %arg4[%select_n3A_155, %dma_start3A_196] : memref<2576x128xi32, #tpu.memory_space<hbm>> -> memref<48x128xi32, #tpu.memory_space<hbm>>
      %dma_start3A_198 = arith.constant 0 : i32
      %dma_start3A_199 = tpu.memref_slice %arg4[%select_n3A_155, %dma_start3A_198] : memref<2576x128xi32, #tpu.memory_space<hbm>> -> memref<48x128xi32, #tpu.memory_space<hbm>>
      tpu.enqueue_dma source(%dma_start3A_199 : memref<48x128xi32, #tpu.memory_space<hbm>>) target(%arg8 : memref<48x128xi32, #tpu.memory_space<vmem>>) target_semaphore(%run_scoped3A_195 : memref<!tpu.dma_semaphore, #tpu.memory_space<semaphore_mem>>)
      %dma_wait3A = arith.constant 0 : i32
      %dma_wait3A_200 = tpu.memref_slice %arg4[%select_n3A_155, %dma_wait3A] : memref<2576x128xi32, #tpu.memory_space<hbm>> -> memref<48x128xi32, #tpu.memory_space<hbm>>
      %dma_wait3A_201 = arith.constant 0 : i32
      %dma_wait3A_202 = tpu.memref_slice %arg4[%select_n3A_155, %dma_wait3A_201] : memref<2576x128xi32, #tpu.memory_space<hbm>> -> memref<48x128xi32, #tpu.memory_space<hbm>>
      tpu.wait_dma2 semaphore(%run_scoped3A_195 : memref<!tpu.dma_semaphore, #tpu.memory_space<semaphore_mem>>) src(%dma_wait3A_202 : memref<48x128xi32, #tpu.memory_space<hbm>>) dst(%arg8 : memref<48x128xi32, #tpu.memory_space<vmem>>)
      tpu.yield
    }) : () -> ()
    %dma_start3A_156 = arith.constant 0 : i32
    %dma_start3A_157 = arith.constant 0 : i32
    %dma_start3A_158 = arith.constant 0 : i32
    %dma_start3A_159 = arith.constant 0 : i32
    %dma_start3A_160 = tpu.memref_slice %arg9[%dma_start3A_157, %dma_start3A_158, %dma_start3A_159] : memref<2x128x128xf32, #tpu.memory_space<vmem>> -> memref<1x128x128xf32, #tpu.memory_space<vmem>>
    %dma_start3A_161 = tpu.memref_squeeze %dma_start3A_160 : memref<1x128x128xf32, #tpu.memory_space<vmem>> -> memref<128x128xf32, #tpu.memory_space<vmem>>
    %dma_start3A_162 = arith.constant 0 : i32
    %dma_start3A_163 = tpu.memref_slice %arg7[%dma_start3A_156, %dma_start3A_162] : memref<48x128xi32, #tpu.memory_space<vmem>> -> memref<1x128xi32, #tpu.memory_space<vmem>>
    %dma_start3A_164 = tpu.memref_squeeze %dma_start3A_163 : memref<1x128xi32, #tpu.memory_space<vmem>> -> memref<128xi32, #tpu.memory_space<vmem>>
    %dma_start3A_165 = arith.constant 0 : i32
    %dma_start3A_166 = arith.constant 0 : i32
    %dma_start3A_167 = tpu.memref_slice %arg2[%dma_start3A_165, %dma_start3A_166] : memref<10000x128xf32, #tpu.memory_space<hbm>> -> memref<10000x128xf32, #tpu.memory_space<hbm>>
    tpu.enqueue_indirect_dma source(%dma_start3A_167 : memref<10000x128xf32, #tpu.memory_space<hbm>>) target(%dma_start3A_161 : memref<128x128xf32, #tpu.memory_space<vmem>>) offsets(%dma_start3A_164 : memref<128xi32, #tpu.memory_space<vmem>>) semaphore(%arg11 : memref<!tpu.dma_semaphore, #tpu.memory_space<semaphore_mem>>)
    %dma_start3A_168 = arith.constant 16 : i32
    %dma_start3A_169 = arith.constant 1 : i32
    %dma_start3A_170 = arith.constant 0 : i32
    %dma_start3A_171 = arith.constant 0 : i32
    %dma_start3A_172 = tpu.memref_slice %arg9[%dma_start3A_169, %dma_start3A_170, %dma_start3A_171] : memref<2x128x128xf32, #tpu.memory_space<vmem>> -> memref<1x128x128xf32, #tpu.memory_space<vmem>>
    %dma_start3A_173 = tpu.memref_squeeze %dma_start3A_172 : memref<1x128x128xf32, #tpu.memory_space<vmem>> -> memref<128x128xf32, #tpu.memory_space<vmem>>
    %dma_start3A_174 = arith.constant 0 : i32
    %dma_start3A_175 = tpu.memref_slice %arg7[%dma_start3A_168, %dma_start3A_174] : memref<48x128xi32, #tpu.memory_space<vmem>> -> memref<1x128xi32, #tpu.memory_space<vmem>>
    %dma_start3A_176 = tpu.memref_squeeze %dma_start3A_175 : memref<1x128xi32, #tpu.memory_space<vmem>> -> memref<128xi32, #tpu.memory_space<vmem>>
    %dma_start3A_177 = arith.constant 0 : i32
    %dma_start3A_178 = arith.constant 0 : i32
    %dma_start3A_179 = tpu.memref_slice %arg2[%dma_start3A_177, %dma_start3A_178] : memref<10000x128xf32, #tpu.memory_space<hbm>> -> memref<10000x128xf32, #tpu.memory_space<hbm>>
    tpu.enqueue_indirect_dma source(%dma_start3A_179 : memref<10000x128xf32, #tpu.memory_space<hbm>>) target(%dma_start3A_173 : memref<128x128xf32, #tpu.memory_space<vmem>>) offsets(%dma_start3A_176 : memref<128xi32, #tpu.memory_space<vmem>>) semaphore(%arg12 : memref<!tpu.dma_semaphore, #tpu.memory_space<semaphore_mem>>)
    %scan3A_180 = arith.constant 0 : i32
    %scan3A_181 = arith.constant 0 : i32
    %scan3A_182 = arith.constant 16 : i32
    %scan3A_183 = arith.addi %scan3A_181, %scan3A_182 : i32
    %scan3A_184 = arith.constant 1 : i32
    scf.for %scan3A_195 = %scan3A_181 to %scan3A_183 step %scan3A_184  : i32 {
      %add3A_196 = arith.constant 0 : i32
      %add3A_197 = arith.addi %add3A_196, %scan3A_195 : i32
      %dma_wait3A = arith.constant 0 : i32
      %dma_wait3A_198 = arith.constant 0 : i32
      %dma_wait3A_199 = arith.constant 0 : i32
      %dma_wait3A_200 = tpu.memref_slice %arg9[%dma_wait3A, %dma_wait3A_198, %dma_wait3A_199] : memref<2x128x128xf32, #tpu.memory_space<vmem>> -> memref<1x128x128xf32, #tpu.memory_space<vmem>>
      %dma_wait3A_201 = tpu.memref_squeeze %dma_wait3A_200 : memref<1x128x128xf32, #tpu.memory_space<vmem>> -> memref<128x128xf32, #tpu.memory_space<vmem>>
      %dma_wait3A_202 = arith.constant 0 : i32
      %dma_wait3A_203 = arith.constant 0 : i32
      %dma_wait3A_204 = tpu.memref_slice %arg2[%dma_wait3A_202, %dma_wait3A_203] : memref<10000x128xf32, #tpu.memory_space<hbm>> -> memref<128x128xf32, #tpu.memory_space<hbm>>
      %dma_wait3A_205 = arith.constant 0 : i32
      %dma_wait3A_206 = arith.constant 0 : i32
      %dma_wait3A_207 = tpu.memref_slice %arg9[%dma_wait3A, %dma_wait3A_205, %dma_wait3A_206] : memref<2x128x128xf32, #tpu.memory_space<vmem>> -> memref<1x128x128xf32, #tpu.memory_space<vmem>>
      %dma_wait3A_208 = tpu.memref_squeeze %dma_wait3A_207 : memref<1x128x128xf32, #tpu.memory_space<vmem>> -> memref<128x128xf32, #tpu.memory_space<vmem>>
      %dma_wait3A_209 = arith.constant 0 : i32
      %dma_wait3A_210 = arith.constant 0 : i32
      %dma_wait3A_211 = tpu.memref_slice %arg2[%dma_wait3A_209, %dma_wait3A_210] : memref<10000x128xf32, #tpu.memory_space<hbm>> -> memref<128x128xf32, #tpu.memory_space<hbm>>
      tpu.wait_dma2 semaphore(%arg11 : memref<!tpu.dma_semaphore, #tpu.memory_space<semaphore_mem>>) src(%dma_wait3A_211 : memref<128x128xf32, #tpu.memory_space<hbm>>) dst(%dma_wait3A_208 : memref<128x128xf32, #tpu.memory_space<vmem>>)
      %run_scoped3A_212 = arith.constant 0 : i32
      "tpu.region"() ({
        %run_scoped3A_242 = tpu.sem_alloc : memref<!tpu.dma_semaphore, #tpu.memory_space<semaphore_mem>>
        %dma_start3A_243 = arith.constant 0 : i32
        %dma_start3A_244 = arith.constant 0 : i32
        %dma_start3A_245 = tpu.memref_slice %arg9[%run_scoped3A_212, %dma_start3A_243, %dma_start3A_244] : memref<2x128x128xf32, #tpu.memory_space<vmem>> -> memref<1x128x128xf32, #tpu.memory_space<vmem>>
        %dma_start3A_246 = tpu.memref_squeeze %dma_start3A_245 : memref<1x128x128xf32, #tpu.memory_space<vmem>> -> memref<128x128xf32, #tpu.memory_space<vmem>>
        %dma_start3A_247 = arith.constant 0 : i32
        %dma_start3A_248 = tpu.memref_slice %arg8[%add3A_197, %dma_start3A_247] : memref<48x128xi32, #tpu.memory_space<vmem>> -> memref<1x128xi32, #tpu.memory_space<vmem>>
        %dma_start3A_249 = tpu.memref_squeeze %dma_start3A_248 : memref<1x128xi32, #tpu.memory_space<vmem>> -> memref<128xi32, #tpu.memory_space<vmem>>
        %dma_start3A_250 = arith.constant 0 : i32
        %dma_start3A_251 = arith.constant 0 : i32
        %dma_start3A_252 = tpu.memref_slice %arg10[%dma_start3A_250, %dma_start3A_251] : memref<10240x128xf32, #tpu.memory_space<vmem_shared>> -> memref<10240x128xf32, #tpu.memory_space<vmem_shared>>
        tpu.enqueue_indirect_dma source(%dma_start3A_246 : memref<128x128xf32, #tpu.memory_space<vmem>>) target(%dma_start3A_252 : memref<10240x128xf32, #tpu.memory_space<vmem_shared>>) offsets(%dma_start3A_249 : memref<128xi32, #tpu.memory_space<vmem>>) semaphore(%run_scoped3A_242 : memref<!tpu.dma_semaphore, #tpu.memory_space<semaphore_mem>>) {add = true}
        %dma_wait3A_253 = arith.constant 0 : i32
        %dma_wait3A_254 = arith.constant 0 : i32
        %dma_wait3A_255 = tpu.memref_slice %arg9[%run_scoped3A_212, %dma_wait3A_253, %dma_wait3A_254] : memref<2x128x128xf32, #tpu.memory_space<vmem>> -> memref<1x128x128xf32, #tpu.memory_space<vmem>>
        %dma_wait3A_256 = tpu.memref_squeeze %dma_wait3A_255 : memref<1x128x128xf32, #tpu.memory_space<vmem>> -> memref<128x128xf32, #tpu.memory_space<vmem>>
        %dma_wait3A_257 = arith.constant 0 : i32
        %dma_wait3A_258 = tpu.memref_slice %arg8[%add3A_197, %dma_wait3A_257] : memref<48x128xi32, #tpu.memory_space<vmem>> -> memref<1x128xi32, #tpu.memory_space<vmem>>
        %dma_wait3A_259 = tpu.memref_squeeze %dma_wait3A_258 : memref<1x128xi32, #tpu.memory_space<vmem>> -> memref<128xi32, #tpu.memory_space<vmem>>
        %dma_wait3A_260 = arith.constant 0 : i32
        %dma_wait3A_261 = arith.constant 0 : i32
        %dma_wait3A_262 = tpu.memref_slice %arg10[%dma_wait3A_260, %dma_wait3A_261] : memref<10240x128xf32, #tpu.memory_space<vmem_shared>> -> memref<10240x128xf32, #tpu.memory_space<vmem_shared>>
        tpu.wait_indirect_dma semaphore(%run_scoped3A_242 : memref<!tpu.dma_semaphore, #tpu.memory_space<semaphore_mem>>) src(%dma_wait3A_256 : memref<128x128xf32, #tpu.memory_space<vmem>>) dst(%dma_wait3A_262 : memref<10240x128xf32, #tpu.memory_space<vmem_shared>>)
        tpu.yield
      }) : () -> ()
      "tpu.region"() ({
        %run_scoped3A_242 = tpu.sem_alloc : memref<!tpu.dma_semaphore, #tpu.memory_space<semaphore_mem>>
        %dma_start3A_243 = arith.constant 0 : i32
        %dma_start3A_244 = tpu.memref_slice %arg8[%add3A_197, %dma_start3A_243] : memref<48x128xi32, #tpu.memory_space<vmem>> -> memref<1x128xi32, #tpu.memory_space<vmem>>
        %dma_start3A_245 = tpu.memref_squeeze %dma_start3A_244 : memref<1x128xi32, #tpu.memory_space<vmem>> -> memref<128xi32, #tpu.memory_space<vmem>>
        %dma_start3A_246 = arith.constant 0 : i32
        %dma_start3A_247 = tpu.memref_slice %arg14[%dma_start3A_246] : memref<10240xf32, #tpu.memory_space<vmem_shared>> -> memref<10240xf32, #tpu.memory_space<vmem_shared>>
        tpu.enqueue_indirect_dma source(%arg13 : memref<128xf32, #tpu.memory_space<vmem>>) target(%dma_start3A_247 : memref<10240xf32, #tpu.memory_space<vmem_shared>>) offsets(%dma_start3A_245 : memref<128xi32, #tpu.memory_space<vmem>>) semaphore(%run_scoped3A_242 : memref<!tpu.dma_semaphore, #tpu.memory_space<semaphore_mem>>) {add = true}
        %dma_wait3A_248 = arith.constant 0 : i32
        %dma_wait3A_249 = tpu.memref_slice %arg8[%add3A_197, %dma_wait3A_248] : memref<48x128xi32, #tpu.memory_space<vmem>> -> memref<1x128xi32, #tpu.memory_space<vmem>>
        %dma_wait3A_250 = tpu.memref_squeeze %dma_wait3A_249 : memref<1x128xi32, #tpu.memory_space<vmem>> -> memref<128xi32, #tpu.memory_space<vmem>>
        %dma_wait3A_251 = arith.constant 0 : i32
        %dma_wait3A_252 = tpu.memref_slice %arg14[%dma_wait3A_251] : memref<10240xf32, #tpu.memory_space<vmem_shared>> -> memref<10240xf32, #tpu.memory_space<vmem_shared>>
        tpu.wait_indirect_dma semaphore(%run_scoped3A_242 : memref<!tpu.dma_semaphore, #tpu.memory_space<semaphore_mem>>) src(%arg13 : memref<128xf32, #tpu.memory_space<vmem>>) dst(%dma_wait3A_252 : memref<10240xf32, #tpu.memory_space<vmem_shared>>)
        tpu.yield
      }) : () -> ()
      %add3A_213 = arith.constant 1 : i32
      %add3A_214 = arith.addi %scan3A_195, %add3A_213 : i32
      %lt3A = arith.constant 16 : i32
      %lt3A_215 = arith.cmpi slt, %add3A_214, %lt3A : i32
      %convert_element_type3A = arith.extui %lt3A_215 : i1 to i32
      %cond3A = arith.constant 0 : i32
      %cond3A_216 = arith.cmpi ne, %convert_element_type3A, %cond3A : i32
      scf.if %cond3A_216 {
        %add3A_242 = arith.constant 1 : i32
        %add3A_243 = arith.addi %add3A_197, %add3A_242 : i32
        %dma_start3A_244 = arith.constant 0 : i32
        %dma_start3A_245 = arith.constant 0 : i32
        %dma_start3A_246 = arith.constant 0 : i32
        %dma_start3A_247 = tpu.memref_slice %arg9[%dma_start3A_244, %dma_start3A_245, %dma_start3A_246] : memref<2x128x128xf32, #tpu.memory_space<vmem>> -> memref<1x128x128xf32, #tpu.memory_space<vmem>>
        %dma_start3A_248 = tpu.memref_squeeze %dma_start3A_247 : memref<1x128x128xf32, #tpu.memory_space<vmem>> -> memref<128x128xf32, #tpu.memory_space<vmem>>
        %dma_start3A_249 = arith.constant 0 : i32
        %dma_start3A_250 = tpu.memref_slice %arg7[%add3A_243, %dma_start3A_249] : memref<48x128xi32, #tpu.memory_space<vmem>> -> memref<1x128xi32, #tpu.memory_space<vmem>>
        %dma_start3A_251 = tpu.memref_squeeze %dma_start3A_250 : memref<1x128xi32, #tpu.memory_space<vmem>> -> memref<128xi32, #tpu.memory_space<vmem>>
        %dma_start3A_252 = arith.constant 0 : i32
        %dma_start3A_253 = arith.constant 0 : i32
        %dma_start3A_254 = tpu.memref_slice %arg2[%dma_start3A_252, %dma_start3A_253] : memref<10000x128xf32, #tpu.memory_space<hbm>> -> memref<10000x128xf32, #tpu.memory_space<hbm>>
        tpu.enqueue_indirect_dma source(%dma_start3A_254 : memref<10000x128xf32, #tpu.memory_space<hbm>>) target(%dma_start3A_248 : memref<128x128xf32, #tpu.memory_space<vmem>>) offsets(%dma_start3A_251 : memref<128xi32, #tpu.memory_space<vmem>>) semaphore(%arg11 : memref<!tpu.dma_semaphore, #tpu.memory_space<semaphore_mem>>)
      } else {
      }
      %add3A_217 = arith.constant 16 : i32
      %add3A_218 = arith.addi %add3A_217, %scan3A_195 : i32
      %dma_wait3A_219 = arith.constant 1 : i32
      %dma_wait3A_220 = arith.constant 0 : i32
      %dma_wait3A_221 = arith.constant 0 : i32
      %dma_wait3A_222 = tpu.memref_slice %arg9[%dma_wait3A_219, %dma_wait3A_220, %dma_wait3A_221] : memref<2x128x128xf32, #tpu.memory_space<vmem>> -> memref<1x128x128xf32, #tpu.memory_space<vmem>>
      %dma_wait3A_223 = tpu.memref_squeeze %dma_wait3A_222 : memref<1x128x128xf32, #tpu.memory_space<vmem>> -> memref<128x128xf32, #tpu.memory_space<vmem>>
      %dma_wait3A_224 = arith.constant 0 : i32
      %dma_wait3A_225 = arith.constant 0 : i32
      %dma_wait3A_226 = tpu.memref_slice %arg2[%dma_wait3A_224, %dma_wait3A_225] : memref<10000x128xf32, #tpu.memory_space<hbm>> -> memref<128x128xf32, #tpu.memory_space<hbm>>
      %dma_wait3A_227 = arith.constant 0 : i32
      %dma_wait3A_228 = arith.constant 0 : i32
      %dma_wait3A_229 = tpu.memref_slice %arg9[%dma_wait3A_219, %dma_wait3A_227, %dma_wait3A_228] : memref<2x128x128xf32, #tpu.memory_space<vmem>> -> memref<1x128x128xf32, #tpu.memory_space<vmem>>
      %dma_wait3A_230 = tpu.memref_squeeze %dma_wait3A_229 : memref<1x128x128xf32, #tpu.memory_space<vmem>> -> memref<128x128xf32, #tpu.memory_space<vmem>>
      %dma_wait3A_231 = arith.constant 0 : i32
      %dma_wait3A_232 = arith.constant 0 : i32
      %dma_wait3A_233 = tpu.memref_slice %arg2[%dma_wait3A_231, %dma_wait3A_232] : memref<10000x128xf32, #tpu.memory_space<hbm>> -> memref<128x128xf32, #tpu.memory_space<hbm>>
      tpu.wait_dma2 semaphore(%arg12 : memref<!tpu.dma_semaphore, #tpu.memory_space<semaphore_mem>>) src(%dma_wait3A_233 : memref<128x128xf32, #tpu.memory_space<hbm>>) dst(%dma_wait3A_230 : memref<128x128xf32, #tpu.memory_space<vmem>>)
      %run_scoped3A_234 = arith.constant 1 : i32
      "tpu.region"() ({
        %run_scoped3A_242 = tpu.sem_alloc : memref<!tpu.dma_semaphore, #tpu.memory_space<semaphore_mem>>
        %dma_start3A_243 = arith.constant 0 : i32
        %dma_start3A_244 = arith.constant 0 : i32
        %dma_start3A_245 = tpu.memref_slice %arg9[%run_scoped3A_234, %dma_start3A_243, %dma_start3A_244] : memref<2x128x128xf32, #tpu.memory_space<vmem>> -> memref<1x128x128xf32, #tpu.memory_space<vmem>>
        %dma_start3A_246 = tpu.memref_squeeze %dma_start3A_245 : memref<1x128x128xf32, #tpu.memory_space<vmem>> -> memref<128x128xf32, #tpu.memory_space<vmem>>
        %dma_start3A_247 = arith.constant 0 : i32
        %dma_start3A_248 = tpu.memref_slice %arg8[%add3A_218, %dma_start3A_247] : memref<48x128xi32, #tpu.memory_space<vmem>> -> memref<1x128xi32, #tpu.memory_space<vmem>>
        %dma_start3A_249 = tpu.memref_squeeze %dma_start3A_248 : memref<1x128xi32, #tpu.memory_space<vmem>> -> memref<128xi32, #tpu.memory_space<vmem>>
        %dma_start3A_250 = arith.constant 0 : i32
        %dma_start3A_251 = arith.constant 0 : i32
        %dma_start3A_252 = tpu.memref_slice %arg10[%dma_start3A_250, %dma_start3A_251] : memref<10240x128xf32, #tpu.memory_space<vmem_shared>> -> memref<10240x128xf32, #tpu.memory_space<vmem_shared>>
        tpu.enqueue_indirect_dma source(%dma_start3A_246 : memref<128x128xf32, #tpu.memory_space<vmem>>) target(%dma_start3A_252 : memref<10240x128xf32, #tpu.memory_space<vmem_shared>>) offsets(%dma_start3A_249 : memref<128xi32, #tpu.memory_space<vmem>>) semaphore(%run_scoped3A_242 : memref<!tpu.dma_semaphore, #tpu.memory_space<semaphore_mem>>) {add = true}
        %dma_wait3A_253 = arith.constant 0 : i32
        %dma_wait3A_254 = arith.constant 0 : i32
        %dma_wait3A_255 = tpu.memref_slice %arg9[%run_scoped3A_234, %dma_wait3A_253, %dma_wait3A_254] : memref<2x128x128xf32, #tpu.memory_space<vmem>> -> memref<1x128x128xf32, #tpu.memory_space<vmem>>
        %dma_wait3A_256 = tpu.memref_squeeze %dma_wait3A_255 : memref<1x128x128xf32, #tpu.memory_space<vmem>> -> memref<128x128xf32, #tpu.memory_space<vmem>>
        %dma_wait3A_257 = arith.constant 0 : i32
        %dma_wait3A_258 = tpu.memref_slice %arg8[%add3A_218, %dma_wait3A_257] : memref<48x128xi32, #tpu.memory_space<vmem>> -> memref<1x128xi32, #tpu.memory_space<vmem>>
        %dma_wait3A_259 = tpu.memref_squeeze %dma_wait3A_258 : memref<1x128xi32, #tpu.memory_space<vmem>> -> memref<128xi32, #tpu.memory_space<vmem>>
        %dma_wait3A_260 = arith.constant 0 : i32
        %dma_wait3A_261 = arith.constant 0 : i32
        %dma_wait3A_262 = tpu.memref_slice %arg10[%dma_wait3A_260, %dma_wait3A_261] : memref<10240x128xf32, #tpu.memory_space<vmem_shared>> -> memref<10240x128xf32, #tpu.memory_space<vmem_shared>>
        tpu.wait_indirect_dma semaphore(%run_scoped3A_242 : memref<!tpu.dma_semaphore, #tpu.memory_space<semaphore_mem>>) src(%dma_wait3A_256 : memref<128x128xf32, #tpu.memory_space<vmem>>) dst(%dma_wait3A_262 : memref<10240x128xf32, #tpu.memory_space<vmem_shared>>)
        tpu.yield
      }) : () -> ()
      "tpu.region"() ({
        %run_scoped3A_242 = tpu.sem_alloc : memref<!tpu.dma_semaphore, #tpu.memory_space<semaphore_mem>>
        %dma_start3A_243 = arith.constant 0 : i32
        %dma_start3A_244 = tpu.memref_slice %arg8[%add3A_218, %dma_start3A_243] : memref<48x128xi32, #tpu.memory_space<vmem>> -> memref<1x128xi32, #tpu.memory_space<vmem>>
        %dma_start3A_245 = tpu.memref_squeeze %dma_start3A_244 : memref<1x128xi32, #tpu.memory_space<vmem>> -> memref<128xi32, #tpu.memory_space<vmem>>
        %dma_start3A_246 = arith.constant 0 : i32
        %dma_start3A_247 = tpu.memref_slice %arg14[%dma_start3A_246] : memref<10240xf32, #tpu.memory_space<vmem_shared>> -> memref<10240xf32, #tpu.memory_space<vmem_shared>>
        tpu.enqueue_indirect_dma source(%arg13 : memref<128xf32, #tpu.memory_space<vmem>>) target(%dma_start3A_247 : memref<10240xf32, #tpu.memory_space<vmem_shared>>) offsets(%dma_start3A_245 : memref<128xi32, #tpu.memory_space<vmem>>) semaphore(%run_scoped3A_242 : memref<!tpu.dma_semaphore, #tpu.memory_space<semaphore_mem>>) {add = true}
        %dma_wait3A_248 = arith.constant 0 : i32
        %dma_wait3A_249 = tpu.memref_slice %arg8[%add3A_218, %dma_wait3A_248] : memref<48x128xi32, #tpu.memory_space<vmem>> -> memref<1x128xi32, #tpu.memory_space<vmem>>
        %dma_wait3A_250 = tpu.memref_squeeze %dma_wait3A_249 : memref<1x128xi32, #tpu.memory_space<vmem>> -> memref<128xi32, #tpu.memory_space<vmem>>
        %dma_wait3A_251 = arith.constant 0 : i32
        %dma_wait3A_252 = tpu.memref_slice %arg14[%dma_wait3A_251] : memref<10240xf32, #tpu.memory_space<vmem_shared>> -> memref<10240xf32, #tpu.memory_space<vmem_shared>>
        tpu.wait_indirect_dma semaphore(%run_scoped3A_242 : memref<!tpu.dma_semaphore, #tpu.memory_space<semaphore_mem>>) src(%arg13 : memref<128xf32, #tpu.memory_space<vmem>>) dst(%dma_wait3A_252 : memref<10240xf32, #tpu.memory_space<vmem_shared>>)
        tpu.yield
      }) : () -> ()
      %add3A_235 = arith.constant 1 : i32
      %add3A_236 = arith.addi %scan3A_195, %add3A_235 : i32
      %lt3A_237 = arith.constant 16 : i32
      %lt3A_238 = arith.cmpi slt, %add3A_236, %lt3A_237 : i32
      %convert_element_type3A_239 = arith.extui %lt3A_238 : i1 to i32
      %cond3A_240 = arith.constant 0 : i32
      %cond3A_241 = arith.cmpi ne, %convert_element_type3A_239, %cond3A_240 : i32
      scf.if %cond3A_241 {
        %add3A_242 = arith.constant 1 : i32
        %add3A_243 = arith.addi %add3A_218, %add3A_242 : i32
        %dma_start3A_244 = arith.constant 1 : i32
        %dma_start3A_245 = arith.constant 0 : i32
        %dma_start3A_246 = arith.constant 0 : i32
        %dma_start3A_247 = tpu.memref_slice %arg9[%dma_start3A_244, %dma_start3A_245, %dma_start3A_246] : memref<2x128x128xf32, #tpu.memory_space<vmem>> -> memref<1x128x128xf32, #tpu.memory_space<vmem>>
        %dma_start3A_248 = tpu.memref_squeeze %dma_start3A_247 : memref<1x128x128xf32, #tpu.memory_space<vmem>> -> memref<128x128xf32, #tpu.memory_space<vmem>>
        %dma_start3A_249 = arith.constant 0 : i32
        %dma_start3A_250 = tpu.memref_slice %arg7[%add3A_243, %dma_start3A_249] : memref<48x128xi32, #tpu.memory_space<vmem>> -> memref<1x128xi32, #tpu.memory_space<vmem>>
        %dma_start3A_251 = tpu.memref_squeeze %dma_start3A_250 : memref<1x128xi32, #tpu.memory_space<vmem>> -> memref<128xi32, #tpu.memory_space<vmem>>
        %dma_start3A_252 = arith.constant 0 : i32
        %dma_start3A_253 = arith.constant 0 : i32
        %dma_start3A_254 = tpu.memref_slice %arg2[%dma_start3A_252, %dma_start3A_253] : memref<10000x128xf32, #tpu.memory_space<hbm>> -> memref<10000x128xf32, #tpu.memory_space<hbm>>
        tpu.enqueue_indirect_dma source(%dma_start3A_254 : memref<10000x128xf32, #tpu.memory_space<hbm>>) target(%dma_start3A_248 : memref<128x128xf32, #tpu.memory_space<vmem>>) offsets(%dma_start3A_251 : memref<128xi32, #tpu.memory_space<vmem>>) semaphore(%arg12 : memref<!tpu.dma_semaphore, #tpu.memory_space<semaphore_mem>>)
      } else {
      }
    }
    %scan3A_185 = arith.constant 16 : i32
    %barrier3A_186 = arith.constant 0 : index
    tpu.barrier barrier_id(%barrier3A_186)
    %mul3A_187 = arith.constant 640 : i32
    %mul3A_188 = arith.muli %arg1, %mul3A_187 : i32
    %mul3A_189 = arith.constant 640 : i32
    %mul3A_190 = arith.muli %arg1, %mul3A_189 : i32
    "tpu.region"() ({
      %run_scoped3A_195 = tpu.sem_alloc : memref<!tpu.dma_semaphore, #tpu.memory_space<semaphore_mem>>
      %dma_start3A_196 = arith.constant 0 : i32
      %dma_start3A_197 = tpu.memref_slice %arg5[%arg0, %mul3A_190, %dma_start3A_196] : memref<2x10240x128xf32, #tpu.memory_space<hbm>> -> memref<1x640x128xf32, #tpu.memory_space<hbm>>
      %dma_start3A_198 = tpu.memref_squeeze %dma_start3A_197 : memref<1x640x128xf32, #tpu.memory_space<hbm>> -> memref<640x128xf32, #tpu.memory_space<hbm>>
      %dma_start3A_199 = arith.constant 0 : i32
      %dma_start3A_200 = tpu.memref_slice %arg10[%mul3A_188, %dma_start3A_199] : memref<10240x128xf32, #tpu.memory_space<vmem_shared>> -> memref<640x128xf32, #tpu.memory_space<vmem_shared>>
      tpu.enqueue_dma source(%dma_start3A_200 : memref<640x128xf32, #tpu.memory_space<vmem_shared>>) target(%dma_start3A_198 : memref<640x128xf32, #tpu.memory_space<hbm>>) target_semaphore(%run_scoped3A_195 : memref<!tpu.dma_semaphore, #tpu.memory_space<semaphore_mem>>)
      %dma_wait3A = arith.constant 0 : i32
      %dma_wait3A_201 = tpu.memref_slice %arg5[%arg0, %mul3A_190, %dma_wait3A] : memref<2x10240x128xf32, #tpu.memory_space<hbm>> -> memref<1x640x128xf32, #tpu.memory_space<hbm>>
      %dma_wait3A_202 = tpu.memref_squeeze %dma_wait3A_201 : memref<1x640x128xf32, #tpu.memory_space<hbm>> -> memref<640x128xf32, #tpu.memory_space<hbm>>
      %dma_wait3A_203 = arith.constant 0 : i32
      %dma_wait3A_204 = tpu.memref_slice %arg10[%mul3A_188, %dma_wait3A_203] : memref<10240x128xf32, #tpu.memory_space<vmem_shared>> -> memref<640x128xf32, #tpu.memory_space<vmem_shared>>
      tpu.wait_dma2 semaphore(%run_scoped3A_195 : memref<!tpu.dma_semaphore, #tpu.memory_space<semaphore_mem>>) src(%dma_wait3A_204 : memref<640x128xf32, #tpu.memory_space<vmem_shared>>) dst(%dma_wait3A_202 : memref<640x128xf32, #tpu.memory_space<hbm>>)
      tpu.yield
    }) : () -> ()
    %mul3A_191 = arith.constant 640 : i32
    %mul3A_192 = arith.muli %arg1, %mul3A_191 : i32
    %mul3A_193 = arith.constant 640 : i32
    %mul3A_194 = arith.muli %arg1, %mul3A_193 : i32
    "tpu.region"() ({
      %run_scoped3A_195 = tpu.sem_alloc : memref<!tpu.dma_semaphore, #tpu.memory_space<semaphore_mem>>
      %dma_start3A_196 = tpu.memref_slice %arg6[%arg0, %mul3A_194] : memref<2x10240xf32, #tpu.memory_space<hbm>> -> memref<1x640xf32, #tpu.memory_space<hbm>>
      %dma_start3A_197 = tpu.memref_squeeze %dma_start3A_196 : memref<1x640xf32, #tpu.memory_space<hbm>> -> memref<640xf32, #tpu.memory_space<hbm>>
      %dma_start3A_198 = tpu.memref_slice %arg14[%mul3A_192] : memref<10240xf32, #tpu.memory_space<vmem_shared>> -> memref<640xf32, #tpu.memory_space<vmem_shared>>
      tpu.enqueue_dma source(%dma_start3A_198 : memref<640xf32, #tpu.memory_space<vmem_shared>>) target(%dma_start3A_197 : memref<640xf32, #tpu.memory_space<hbm>>) target_semaphore(%run_scoped3A_195 : memref<!tpu.dma_semaphore, #tpu.memory_space<semaphore_mem>>)
      %dma_wait3A = tpu.memref_slice %arg6[%arg0, %mul3A_194] : memref<2x10240xf32, #tpu.memory_space<hbm>> -> memref<1x640xf32, #tpu.memory_space<hbm>>
      %dma_wait3A_199 = tpu.memref_squeeze %dma_wait3A : memref<1x640xf32, #tpu.memory_space<hbm>> -> memref<640xf32, #tpu.memory_space<hbm>>
      %dma_wait3A_200 = tpu.memref_slice %arg14[%mul3A_192] : memref<10240xf32, #tpu.memory_space<vmem_shared>> -> memref<640xf32, #tpu.memory_space<vmem_shared>>
      tpu.wait_dma2 semaphore(%run_scoped3A_195 : memref<!tpu.dma_semaphore, #tpu.memory_space<semaphore_mem>>) src(%dma_wait3A_200 : memref<640xf32, #tpu.memory_space<vmem_shared>>) dst(%dma_wait3A_199 : memref<640xf32, #tpu.memory_space<hbm>>)
      tpu.yield
    }) : () -> ()
    return
  }
}

#map = affine_map<(d0, d1) -> (0, 0)>
#map1 = affine_map<(d0, d1) -> (0, 0, 0)>
module attributes {stable_mosaic.version = 14 : i64} {
  func.func @body(%arg0: i32, %arg1: i32, %arg2: memref<10000x128xf32, #tpu.memory_space<hbm>>, %arg3: memref<2576x128xi32, #tpu.memory_space<hbm>>, %arg4: memref<2576x128xi32, #tpu.memory_space<hbm>>, %arg5: memref<2x10240x128xf32, #tpu.memory_space<hbm>>, %arg6: memref<48x128xi32, #tpu.memory_space<vmem>>, %arg7: memref<48x128xi32, #tpu.memory_space<vmem>>, %arg8: memref<2x128x128xf32, #tpu.memory_space<vmem>>, %arg9: memref<10240x128xf32, #tpu.memory_space<vmem_shared>>, %arg10: memref<!tpu.dma_semaphore, #tpu.memory_space<semaphore_mem>>, %arg11: memref<!tpu.dma_semaphore, #tpu.memory_space<semaphore_mem>>) attributes {dimension_semantics = [#tpu.dimension_semantics<core_parallel>, #tpu.dimension_semantics<subcore_parallel>], iteration_bounds = array<i64: 2, 16>, scalar_prefetch = 0 : i64, scratch_operands = 6 : i64, tpu.core_type = #tpu.core_type<sc_vector_subcore>, window_params = [{transform_indices = #map}, {transform_indices = #map}, {transform_indices = #map}, {transform_indices = #map1}]} {
    %scan3A = arith.constant 0 : i32
    %scan3A_0 = arith.constant 0 : i32
    %scan3A_1 = arith.constant 128 : i32
    %scan3A_2 = arith.addi %scan3A_0, %scan3A_1 : i32
    %scan3A_3 = arith.constant 1 : i32
    scf.for %scan3A_115 = %scan3A_0 to %scan3A_2 step %scan3A_3  : i32 {
      %broadcast_in_dim3A = arith.constant 0.000000e+00 : f32
      %broadcast_in_dim3A_116 = vector.broadcast %broadcast_in_dim3A : f32 to vector<16xf32>
      %swap3A = arith.constant 0 : i32
      %swap3A_117 = arith.index_cast %swap3A : i32 to index
      %swap3A_118 = arith.index_cast %scan3A_115 : i32 to index
      %swap3A_119 = arith.constant 0 : index
      %swap3A_120 = tpu.vector_load %arg8[%swap3A_117, %swap3A_118, %swap3A_119] {strides = array<i32>} : memref<2x128x128xf32, #tpu.memory_space<vmem>>, vector<1x1x16xf32>,
      %swap3A_121 = vector.shape_cast %swap3A_120 : vector<1x1x16xf32> to vector<16xf32>
      %swap3A_122 = vector.shape_cast %broadcast_in_dim3A_116 : vector<16xf32> to vector<1x1x16xf32>
      tpu.vector_store %arg8[%swap3A_117, %swap3A_118, %swap3A_119], %swap3A_122 {strides = array<i32>} : memref<2x128x128xf32, #tpu.memory_space<vmem>>, vector<1x1x16xf32>,
      %broadcast_in_dim3A_123 = arith.constant 0.000000e+00 : f32
      %broadcast_in_dim3A_124 = vector.broadcast %broadcast_in_dim3A_123 : f32 to vector<16xf32>
      %swap3A_125 = arith.constant 0 : i32
      %swap3A_126 = arith.index_cast %swap3A_125 : i32 to index
      %swap3A_127 = arith.index_cast %scan3A_115 : i32 to index
      %swap3A_128 = arith.constant 16 : index
      %swap3A_129 = tpu.vector_load %arg8[%swap3A_126, %swap3A_127, %swap3A_128] {strides = array<i32>} : memref<2x128x128xf32, #tpu.memory_space<vmem>>, vector<1x1x16xf32>,
      %swap3A_130 = vector.shape_cast %swap3A_129 : vector<1x1x16xf32> to vector<16xf32>
      %swap3A_131 = vector.shape_cast %broadcast_in_dim3A_124 : vector<16xf32> to vector<1x1x16xf32>
      tpu.vector_store %arg8[%swap3A_126, %swap3A_127, %swap3A_128], %swap3A_131 {strides = array<i32>} : memref<2x128x128xf32, #tpu.memory_space<vmem>>, vector<1x1x16xf32>,
      %broadcast_in_dim3A_132 = arith.constant 0.000000e+00 : f32
      %broadcast_in_dim3A_133 = vector.broadcast %broadcast_in_dim3A_132 : f32 to vector<16xf32>
      %swap3A_134 = arith.constant 0 : i32
      %swap3A_135 = arith.index_cast %swap3A_134 : i32 to index
      %swap3A_136 = arith.index_cast %scan3A_115 : i32 to index
      %swap3A_137 = arith.constant 32 : index
      %swap3A_138 = tpu.vector_load %arg8[%swap3A_135, %swap3A_136, %swap3A_137] {strides = array<i32>} : memref<2x128x128xf32, #tpu.memory_space<vmem>>, vector<1x1x16xf32>,
      %swap3A_139 = vector.shape_cast %swap3A_138 : vector<1x1x16xf32> to vector<16xf32>
      %swap3A_140 = vector.shape_cast %broadcast_in_dim3A_133 : vector<16xf32> to vector<1x1x16xf32>
      tpu.vector_store %arg8[%swap3A_135, %swap3A_136, %swap3A_137], %swap3A_140 {strides = array<i32>} : memref<2x128x128xf32, #tpu.memory_space<vmem>>, vector<1x1x16xf32>,
      %broadcast_in_dim3A_141 = arith.constant 0.000000e+00 : f32
      %broadcast_in_dim3A_142 = vector.broadcast %broadcast_in_dim3A_141 : f32 to vector<16xf32>
      %swap3A_143 = arith.constant 0 : i32
      %swap3A_144 = arith.index_cast %swap3A_143 : i32 to index
      %swap3A_145 = arith.index_cast %scan3A_115 : i32 to index
      %swap3A_146 = arith.constant 48 : index
      %swap3A_147 = tpu.vector_load %arg8[%swap3A_144, %swap3A_145, %swap3A_146] {strides = array<i32>} : memref<2x128x128xf32, #tpu.memory_space<vmem>>, vector<1x1x16xf32>,
      %swap3A_148 = vector.shape_cast %swap3A_147 : vector<1x1x16xf32> to vector<16xf32>
      %swap3A_149 = vector.shape_cast %broadcast_in_dim3A_142 : vector<16xf32> to vector<1x1x16xf32>
      tpu.vector_store %arg8[%swap3A_144, %swap3A_145, %swap3A_146], %swap3A_149 {strides = array<i32>} : memref<2x128x128xf32, #tpu.memory_space<vmem>>, vector<1x1x16xf32>,
      %broadcast_in_dim3A_150 = arith.constant 0.000000e+00 : f32
      %broadcast_in_dim3A_151 = vector.broadcast %broadcast_in_dim3A_150 : f32 to vector<16xf32>
      %swap3A_152 = arith.constant 0 : i32
      %swap3A_153 = arith.index_cast %swap3A_152 : i32 to index
      %swap3A_154 = arith.index_cast %scan3A_115 : i32 to index
      %swap3A_155 = arith.constant 64 : index
      %swap3A_156 = tpu.vector_load %arg8[%swap3A_153, %swap3A_154, %swap3A_155] {strides = array<i32>} : memref<2x128x128xf32, #tpu.memory_space<vmem>>, vector<1x1x16xf32>,
      %swap3A_157 = vector.shape_cast %swap3A_156 : vector<1x1x16xf32> to vector<16xf32>
      %swap3A_158 = vector.shape_cast %broadcast_in_dim3A_151 : vector<16xf32> to vector<1x1x16xf32>
      tpu.vector_store %arg8[%swap3A_153, %swap3A_154, %swap3A_155], %swap3A_158 {strides = array<i32>} : memref<2x128x128xf32, #tpu.memory_space<vmem>>, vector<1x1x16xf32>,
      %broadcast_in_dim3A_159 = arith.constant 0.000000e+00 : f32
      %broadcast_in_dim3A_160 = vector.broadcast %broadcast_in_dim3A_159 : f32 to vector<16xf32>
      %swap3A_161 = arith.constant 0 : i32
      %swap3A_162 = arith.index_cast %swap3A_161 : i32 to index
      %swap3A_163 = arith.index_cast %scan3A_115 : i32 to index
      %swap3A_164 = arith.constant 80 : index
      %swap3A_165 = tpu.vector_load %arg8[%swap3A_162, %swap3A_163, %swap3A_164] {strides = array<i32>} : memref<2x128x128xf32, #tpu.memory_space<vmem>>, vector<1x1x16xf32>,
      %swap3A_166 = vector.shape_cast %swap3A_165 : vector<1x1x16xf32> to vector<16xf32>
      %swap3A_167 = vector.shape_cast %broadcast_in_dim3A_160 : vector<16xf32> to vector<1x1x16xf32>
      tpu.vector_store %arg8[%swap3A_162, %swap3A_163, %swap3A_164], %swap3A_167 {strides = array<i32>} : memref<2x128x128xf32, #tpu.memory_space<vmem>>, vector<1x1x16xf32>,
      %broadcast_in_dim3A_168 = arith.constant 0.000000e+00 : f32
      %broadcast_in_dim3A_169 = vector.broadcast %broadcast_in_dim3A_168 : f32 to vector<16xf32>
      %swap3A_170 = arith.constant 0 : i32
      %swap3A_171 = arith.index_cast %swap3A_170 : i32 to index
      %swap3A_172 = arith.index_cast %scan3A_115 : i32 to index
      %swap3A_173 = arith.constant 96 : index
      %swap3A_174 = tpu.vector_load %arg8[%swap3A_171, %swap3A_172, %swap3A_173] {strides = array<i32>} : memref<2x128x128xf32, #tpu.memory_space<vmem>>, vector<1x1x16xf32>,
      %swap3A_175 = vector.shape_cast %swap3A_174 : vector<1x1x16xf32> to vector<16xf32>
      %swap3A_176 = vector.shape_cast %broadcast_in_dim3A_169 : vector<16xf32> to vector<1x1x16xf32>
      tpu.vector_store %arg8[%swap3A_171, %swap3A_172, %swap3A_173], %swap3A_176 {strides = array<i32>} : memref<2x128x128xf32, #tpu.memory_space<vmem>>, vector<1x1x16xf32>,
      %broadcast_in_dim3A_177 = arith.constant 0.000000e+00 : f32
      %broadcast_in_dim3A_178 = vector.broadcast %broadcast_in_dim3A_177 : f32 to vector<16xf32>
      %swap3A_179 = arith.constant 0 : i32
      %swap3A_180 = arith.index_cast %swap3A_179 : i32 to index
      %swap3A_181 = arith.index_cast %scan3A_115 : i32 to index
      %swap3A_182 = arith.constant 112 : index
      %swap3A_183 = tpu.vector_load %arg8[%swap3A_180, %swap3A_181, %swap3A_182] {strides = array<i32>} : memref<2x128x128xf32, #tpu.memory_space<vmem>>, vector<1x1x16xf32>,
      %swap3A_184 = vector.shape_cast %swap3A_183 : vector<1x1x16xf32> to vector<16xf32>
      %swap3A_185 = vector.shape_cast %broadcast_in_dim3A_178 : vector<16xf32> to vector<1x1x16xf32>
      tpu.vector_store %arg8[%swap3A_180, %swap3A_181, %swap3A_182], %swap3A_185 {strides = array<i32>} : memref<2x128x128xf32, #tpu.memory_space<vmem>>, vector<1x1x16xf32>,
    }
    %scan3A_4 = arith.constant 128 : i32
    %mul3A = arith.constant 640 : i32
    %mul3A_5 = arith.muli %arg1, %mul3A : i32
    %add3A = arith.constant 0 : i32
    %add3A_6 = arith.addi %mul3A_5, %add3A : i32
    %run_scoped3A = arith.constant 0 : i32
    "tpu.region"() ({
      %run_scoped3A_115 = tpu.sem_alloc : memref<!tpu.dma_semaphore, #tpu.memory_space<semaphore_mem>>
      %dma_start3A_116 = arith.constant 0 : i32
      %dma_start3A_117 = arith.constant 0 : i32
      %dma_start3A_118 = tpu.memref_slice %arg8[%run_scoped3A, %dma_start3A_116, %dma_start3A_117] : memref<2x128x128xf32, #tpu.memory_space<vmem>> -> memref<1x128x128xf32, #tpu.memory_space<vmem>>
      %dma_start3A_119 = tpu.memref_squeeze %dma_start3A_118 : memref<1x128x128xf32, #tpu.memory_space<vmem>> -> memref<128x128xf32, #tpu.memory_space<vmem>>
      %dma_start3A_120 = arith.constant 0 : i32
      %dma_start3A_121 = tpu.memref_slice %arg9[%add3A_6, %dma_start3A_120] : memref<10240x128xf32, #tpu.memory_space<vmem_shared>> -> memref<128x128xf32, #tpu.memory_space<vmem_shared>>
      %dma_start3A_122 = arith.constant 0 : i32
      %dma_start3A_123 = tpu.memref_slice %arg9[%add3A_6, %dma_start3A_122] : memref<10240x128xf32, #tpu.memory_space<vmem_shared>> -> memref<128x128xf32, #tpu.memory_space<vmem_shared>>
      %dma_start3A_124 = arith.constant 0 : i32
      %dma_start3A_125 = arith.constant 0 : i32
      %dma_start3A_126 = tpu.memref_slice %arg8[%run_scoped3A, %dma_start3A_124, %dma_start3A_125] : memref<2x128x128xf32, #tpu.memory_space<vmem>> -> memref<1x128x128xf32, #tpu.memory_space<vmem>>
      %dma_start3A_127 = tpu.memref_squeeze %dma_start3A_126 : memref<1x128x128xf32, #tpu.memory_space<vmem>> -> memref<128x128xf32, #tpu.memory_space<vmem>>
      tpu.enqueue_dma source(%dma_start3A_127 : memref<128x128xf32, #tpu.memory_space<vmem>>) target(%dma_start3A_123 : memref<128x128xf32, #tpu.memory_space<vmem_shared>>) target_semaphore(%run_scoped3A_115 : memref<!tpu.dma_semaphore, #tpu.memory_space<semaphore_mem>>)
      %dma_wait3A = arith.constant 0 : i32
      %dma_wait3A_128 = arith.constant 0 : i32
      %dma_wait3A_129 = tpu.memref_slice %arg8[%run_scoped3A, %dma_wait3A, %dma_wait3A_128] : memref<2x128x128xf32, #tpu.memory_space<vmem>> -> memref<1x128x128xf32, #tpu.memory_space<vmem>>
      %dma_wait3A_130 = tpu.memref_squeeze %dma_wait3A_129 : memref<1x128x128xf32, #tpu.memory_space<vmem>> -> memref<128x128xf32, #tpu.memory_space<vmem>>
      %dma_wait3A_131 = arith.constant 0 : i32
      %dma_wait3A_132 = tpu.memref_slice %arg9[%add3A_6, %dma_wait3A_131] : memref<10240x128xf32, #tpu.memory_space<vmem_shared>> -> memref<128x128xf32, #tpu.memory_space<vmem_shared>>
      %dma_wait3A_133 = arith.constant 0 : i32
      %dma_wait3A_134 = tpu.memref_slice %arg9[%add3A_6, %dma_wait3A_133] : memref<10240x128xf32, #tpu.memory_space<vmem_shared>> -> memref<128x128xf32, #tpu.memory_space<vmem_shared>>
      %dma_wait3A_135 = arith.constant 0 : i32
      %dma_wait3A_136 = arith.constant 0 : i32
      %dma_wait3A_137 = tpu.memref_slice %arg8[%run_scoped3A, %dma_wait3A_135, %dma_wait3A_136] : memref<2x128x128xf32, #tpu.memory_space<vmem>> -> memref<1x128x128xf32, #tpu.memory_space<vmem>>
      %dma_wait3A_138 = tpu.memref_squeeze %dma_wait3A_137 : memref<1x128x128xf32, #tpu.memory_space<vmem>> -> memref<128x128xf32, #tpu.memory_space<vmem>>
      tpu.wait_dma2 semaphore(%run_scoped3A_115 : memref<!tpu.dma_semaphore, #tpu.memory_space<semaphore_mem>>) src(%dma_wait3A_138 : memref<128x128xf32, #tpu.memory_space<vmem>>) dst(%dma_wait3A_134 : memref<128x128xf32, #tpu.memory_space<vmem_shared>>)
      tpu.yield
    }) : () -> ()
    %mul3A_7 = arith.constant 640 : i32
    %mul3A_8 = arith.muli %arg1, %mul3A_7 : i32
    %add3A_9 = arith.constant 128 : i32
    %add3A_10 = arith.addi %mul3A_8, %add3A_9 : i32
    %run_scoped3A_11 = arith.constant 0 : i32
    "tpu.region"() ({
      %run_scoped3A_115 = tpu.sem_alloc : memref<!tpu.dma_semaphore, #tpu.memory_space<semaphore_mem>>
      %dma_start3A_116 = arith.constant 0 : i32
      %dma_start3A_117 = arith.constant 0 : i32
      %dma_start3A_118 = tpu.memref_slice %arg8[%run_scoped3A_11, %dma_start3A_116, %dma_start3A_117] : memref<2x128x128xf32, #tpu.memory_space<vmem>> -> memref<1x128x128xf32, #tpu.memory_space<vmem>>
      %dma_start3A_119 = tpu.memref_squeeze %dma_start3A_118 : memref<1x128x128xf32, #tpu.memory_space<vmem>> -> memref<128x128xf32, #tpu.memory_space<vmem>>
      %dma_start3A_120 = arith.constant 0 : i32
      %dma_start3A_121 = tpu.memref_slice %arg9[%add3A_10, %dma_start3A_120] : memref<10240x128xf32, #tpu.memory_space<vmem_shared>> -> memref<128x128xf32, #tpu.memory_space<vmem_shared>>
      %dma_start3A_122 = arith.constant 0 : i32
      %dma_start3A_123 = tpu.memref_slice %arg9[%add3A_10, %dma_start3A_122] : memref<10240x128xf32, #tpu.memory_space<vmem_shared>> -> memref<128x128xf32, #tpu.memory_space<vmem_shared>>
      %dma_start3A_124 = arith.constant 0 : i32
      %dma_start3A_125 = arith.constant 0 : i32
      %dma_start3A_126 = tpu.memref_slice %arg8[%run_scoped3A_11, %dma_start3A_124, %dma_start3A_125] : memref<2x128x128xf32, #tpu.memory_space<vmem>> -> memref<1x128x128xf32, #tpu.memory_space<vmem>>
      %dma_start3A_127 = tpu.memref_squeeze %dma_start3A_126 : memref<1x128x128xf32, #tpu.memory_space<vmem>> -> memref<128x128xf32, #tpu.memory_space<vmem>>
      tpu.enqueue_dma source(%dma_start3A_127 : memref<128x128xf32, #tpu.memory_space<vmem>>) target(%dma_start3A_123 : memref<128x128xf32, #tpu.memory_space<vmem_shared>>) target_semaphore(%run_scoped3A_115 : memref<!tpu.dma_semaphore, #tpu.memory_space<semaphore_mem>>)
      %dma_wait3A = arith.constant 0 : i32
      %dma_wait3A_128 = arith.constant 0 : i32
      %dma_wait3A_129 = tpu.memref_slice %arg8[%run_scoped3A_11, %dma_wait3A, %dma_wait3A_128] : memref<2x128x128xf32, #tpu.memory_space<vmem>> -> memref<1x128x128xf32, #tpu.memory_space<vmem>>
      %dma_wait3A_130 = tpu.memref_squeeze %dma_wait3A_129 : memref<1x128x128xf32, #tpu.memory_space<vmem>> -> memref<128x128xf32, #tpu.memory_space<vmem>>
      %dma_wait3A_131 = arith.constant 0 : i32
      %dma_wait3A_132 = tpu.memref_slice %arg9[%add3A_10, %dma_wait3A_131] : memref<10240x128xf32, #tpu.memory_space<vmem_shared>> -> memref<128x128xf32, #tpu.memory_space<vmem_shared>>
      %dma_wait3A_133 = arith.constant 0 : i32
      %dma_wait3A_134 = tpu.memref_slice %arg9[%add3A_10, %dma_wait3A_133] : memref<10240x128xf32, #tpu.memory_space<vmem_shared>> -> memref<128x128xf32, #tpu.memory_space<vmem_shared>>
      %dma_wait3A_135 = arith.constant 0 : i32
      %dma_wait3A_136 = arith.constant 0 : i32
      %dma_wait3A_137 = tpu.memref_slice %arg8[%run_scoped3A_11, %dma_wait3A_135, %dma_wait3A_136] : memref<2x128x128xf32, #tpu.memory_space<vmem>> -> memref<1x128x128xf32, #tpu.memory_space<vmem>>
      %dma_wait3A_138 = tpu.memref_squeeze %dma_wait3A_137 : memref<1x128x128xf32, #tpu.memory_space<vmem>> -> memref<128x128xf32, #tpu.memory_space<vmem>>
      tpu.wait_dma2 semaphore(%run_scoped3A_115 : memref<!tpu.dma_semaphore, #tpu.memory_space<semaphore_mem>>) src(%dma_wait3A_138 : memref<128x128xf32, #tpu.memory_space<vmem>>) dst(%dma_wait3A_134 : memref<128x128xf32, #tpu.memory_space<vmem_shared>>)
      tpu.yield
    }) : () -> ()
    %mul3A_12 = arith.constant 640 : i32
    %mul3A_13 = arith.muli %arg1, %mul3A_12 : i32
    %add3A_14 = arith.constant 256 : i32
    %add3A_15 = arith.addi %mul3A_13, %add3A_14 : i32
    %run_scoped3A_16 = arith.constant 0 : i32
    "tpu.region"() ({
      %run_scoped3A_115 = tpu.sem_alloc : memref<!tpu.dma_semaphore, #tpu.memory_space<semaphore_mem>>
      %dma_start3A_116 = arith.constant 0 : i32
      %dma_start3A_117 = arith.constant 0 : i32
      %dma_start3A_118 = tpu.memref_slice %arg8[%run_scoped3A_16, %dma_start3A_116, %dma_start3A_117] : memref<2x128x128xf32, #tpu.memory_space<vmem>> -> memref<1x128x128xf32, #tpu.memory_space<vmem>>
      %dma_start3A_119 = tpu.memref_squeeze %dma_start3A_118 : memref<1x128x128xf32, #tpu.memory_space<vmem>> -> memref<128x128xf32, #tpu.memory_space<vmem>>
      %dma_start3A_120 = arith.constant 0 : i32
      %dma_start3A_121 = tpu.memref_slice %arg9[%add3A_15, %dma_start3A_120] : memref<10240x128xf32, #tpu.memory_space<vmem_shared>> -> memref<128x128xf32, #tpu.memory_space<vmem_shared>>
      %dma_start3A_122 = arith.constant 0 : i32
      %dma_start3A_123 = tpu.memref_slice %arg9[%add3A_15, %dma_start3A_122] : memref<10240x128xf32, #tpu.memory_space<vmem_shared>> -> memref<128x128xf32, #tpu.memory_space<vmem_shared>>
      %dma_start3A_124 = arith.constant 0 : i32
      %dma_start3A_125 = arith.constant 0 : i32
      %dma_start3A_126 = tpu.memref_slice %arg8[%run_scoped3A_16, %dma_start3A_124, %dma_start3A_125] : memref<2x128x128xf32, #tpu.memory_space<vmem>> -> memref<1x128x128xf32, #tpu.memory_space<vmem>>
      %dma_start3A_127 = tpu.memref_squeeze %dma_start3A_126 : memref<1x128x128xf32, #tpu.memory_space<vmem>> -> memref<128x128xf32, #tpu.memory_space<vmem>>
      tpu.enqueue_dma source(%dma_start3A_127 : memref<128x128xf32, #tpu.memory_space<vmem>>) target(%dma_start3A_123 : memref<128x128xf32, #tpu.memory_space<vmem_shared>>) target_semaphore(%run_scoped3A_115 : memref<!tpu.dma_semaphore, #tpu.memory_space<semaphore_mem>>)
      %dma_wait3A = arith.constant 0 : i32
      %dma_wait3A_128 = arith.constant 0 : i32
      %dma_wait3A_129 = tpu.memref_slice %arg8[%run_scoped3A_16, %dma_wait3A, %dma_wait3A_128] : memref<2x128x128xf32, #tpu.memory_space<vmem>> -> memref<1x128x128xf32, #tpu.memory_space<vmem>>
      %dma_wait3A_130 = tpu.memref_squeeze %dma_wait3A_129 : memref<1x128x128xf32, #tpu.memory_space<vmem>> -> memref<128x128xf32, #tpu.memory_space<vmem>>
      %dma_wait3A_131 = arith.constant 0 : i32
      %dma_wait3A_132 = tpu.memref_slice %arg9[%add3A_15, %dma_wait3A_131] : memref<10240x128xf32, #tpu.memory_space<vmem_shared>> -> memref<128x128xf32, #tpu.memory_space<vmem_shared>>
      %dma_wait3A_133 = arith.constant 0 : i32
      %dma_wait3A_134 = tpu.memref_slice %arg9[%add3A_15, %dma_wait3A_133] : memref<10240x128xf32, #tpu.memory_space<vmem_shared>> -> memref<128x128xf32, #tpu.memory_space<vmem_shared>>
      %dma_wait3A_135 = arith.constant 0 : i32
      %dma_wait3A_136 = arith.constant 0 : i32
      %dma_wait3A_137 = tpu.memref_slice %arg8[%run_scoped3A_16, %dma_wait3A_135, %dma_wait3A_136] : memref<2x128x128xf32, #tpu.memory_space<vmem>> -> memref<1x128x128xf32, #tpu.memory_space<vmem>>
      %dma_wait3A_138 = tpu.memref_squeeze %dma_wait3A_137 : memref<1x128x128xf32, #tpu.memory_space<vmem>> -> memref<128x128xf32, #tpu.memory_space<vmem>>
      tpu.wait_dma2 semaphore(%run_scoped3A_115 : memref<!tpu.dma_semaphore, #tpu.memory_space<semaphore_mem>>) src(%dma_wait3A_138 : memref<128x128xf32, #tpu.memory_space<vmem>>) dst(%dma_wait3A_134 : memref<128x128xf32, #tpu.memory_space<vmem_shared>>)
      tpu.yield
    }) : () -> ()
    %mul3A_17 = arith.constant 640 : i32
    %mul3A_18 = arith.muli %arg1, %mul3A_17 : i32
    %add3A_19 = arith.constant 384 : i32
    %add3A_20 = arith.addi %mul3A_18, %add3A_19 : i32
    %run_scoped3A_21 = arith.constant 0 : i32
    "tpu.region"() ({
      %run_scoped3A_115 = tpu.sem_alloc : memref<!tpu.dma_semaphore, #tpu.memory_space<semaphore_mem>>
      %dma_start3A_116 = arith.constant 0 : i32
      %dma_start3A_117 = arith.constant 0 : i32
      %dma_start3A_118 = tpu.memref_slice %arg8[%run_scoped3A_21, %dma_start3A_116, %dma_start3A_117] : memref<2x128x128xf32, #tpu.memory_space<vmem>> -> memref<1x128x128xf32, #tpu.memory_space<vmem>>
      %dma_start3A_119 = tpu.memref_squeeze %dma_start3A_118 : memref<1x128x128xf32, #tpu.memory_space<vmem>> -> memref<128x128xf32, #tpu.memory_space<vmem>>
      %dma_start3A_120 = arith.constant 0 : i32
      %dma_start3A_121 = tpu.memref_slice %arg9[%add3A_20, %dma_start3A_120] : memref<10240x128xf32, #tpu.memory_space<vmem_shared>> -> memref<128x128xf32, #tpu.memory_space<vmem_shared>>
      %dma_start3A_122 = arith.constant 0 : i32
      %dma_start3A_123 = tpu.memref_slice %arg9[%add3A_20, %dma_start3A_122] : memref<10240x128xf32, #tpu.memory_space<vmem_shared>> -> memref<128x128xf32, #tpu.memory_space<vmem_shared>>
      %dma_start3A_124 = arith.constant 0 : i32
      %dma_start3A_125 = arith.constant 0 : i32
      %dma_start3A_126 = tpu.memref_slice %arg8[%run_scoped3A_21, %dma_start3A_124, %dma_start3A_125] : memref<2x128x128xf32, #tpu.memory_space<vmem>> -> memref<1x128x128xf32, #tpu.memory_space<vmem>>
      %dma_start3A_127 = tpu.memref_squeeze %dma_start3A_126 : memref<1x128x128xf32, #tpu.memory_space<vmem>> -> memref<128x128xf32, #tpu.memory_space<vmem>>
      tpu.enqueue_dma source(%dma_start3A_127 : memref<128x128xf32, #tpu.memory_space<vmem>>) target(%dma_start3A_123 : memref<128x128xf32, #tpu.memory_space<vmem_shared>>) target_semaphore(%run_scoped3A_115 : memref<!tpu.dma_semaphore, #tpu.memory_space<semaphore_mem>>)
      %dma_wait3A = arith.constant 0 : i32
      %dma_wait3A_128 = arith.constant 0 : i32
      %dma_wait3A_129 = tpu.memref_slice %arg8[%run_scoped3A_21, %dma_wait3A, %dma_wait3A_128] : memref<2x128x128xf32, #tpu.memory_space<vmem>> -> memref<1x128x128xf32, #tpu.memory_space<vmem>>
      %dma_wait3A_130 = tpu.memref_squeeze %dma_wait3A_129 : memref<1x128x128xf32, #tpu.memory_space<vmem>> -> memref<128x128xf32, #tpu.memory_space<vmem>>
      %dma_wait3A_131 = arith.constant 0 : i32
      %dma_wait3A_132 = tpu.memref_slice %arg9[%add3A_20, %dma_wait3A_131] : memref<10240x128xf32, #tpu.memory_space<vmem_shared>> -> memref<128x128xf32, #tpu.memory_space<vmem_shared>>
      %dma_wait3A_133 = arith.constant 0 : i32
      %dma_wait3A_134 = tpu.memref_slice %arg9[%add3A_20, %dma_wait3A_133] : memref<10240x128xf32, #tpu.memory_space<vmem_shared>> -> memref<128x128xf32, #tpu.memory_space<vmem_shared>>
      %dma_wait3A_135 = arith.constant 0 : i32
      %dma_wait3A_136 = arith.constant 0 : i32
      %dma_wait3A_137 = tpu.memref_slice %arg8[%run_scoped3A_21, %dma_wait3A_135, %dma_wait3A_136] : memref<2x128x128xf32, #tpu.memory_space<vmem>> -> memref<1x128x128xf32, #tpu.memory_space<vmem>>
      %dma_wait3A_138 = tpu.memref_squeeze %dma_wait3A_137 : memref<1x128x128xf32, #tpu.memory_space<vmem>> -> memref<128x128xf32, #tpu.memory_space<vmem>>
      tpu.wait_dma2 semaphore(%run_scoped3A_115 : memref<!tpu.dma_semaphore, #tpu.memory_space<semaphore_mem>>) src(%dma_wait3A_138 : memref<128x128xf32, #tpu.memory_space<vmem>>) dst(%dma_wait3A_134 : memref<128x128xf32, #tpu.memory_space<vmem_shared>>)
      tpu.yield
    }) : () -> ()
    %mul3A_22 = arith.constant 640 : i32
    %mul3A_23 = arith.muli %arg1, %mul3A_22 : i32
    %add3A_24 = arith.constant 512 : i32
    %add3A_25 = arith.addi %mul3A_23, %add3A_24 : i32
    %run_scoped3A_26 = arith.constant 0 : i32
    "tpu.region"() ({
      %run_scoped3A_115 = tpu.sem_alloc : memref<!tpu.dma_semaphore, #tpu.memory_space<semaphore_mem>>
      %dma_start3A_116 = arith.constant 0 : i32
      %dma_start3A_117 = arith.constant 0 : i32
      %dma_start3A_118 = tpu.memref_slice %arg8[%run_scoped3A_26, %dma_start3A_116, %dma_start3A_117] : memref<2x128x128xf32, #tpu.memory_space<vmem>> -> memref<1x128x128xf32, #tpu.memory_space<vmem>>
      %dma_start3A_119 = tpu.memref_squeeze %dma_start3A_118 : memref<1x128x128xf32, #tpu.memory_space<vmem>> -> memref<128x128xf32, #tpu.memory_space<vmem>>
      %dma_start3A_120 = arith.constant 0 : i32
      %dma_start3A_121 = tpu.memref_slice %arg9[%add3A_25, %dma_start3A_120] : memref<10240x128xf32, #tpu.memory_space<vmem_shared>> -> memref<128x128xf32, #tpu.memory_space<vmem_shared>>
      %dma_start3A_122 = arith.constant 0 : i32
      %dma_start3A_123 = tpu.memref_slice %arg9[%add3A_25, %dma_start3A_122] : memref<10240x128xf32, #tpu.memory_space<vmem_shared>> -> memref<128x128xf32, #tpu.memory_space<vmem_shared>>
      %dma_start3A_124 = arith.constant 0 : i32
      %dma_start3A_125 = arith.constant 0 : i32
      %dma_start3A_126 = tpu.memref_slice %arg8[%run_scoped3A_26, %dma_start3A_124, %dma_start3A_125] : memref<2x128x128xf32, #tpu.memory_space<vmem>> -> memref<1x128x128xf32, #tpu.memory_space<vmem>>
      %dma_start3A_127 = tpu.memref_squeeze %dma_start3A_126 : memref<1x128x128xf32, #tpu.memory_space<vmem>> -> memref<128x128xf32, #tpu.memory_space<vmem>>
      tpu.enqueue_dma source(%dma_start3A_127 : memref<128x128xf32, #tpu.memory_space<vmem>>) target(%dma_start3A_123 : memref<128x128xf32, #tpu.memory_space<vmem_shared>>) target_semaphore(%run_scoped3A_115 : memref<!tpu.dma_semaphore, #tpu.memory_space<semaphore_mem>>)
      %dma_wait3A = arith.constant 0 : i32
      %dma_wait3A_128 = arith.constant 0 : i32
      %dma_wait3A_129 = tpu.memref_slice %arg8[%run_scoped3A_26, %dma_wait3A, %dma_wait3A_128] : memref<2x128x128xf32, #tpu.memory_space<vmem>> -> memref<1x128x128xf32, #tpu.memory_space<vmem>>
      %dma_wait3A_130 = tpu.memref_squeeze %dma_wait3A_129 : memref<1x128x128xf32, #tpu.memory_space<vmem>> -> memref<128x128xf32, #tpu.memory_space<vmem>>
      %dma_wait3A_131 = arith.constant 0 : i32
      %dma_wait3A_132 = tpu.memref_slice %arg9[%add3A_25, %dma_wait3A_131] : memref<10240x128xf32, #tpu.memory_space<vmem_shared>> -> memref<128x128xf32, #tpu.memory_space<vmem_shared>>
      %dma_wait3A_133 = arith.constant 0 : i32
      %dma_wait3A_134 = tpu.memref_slice %arg9[%add3A_25, %dma_wait3A_133] : memref<10240x128xf32, #tpu.memory_space<vmem_shared>> -> memref<128x128xf32, #tpu.memory_space<vmem_shared>>
      %dma_wait3A_135 = arith.constant 0 : i32
      %dma_wait3A_136 = arith.constant 0 : i32
      %dma_wait3A_137 = tpu.memref_slice %arg8[%run_scoped3A_26, %dma_wait3A_135, %dma_wait3A_136] : memref<2x128x128xf32, #tpu.memory_space<vmem>> -> memref<1x128x128xf32, #tpu.memory_space<vmem>>
      %dma_wait3A_138 = tpu.memref_squeeze %dma_wait3A_137 : memref<1x128x128xf32, #tpu.memory_space<vmem>> -> memref<128x128xf32, #tpu.memory_space<vmem>>
      tpu.wait_dma2 semaphore(%run_scoped3A_115 : memref<!tpu.dma_semaphore, #tpu.memory_space<semaphore_mem>>) src(%dma_wait3A_138 : memref<128x128xf32, #tpu.memory_space<vmem>>) dst(%dma_wait3A_134 : memref<128x128xf32, #tpu.memory_space<vmem_shared>>)
      tpu.yield
    }) : () -> ()
    %barrier3A = arith.constant 0 : index
    tpu.barrier barrier_id(%barrier3A)
    %eq3A = arith.constant 0 : i32
    %eq3A_27 = arith.cmpi eq, %arg0, %eq3A : i32
    %mul3A_28 = arith.constant 80 : i32
    %mul3A_29 = arith.muli %arg1, %mul3A_28 : i32
    %add3A_30 = arith.constant 0 : i32
    %add3A_31 = arith.addi %mul3A_29, %add3A_30 : i32
    %mul3A_32 = arith.constant 80 : i32
    %mul3A_33 = arith.muli %arg1, %mul3A_32 : i32
    %add3A_34 = arith.constant 1280 : i32
    %add3A_35 = arith.addi %add3A_34, %mul3A_33 : i32
    %add3A_36 = arith.constant 0 : i32
    %add3A_37 = arith.addi %add3A_35, %add3A_36 : i32
    %select_n3A = arith.select %eq3A_27, %add3A_31, %add3A_37 : i32
    "tpu.region"() ({
      %run_scoped3A_115 = tpu.sem_alloc : memref<!tpu.dma_semaphore, #tpu.memory_space<semaphore_mem>>
      %dma_start3A_116 = arith.constant 0 : i32
      %dma_start3A_117 = tpu.memref_slice %arg3[%select_n3A, %dma_start3A_116] : memref<2576x128xi32, #tpu.memory_space<hbm>> -> memref<48x128xi32, #tpu.memory_space<hbm>>
      %dma_start3A_118 = arith.constant 0 : i32
      %dma_start3A_119 = tpu.memref_slice %arg3[%select_n3A, %dma_start3A_118] : memref<2576x128xi32, #tpu.memory_space<hbm>> -> memref<48x128xi32, #tpu.memory_space<hbm>>
      tpu.enqueue_dma source(%dma_start3A_119 : memref<48x128xi32, #tpu.memory_space<hbm>>) target(%arg6 : memref<48x128xi32, #tpu.memory_space<vmem>>) target_semaphore(%run_scoped3A_115 : memref<!tpu.dma_semaphore, #tpu.memory_space<semaphore_mem>>)
      %dma_wait3A = arith.constant 0 : i32
      %dma_wait3A_120 = tpu.memref_slice %arg3[%select_n3A, %dma_wait3A] : memref<2576x128xi32, #tpu.memory_space<hbm>> -> memref<48x128xi32, #tpu.memory_space<hbm>>
      %dma_wait3A_121 = arith.constant 0 : i32
      %dma_wait3A_122 = tpu.memref_slice %arg3[%select_n3A, %dma_wait3A_121] : memref<2576x128xi32, #tpu.memory_space<hbm>> -> memref<48x128xi32, #tpu.memory_space<hbm>>
      tpu.wait_dma2 semaphore(%run_scoped3A_115 : memref<!tpu.dma_semaphore, #tpu.memory_space<semaphore_mem>>) src(%dma_wait3A_122 : memref<48x128xi32, #tpu.memory_space<hbm>>) dst(%arg6 : memref<48x128xi32, #tpu.memory_space<vmem>>)
      tpu.yield
    }) : () -> ()
    "tpu.region"() ({
      %run_scoped3A_115 = tpu.sem_alloc : memref<!tpu.dma_semaphore, #tpu.memory_space<semaphore_mem>>
      %dma_start3A_116 = arith.constant 0 : i32
      %dma_start3A_117 = tpu.memref_slice %arg4[%select_n3A, %dma_start3A_116] : memref<2576x128xi32, #tpu.memory_space<hbm>> -> memref<48x128xi32, #tpu.memory_space<hbm>>
      %dma_start3A_118 = arith.constant 0 : i32
      %dma_start3A_119 = tpu.memref_slice %arg4[%select_n3A, %dma_start3A_118] : memref<2576x128xi32, #tpu.memory_space<hbm>> -> memref<48x128xi32, #tpu.memory_space<hbm>>
      tpu.enqueue_dma source(%dma_start3A_119 : memref<48x128xi32, #tpu.memory_space<hbm>>) target(%arg7 : memref<48x128xi32, #tpu.memory_space<vmem>>) target_semaphore(%run_scoped3A_115 : memref<!tpu.dma_semaphore, #tpu.memory_space<semaphore_mem>>)
      %dma_wait3A = arith.constant 0 : i32
      %dma_wait3A_120 = tpu.memref_slice %arg4[%select_n3A, %dma_wait3A] : memref<2576x128xi32, #tpu.memory_space<hbm>> -> memref<48x128xi32, #tpu.memory_space<hbm>>
      %dma_wait3A_121 = arith.constant 0 : i32
      %dma_wait3A_122 = tpu.memref_slice %arg4[%select_n3A, %dma_wait3A_121] : memref<2576x128xi32, #tpu.memory_space<hbm>> -> memref<48x128xi32, #tpu.memory_space<hbm>>
      tpu.wait_dma2 semaphore(%run_scoped3A_115 : memref<!tpu.dma_semaphore, #tpu.memory_space<semaphore_mem>>) src(%dma_wait3A_122 : memref<48x128xi32, #tpu.memory_space<hbm>>) dst(%arg7 : memref<48x128xi32, #tpu.memory_space<vmem>>)
      tpu.yield
    }) : () -> ()
    %dma_start3A = arith.constant 0 : i32
    %dma_start3A_38 = arith.constant 0 : i32
    %dma_start3A_39 = arith.constant 0 : i32
    %dma_start3A_40 = arith.constant 0 : i32
    %dma_start3A_41 = tpu.memref_slice %arg8[%dma_start3A_38, %dma_start3A_39, %dma_start3A_40] : memref<2x128x128xf32, #tpu.memory_space<vmem>> -> memref<1x128x128xf32, #tpu.memory_space<vmem>>
    %dma_start3A_42 = tpu.memref_squeeze %dma_start3A_41 : memref<1x128x128xf32, #tpu.memory_space<vmem>> -> memref<128x128xf32, #tpu.memory_space<vmem>>
    %dma_start3A_43 = arith.constant 0 : i32
    %dma_start3A_44 = tpu.memref_slice %arg6[%dma_start3A, %dma_start3A_43] : memref<48x128xi32, #tpu.memory_space<vmem>> -> memref<1x128xi32, #tpu.memory_space<vmem>>
    %dma_start3A_45 = tpu.memref_squeeze %dma_start3A_44 : memref<1x128xi32, #tpu.memory_space<vmem>> -> memref<128xi32, #tpu.memory_space<vmem>>
    %dma_start3A_46 = arith.constant 0 : i32
    %dma_start3A_47 = arith.constant 0 : i32
    %dma_start3A_48 = tpu.memref_slice %arg2[%dma_start3A_46, %dma_start3A_47] : memref<10000x128xf32, #tpu.memory_space<hbm>> -> memref<10000x128xf32, #tpu.memory_space<hbm>>
    tpu.enqueue_indirect_dma source(%dma_start3A_48 : memref<10000x128xf32, #tpu.memory_space<hbm>>) target(%dma_start3A_42 : memref<128x128xf32, #tpu.memory_space<vmem>>) offsets(%dma_start3A_45 : memref<128xi32, #tpu.memory_space<vmem>>) semaphore(%arg10 : memref<!tpu.dma_semaphore, #tpu.memory_space<semaphore_mem>>)
    %dma_start3A_49 = arith.constant 24 : i32
    %dma_start3A_50 = arith.constant 1 : i32
    %dma_start3A_51 = arith.constant 0 : i32
    %dma_start3A_52 = arith.constant 0 : i32
    %dma_start3A_53 = tpu.memref_slice %arg8[%dma_start3A_50, %dma_start3A_51, %dma_start3A_52] : memref<2x128x128xf32, #tpu.memory_space<vmem>> -> memref<1x128x128xf32, #tpu.memory_space<vmem>>
    %dma_start3A_54 = tpu.memref_squeeze %dma_start3A_53 : memref<1x128x128xf32, #tpu.memory_space<vmem>> -> memref<128x128xf32, #tpu.memory_space<vmem>>
    %dma_start3A_55 = arith.constant 0 : i32
    %dma_start3A_56 = tpu.memref_slice %arg6[%dma_start3A_49, %dma_start3A_55] : memref<48x128xi32, #tpu.memory_space<vmem>> -> memref<1x128xi32, #tpu.memory_space<vmem>>
    %dma_start3A_57 = tpu.memref_squeeze %dma_start3A_56 : memref<1x128xi32, #tpu.memory_space<vmem>> -> memref<128xi32, #tpu.memory_space<vmem>>
    %dma_start3A_58 = arith.constant 0 : i32
    %dma_start3A_59 = arith.constant 0 : i32
    %dma_start3A_60 = tpu.memref_slice %arg2[%dma_start3A_58, %dma_start3A_59] : memref<10000x128xf32, #tpu.memory_space<hbm>> -> memref<10000x128xf32, #tpu.memory_space<hbm>>
    tpu.enqueue_indirect_dma source(%dma_start3A_60 : memref<10000x128xf32, #tpu.memory_space<hbm>>) target(%dma_start3A_54 : memref<128x128xf32, #tpu.memory_space<vmem>>) offsets(%dma_start3A_57 : memref<128xi32, #tpu.memory_space<vmem>>) semaphore(%arg11 : memref<!tpu.dma_semaphore, #tpu.memory_space<semaphore_mem>>)
    %scan3A_61 = arith.constant 0 : i32
    %scan3A_62 = arith.constant 0 : i32
    %scan3A_63 = arith.constant 24 : i32
    %scan3A_64 = arith.addi %scan3A_62, %scan3A_63 : i32
    %scan3A_65 = arith.constant 1 : i32
    scf.for %scan3A_115 = %scan3A_62 to %scan3A_64 step %scan3A_65  : i32 {
      %add3A_116 = arith.constant 0 : i32
      %add3A_117 = arith.addi %add3A_116, %scan3A_115 : i32
      %dma_wait3A = arith.constant 0 : i32
      %dma_wait3A_118 = arith.constant 0 : i32
      %dma_wait3A_119 = arith.constant 0 : i32
      %dma_wait3A_120 = tpu.memref_slice %arg8[%dma_wait3A, %dma_wait3A_118, %dma_wait3A_119] : memref<2x128x128xf32, #tpu.memory_space<vmem>> -> memref<1x128x128xf32, #tpu.memory_space<vmem>>
      %dma_wait3A_121 = tpu.memref_squeeze %dma_wait3A_120 : memref<1x128x128xf32, #tpu.memory_space<vmem>> -> memref<128x128xf32, #tpu.memory_space<vmem>>
      %dma_wait3A_122 = arith.constant 0 : i32
      %dma_wait3A_123 = arith.constant 0 : i32
      %dma_wait3A_124 = tpu.memref_slice %arg2[%dma_wait3A_122, %dma_wait3A_123] : memref<10000x128xf32, #tpu.memory_space<hbm>> -> memref<128x128xf32, #tpu.memory_space<hbm>>
      %dma_wait3A_125 = arith.constant 0 : i32
      %dma_wait3A_126 = arith.constant 0 : i32
      %dma_wait3A_127 = tpu.memref_slice %arg8[%dma_wait3A, %dma_wait3A_125, %dma_wait3A_126] : memref<2x128x128xf32, #tpu.memory_space<vmem>> -> memref<1x128x128xf32, #tpu.memory_space<vmem>>
      %dma_wait3A_128 = tpu.memref_squeeze %dma_wait3A_127 : memref<1x128x128xf32, #tpu.memory_space<vmem>> -> memref<128x128xf32, #tpu.memory_space<vmem>>
      %dma_wait3A_129 = arith.constant 0 : i32
      %dma_wait3A_130 = arith.constant 0 : i32
      %dma_wait3A_131 = tpu.memref_slice %arg2[%dma_wait3A_129, %dma_wait3A_130] : memref<10000x128xf32, #tpu.memory_space<hbm>> -> memref<128x128xf32, #tpu.memory_space<hbm>>
      tpu.wait_dma2 semaphore(%arg10 : memref<!tpu.dma_semaphore, #tpu.memory_space<semaphore_mem>>) src(%dma_wait3A_131 : memref<128x128xf32, #tpu.memory_space<hbm>>) dst(%dma_wait3A_128 : memref<128x128xf32, #tpu.memory_space<vmem>>)
      %run_scoped3A_132 = arith.constant 0 : i32
      "tpu.region"() ({
        %run_scoped3A_162 = tpu.sem_alloc : memref<!tpu.dma_semaphore, #tpu.memory_space<semaphore_mem>>
        %dma_start3A_163 = arith.constant 0 : i32
        %dma_start3A_164 = arith.constant 0 : i32
        %dma_start3A_165 = tpu.memref_slice %arg8[%run_scoped3A_132, %dma_start3A_163, %dma_start3A_164] : memref<2x128x128xf32, #tpu.memory_space<vmem>> -> memref<1x128x128xf32, #tpu.memory_space<vmem>>
        %dma_start3A_166 = tpu.memref_squeeze %dma_start3A_165 : memref<1x128x128xf32, #tpu.memory_space<vmem>> -> memref<128x128xf32, #tpu.memory_space<vmem>>
        %dma_start3A_167 = arith.constant 0 : i32
        %dma_start3A_168 = tpu.memref_slice %arg7[%add3A_117, %dma_start3A_167] : memref<48x128xi32, #tpu.memory_space<vmem>> -> memref<1x128xi32, #tpu.memory_space<vmem>>
        %dma_start3A_169 = tpu.memref_squeeze %dma_start3A_168 : memref<1x128xi32, #tpu.memory_space<vmem>> -> memref<128xi32, #tpu.memory_space<vmem>>
        %dma_start3A_170 = arith.constant 0 : i32
        %dma_start3A_171 = arith.constant 0 : i32
        %dma_start3A_172 = tpu.memref_slice %arg9[%dma_start3A_170, %dma_start3A_171] : memref<10240x128xf32, #tpu.memory_space<vmem_shared>> -> memref<10240x128xf32, #tpu.memory_space<vmem_shared>>
        tpu.enqueue_indirect_dma source(%dma_start3A_166 : memref<128x128xf32, #tpu.memory_space<vmem>>) target(%dma_start3A_172 : memref<10240x128xf32, #tpu.memory_space<vmem_shared>>) offsets(%dma_start3A_169 : memref<128xi32, #tpu.memory_space<vmem>>) semaphore(%run_scoped3A_162 : memref<!tpu.dma_semaphore, #tpu.memory_space<semaphore_mem>>) {add = true}
        %dma_wait3A_173 = arith.constant 0 : i32
        %dma_wait3A_174 = arith.constant 0 : i32
        %dma_wait3A_175 = tpu.memref_slice %arg8[%run_scoped3A_132, %dma_wait3A_173, %dma_wait3A_174] : memref<2x128x128xf32, #tpu.memory_space<vmem>> -> memref<1x128x128xf32, #tpu.memory_space<vmem>>
        %dma_wait3A_176 = tpu.memref_squeeze %dma_wait3A_175 : memref<1x128x128xf32, #tpu.memory_space<vmem>> -> memref<128x128xf32, #tpu.memory_space<vmem>>
        %dma_wait3A_177 = arith.constant 0 : i32
        %dma_wait3A_178 = tpu.memref_slice %arg7[%add3A_117, %dma_wait3A_177] : memref<48x128xi32, #tpu.memory_space<vmem>> -> memref<1x128xi32, #tpu.memory_space<vmem>>
        %dma_wait3A_179 = tpu.memref_squeeze %dma_wait3A_178 : memref<1x128xi32, #tpu.memory_space<vmem>> -> memref<128xi32, #tpu.memory_space<vmem>>
        %dma_wait3A_180 = arith.constant 0 : i32
        %dma_wait3A_181 = arith.constant 0 : i32
        %dma_wait3A_182 = tpu.memref_slice %arg9[%dma_wait3A_180, %dma_wait3A_181] : memref<10240x128xf32, #tpu.memory_space<vmem_shared>> -> memref<10240x128xf32, #tpu.memory_space<vmem_shared>>
        tpu.wait_indirect_dma semaphore(%run_scoped3A_162 : memref<!tpu.dma_semaphore, #tpu.memory_space<semaphore_mem>>) src(%dma_wait3A_176 : memref<128x128xf32, #tpu.memory_space<vmem>>) dst(%dma_wait3A_182 : memref<10240x128xf32, #tpu.memory_space<vmem_shared>>)
        tpu.yield
      }) : () -> ()
      %add3A_133 = arith.constant 1 : i32
      %add3A_134 = arith.addi %scan3A_115, %add3A_133 : i32
      %lt3A = arith.constant 24 : i32
      %lt3A_135 = arith.cmpi slt, %add3A_134, %lt3A : i32
      %convert_element_type3A = arith.extui %lt3A_135 : i1 to i32
      %cond3A = arith.constant 0 : i32
      %cond3A_136 = arith.cmpi ne, %convert_element_type3A, %cond3A : i32
      scf.if %cond3A_136 {
        %add3A_162 = arith.constant 1 : i32
        %add3A_163 = arith.addi %add3A_117, %add3A_162 : i32
        %dma_start3A_164 = arith.constant 0 : i32
        %dma_start3A_165 = arith.constant 0 : i32
        %dma_start3A_166 = arith.constant 0 : i32
        %dma_start3A_167 = tpu.memref_slice %arg8[%dma_start3A_164, %dma_start3A_165, %dma_start3A_166] : memref<2x128x128xf32, #tpu.memory_space<vmem>> -> memref<1x128x128xf32, #tpu.memory_space<vmem>>
        %dma_start3A_168 = tpu.memref_squeeze %dma_start3A_167 : memref<1x128x128xf32, #tpu.memory_space<vmem>> -> memref<128x128xf32, #tpu.memory_space<vmem>>
        %dma_start3A_169 = arith.constant 0 : i32
        %dma_start3A_170 = tpu.memref_slice %arg6[%add3A_163, %dma_start3A_169] : memref<48x128xi32, #tpu.memory_space<vmem>> -> memref<1x128xi32, #tpu.memory_space<vmem>>
        %dma_start3A_171 = tpu.memref_squeeze %dma_start3A_170 : memref<1x128xi32, #tpu.memory_space<vmem>> -> memref<128xi32, #tpu.memory_space<vmem>>
        %dma_start3A_172 = arith.constant 0 : i32
        %dma_start3A_173 = arith.constant 0 : i32
        %dma_start3A_174 = tpu.memref_slice %arg2[%dma_start3A_172, %dma_start3A_173] : memref<10000x128xf32, #tpu.memory_space<hbm>> -> memref<10000x128xf32, #tpu.memory_space<hbm>>
        tpu.enqueue_indirect_dma source(%dma_start3A_174 : memref<10000x128xf32, #tpu.memory_space<hbm>>) target(%dma_start3A_168 : memref<128x128xf32, #tpu.memory_space<vmem>>) offsets(%dma_start3A_171 : memref<128xi32, #tpu.memory_space<vmem>>) semaphore(%arg10 : memref<!tpu.dma_semaphore, #tpu.memory_space<semaphore_mem>>)
      } else {
      }
      %add3A_137 = arith.constant 24 : i32
      %add3A_138 = arith.addi %add3A_137, %scan3A_115 : i32
      %dma_wait3A_139 = arith.constant 1 : i32
      %dma_wait3A_140 = arith.constant 0 : i32
      %dma_wait3A_141 = arith.constant 0 : i32
      %dma_wait3A_142 = tpu.memref_slice %arg8[%dma_wait3A_139, %dma_wait3A_140, %dma_wait3A_141] : memref<2x128x128xf32, #tpu.memory_space<vmem>> -> memref<1x128x128xf32, #tpu.memory_space<vmem>>
      %dma_wait3A_143 = tpu.memref_squeeze %dma_wait3A_142 : memref<1x128x128xf32, #tpu.memory_space<vmem>> -> memref<128x128xf32, #tpu.memory_space<vmem>>
      %dma_wait3A_144 = arith.constant 0 : i32
      %dma_wait3A_145 = arith.constant 0 : i32
      %dma_wait3A_146 = tpu.memref_slice %arg2[%dma_wait3A_144, %dma_wait3A_145] : memref<10000x128xf32, #tpu.memory_space<hbm>> -> memref<128x128xf32, #tpu.memory_space<hbm>>
      %dma_wait3A_147 = arith.constant 0 : i32
      %dma_wait3A_148 = arith.constant 0 : i32
      %dma_wait3A_149 = tpu.memref_slice %arg8[%dma_wait3A_139, %dma_wait3A_147, %dma_wait3A_148] : memref<2x128x128xf32, #tpu.memory_space<vmem>> -> memref<1x128x128xf32, #tpu.memory_space<vmem>>
      %dma_wait3A_150 = tpu.memref_squeeze %dma_wait3A_149 : memref<1x128x128xf32, #tpu.memory_space<vmem>> -> memref<128x128xf32, #tpu.memory_space<vmem>>
      %dma_wait3A_151 = arith.constant 0 : i32
      %dma_wait3A_152 = arith.constant 0 : i32
      %dma_wait3A_153 = tpu.memref_slice %arg2[%dma_wait3A_151, %dma_wait3A_152] : memref<10000x128xf32, #tpu.memory_space<hbm>> -> memref<128x128xf32, #tpu.memory_space<hbm>>
      tpu.wait_dma2 semaphore(%arg11 : memref<!tpu.dma_semaphore, #tpu.memory_space<semaphore_mem>>) src(%dma_wait3A_153 : memref<128x128xf32, #tpu.memory_space<hbm>>) dst(%dma_wait3A_150 : memref<128x128xf32, #tpu.memory_space<vmem>>)
      %run_scoped3A_154 = arith.constant 1 : i32
      "tpu.region"() ({
        %run_scoped3A_162 = tpu.sem_alloc : memref<!tpu.dma_semaphore, #tpu.memory_space<semaphore_mem>>
        %dma_start3A_163 = arith.constant 0 : i32
        %dma_start3A_164 = arith.constant 0 : i32
        %dma_start3A_165 = tpu.memref_slice %arg8[%run_scoped3A_154, %dma_start3A_163, %dma_start3A_164] : memref<2x128x128xf32, #tpu.memory_space<vmem>> -> memref<1x128x128xf32, #tpu.memory_space<vmem>>
        %dma_start3A_166 = tpu.memref_squeeze %dma_start3A_165 : memref<1x128x128xf32, #tpu.memory_space<vmem>> -> memref<128x128xf32, #tpu.memory_space<vmem>>
        %dma_start3A_167 = arith.constant 0 : i32
        %dma_start3A_168 = tpu.memref_slice %arg7[%add3A_138, %dma_start3A_167] : memref<48x128xi32, #tpu.memory_space<vmem>> -> memref<1x128xi32, #tpu.memory_space<vmem>>
        %dma_start3A_169 = tpu.memref_squeeze %dma_start3A_168 : memref<1x128xi32, #tpu.memory_space<vmem>> -> memref<128xi32, #tpu.memory_space<vmem>>
        %dma_start3A_170 = arith.constant 0 : i32
        %dma_start3A_171 = arith.constant 0 : i32
        %dma_start3A_172 = tpu.memref_slice %arg9[%dma_start3A_170, %dma_start3A_171] : memref<10240x128xf32, #tpu.memory_space<vmem_shared>> -> memref<10240x128xf32, #tpu.memory_space<vmem_shared>>
        tpu.enqueue_indirect_dma source(%dma_start3A_166 : memref<128x128xf32, #tpu.memory_space<vmem>>) target(%dma_start3A_172 : memref<10240x128xf32, #tpu.memory_space<vmem_shared>>) offsets(%dma_start3A_169 : memref<128xi32, #tpu.memory_space<vmem>>) semaphore(%run_scoped3A_162 : memref<!tpu.dma_semaphore, #tpu.memory_space<semaphore_mem>>) {add = true}
        %dma_wait3A_173 = arith.constant 0 : i32
        %dma_wait3A_174 = arith.constant 0 : i32
        %dma_wait3A_175 = tpu.memref_slice %arg8[%run_scoped3A_154, %dma_wait3A_173, %dma_wait3A_174] : memref<2x128x128xf32, #tpu.memory_space<vmem>> -> memref<1x128x128xf32, #tpu.memory_space<vmem>>
        %dma_wait3A_176 = tpu.memref_squeeze %dma_wait3A_175 : memref<1x128x128xf32, #tpu.memory_space<vmem>> -> memref<128x128xf32, #tpu.memory_space<vmem>>
        %dma_wait3A_177 = arith.constant 0 : i32
        %dma_wait3A_178 = tpu.memref_slice %arg7[%add3A_138, %dma_wait3A_177] : memref<48x128xi32, #tpu.memory_space<vmem>> -> memref<1x128xi32, #tpu.memory_space<vmem>>
        %dma_wait3A_179 = tpu.memref_squeeze %dma_wait3A_178 : memref<1x128xi32, #tpu.memory_space<vmem>> -> memref<128xi32, #tpu.memory_space<vmem>>
        %dma_wait3A_180 = arith.constant 0 : i32
        %dma_wait3A_181 = arith.constant 0 : i32
        %dma_wait3A_182 = tpu.memref_slice %arg9[%dma_wait3A_180, %dma_wait3A_181] : memref<10240x128xf32, #tpu.memory_space<vmem_shared>> -> memref<10240x128xf32, #tpu.memory_space<vmem_shared>>
        tpu.wait_indirect_dma semaphore(%run_scoped3A_162 : memref<!tpu.dma_semaphore, #tpu.memory_space<semaphore_mem>>) src(%dma_wait3A_176 : memref<128x128xf32, #tpu.memory_space<vmem>>) dst(%dma_wait3A_182 : memref<10240x128xf32, #tpu.memory_space<vmem_shared>>)
        tpu.yield
      }) : () -> ()
      %add3A_155 = arith.constant 1 : i32
      %add3A_156 = arith.addi %scan3A_115, %add3A_155 : i32
      %lt3A_157 = arith.constant 24 : i32
      %lt3A_158 = arith.cmpi slt, %add3A_156, %lt3A_157 : i32
      %convert_element_type3A_159 = arith.extui %lt3A_158 : i1 to i32
      %cond3A_160 = arith.constant 0 : i32
      %cond3A_161 = arith.cmpi ne, %convert_element_type3A_159, %cond3A_160 : i32
      scf.if %cond3A_161 {
        %add3A_162 = arith.constant 1 : i32
        %add3A_163 = arith.addi %add3A_138, %add3A_162 : i32
        %dma_start3A_164 = arith.constant 1 : i32
        %dma_start3A_165 = arith.constant 0 : i32
        %dma_start3A_166 = arith.constant 0 : i32
        %dma_start3A_167 = tpu.memref_slice %arg8[%dma_start3A_164, %dma_start3A_165, %dma_start3A_166] : memref<2x128x128xf32, #tpu.memory_space<vmem>> -> memref<1x128x128xf32, #tpu.memory_space<vmem>>
        %dma_start3A_168 = tpu.memref_squeeze %dma_start3A_167 : memref<1x128x128xf32, #tpu.memory_space<vmem>> -> memref<128x128xf32, #tpu.memory_space<vmem>>
        %dma_start3A_169 = arith.constant 0 : i32
        %dma_start3A_170 = tpu.memref_slice %arg6[%add3A_163, %dma_start3A_169] : memref<48x128xi32, #tpu.memory_space<vmem>> -> memref<1x128xi32, #tpu.memory_space<vmem>>
        %dma_start3A_171 = tpu.memref_squeeze %dma_start3A_170 : memref<1x128xi32, #tpu.memory_space<vmem>> -> memref<128xi32, #tpu.memory_space<vmem>>
        %dma_start3A_172 = arith.constant 0 : i32
        %dma_start3A_173 = arith.constant 0 : i32
        %dma_start3A_174 = tpu.memref_slice %arg2[%dma_start3A_172, %dma_start3A_173] : memref<10000x128xf32, #tpu.memory_space<hbm>> -> memref<10000x128xf32, #tpu.memory_space<hbm>>
        tpu.enqueue_indirect_dma source(%dma_start3A_174 : memref<10000x128xf32, #tpu.memory_space<hbm>>) target(%dma_start3A_168 : memref<128x128xf32, #tpu.memory_space<vmem>>) offsets(%dma_start3A_171 : memref<128xi32, #tpu.memory_space<vmem>>) semaphore(%arg11 : memref<!tpu.dma_semaphore, #tpu.memory_space<semaphore_mem>>)
      } else {
      }
    }
    %scan3A_66 = arith.constant 24 : i32
    %eq3A_67 = arith.constant 0 : i32
    %eq3A_68 = arith.cmpi eq, %arg0, %eq3A_67 : i32
    %mul3A_69 = arith.constant 80 : i32
    %mul3A_70 = arith.muli %arg1, %mul3A_69 : i32
    %add3A_71 = arith.constant 48 : i32
    %add3A_72 = arith.addi %mul3A_70, %add3A_71 : i32
    %mul3A_73 = arith.constant 80 : i32
    %mul3A_74 = arith.muli %arg1, %mul3A_73 : i32
    %add3A_75 = arith.constant 1280 : i32
    %add3A_76 = arith.addi %add3A_75, %mul3A_74 : i32
    %add3A_77 = arith.constant 48 : i32
    %add3A_78 = arith.addi %add3A_76, %add3A_77 : i32
    %select_n3A_79 = arith.select %eq3A_68, %add3A_72, %add3A_78 : i32
    "tpu.region"() ({
      %run_scoped3A_115 = tpu.sem_alloc : memref<!tpu.dma_semaphore, #tpu.memory_space<semaphore_mem>>
      %dma_start3A_116 = arith.constant 0 : i32
      %dma_start3A_117 = tpu.memref_slice %arg3[%select_n3A_79, %dma_start3A_116] : memref<2576x128xi32, #tpu.memory_space<hbm>> -> memref<48x128xi32, #tpu.memory_space<hbm>>
      %dma_start3A_118 = arith.constant 0 : i32
      %dma_start3A_119 = tpu.memref_slice %arg3[%select_n3A_79, %dma_start3A_118] : memref<2576x128xi32, #tpu.memory_space<hbm>> -> memref<48x128xi32, #tpu.memory_space<hbm>>
      tpu.enqueue_dma source(%dma_start3A_119 : memref<48x128xi32, #tpu.memory_space<hbm>>) target(%arg6 : memref<48x128xi32, #tpu.memory_space<vmem>>) target_semaphore(%run_scoped3A_115 : memref<!tpu.dma_semaphore, #tpu.memory_space<semaphore_mem>>)
      %dma_wait3A = arith.constant 0 : i32
      %dma_wait3A_120 = tpu.memref_slice %arg3[%select_n3A_79, %dma_wait3A] : memref<2576x128xi32, #tpu.memory_space<hbm>> -> memref<48x128xi32, #tpu.memory_space<hbm>>
      %dma_wait3A_121 = arith.constant 0 : i32
      %dma_wait3A_122 = tpu.memref_slice %arg3[%select_n3A_79, %dma_wait3A_121] : memref<2576x128xi32, #tpu.memory_space<hbm>> -> memref<48x128xi32, #tpu.memory_space<hbm>>
      tpu.wait_dma2 semaphore(%run_scoped3A_115 : memref<!tpu.dma_semaphore, #tpu.memory_space<semaphore_mem>>) src(%dma_wait3A_122 : memref<48x128xi32, #tpu.memory_space<hbm>>) dst(%arg6 : memref<48x128xi32, #tpu.memory_space<vmem>>)
      tpu.yield
    }) : () -> ()
    "tpu.region"() ({
      %run_scoped3A_115 = tpu.sem_alloc : memref<!tpu.dma_semaphore, #tpu.memory_space<semaphore_mem>>
      %dma_start3A_116 = arith.constant 0 : i32
      %dma_start3A_117 = tpu.memref_slice %arg4[%select_n3A_79, %dma_start3A_116] : memref<2576x128xi32, #tpu.memory_space<hbm>> -> memref<48x128xi32, #tpu.memory_space<hbm>>
      %dma_start3A_118 = arith.constant 0 : i32
      %dma_start3A_119 = tpu.memref_slice %arg4[%select_n3A_79, %dma_start3A_118] : memref<2576x128xi32, #tpu.memory_space<hbm>> -> memref<48x128xi32, #tpu.memory_space<hbm>>
      tpu.enqueue_dma source(%dma_start3A_119 : memref<48x128xi32, #tpu.memory_space<hbm>>) target(%arg7 : memref<48x128xi32, #tpu.memory_space<vmem>>) target_semaphore(%run_scoped3A_115 : memref<!tpu.dma_semaphore, #tpu.memory_space<semaphore_mem>>)
      %dma_wait3A = arith.constant 0 : i32
      %dma_wait3A_120 = tpu.memref_slice %arg4[%select_n3A_79, %dma_wait3A] : memref<2576x128xi32, #tpu.memory_space<hbm>> -> memref<48x128xi32, #tpu.memory_space<hbm>>
      %dma_wait3A_121 = arith.constant 0 : i32
      %dma_wait3A_122 = tpu.memref_slice %arg4[%select_n3A_79, %dma_wait3A_121] : memref<2576x128xi32, #tpu.memory_space<hbm>> -> memref<48x128xi32, #tpu.memory_space<hbm>>
      tpu.wait_dma2 semaphore(%run_scoped3A_115 : memref<!tpu.dma_semaphore, #tpu.memory_space<semaphore_mem>>) src(%dma_wait3A_122 : memref<48x128xi32, #tpu.memory_space<hbm>>) dst(%arg7 : memref<48x128xi32, #tpu.memory_space<vmem>>)
      tpu.yield
    }) : () -> ()
    %dma_start3A_80 = arith.constant 0 : i32
    %dma_start3A_81 = arith.constant 0 : i32
    %dma_start3A_82 = arith.constant 0 : i32
    %dma_start3A_83 = arith.constant 0 : i32
    %dma_start3A_84 = tpu.memref_slice %arg8[%dma_start3A_81, %dma_start3A_82, %dma_start3A_83] : memref<2x128x128xf32, #tpu.memory_space<vmem>> -> memref<1x128x128xf32, #tpu.memory_space<vmem>>
    %dma_start3A_85 = tpu.memref_squeeze %dma_start3A_84 : memref<1x128x128xf32, #tpu.memory_space<vmem>> -> memref<128x128xf32, #tpu.memory_space<vmem>>
    %dma_start3A_86 = arith.constant 0 : i32
    %dma_start3A_87 = tpu.memref_slice %arg6[%dma_start3A_80, %dma_start3A_86] : memref<48x128xi32, #tpu.memory_space<vmem>> -> memref<1x128xi32, #tpu.memory_space<vmem>>
    %dma_start3A_88 = tpu.memref_squeeze %dma_start3A_87 : memref<1x128xi32, #tpu.memory_space<vmem>> -> memref<128xi32, #tpu.memory_space<vmem>>
    %dma_start3A_89 = arith.constant 0 : i32
    %dma_start3A_90 = arith.constant 0 : i32
    %dma_start3A_91 = tpu.memref_slice %arg2[%dma_start3A_89, %dma_start3A_90] : memref<10000x128xf32, #tpu.memory_space<hbm>> -> memref<10000x128xf32, #tpu.memory_space<hbm>>
    tpu.enqueue_indirect_dma source(%dma_start3A_91 : memref<10000x128xf32, #tpu.memory_space<hbm>>) target(%dma_start3A_85 : memref<128x128xf32, #tpu.memory_space<vmem>>) offsets(%dma_start3A_88 : memref<128xi32, #tpu.memory_space<vmem>>) semaphore(%arg10 : memref<!tpu.dma_semaphore, #tpu.memory_space<semaphore_mem>>)
    %dma_start3A_92 = arith.constant 16 : i32
    %dma_start3A_93 = arith.constant 1 : i32
    %dma_start3A_94 = arith.constant 0 : i32
    %dma_start3A_95 = arith.constant 0 : i32
    %dma_start3A_96 = tpu.memref_slice %arg8[%dma_start3A_93, %dma_start3A_94, %dma_start3A_95] : memref<2x128x128xf32, #tpu.memory_space<vmem>> -> memref<1x128x128xf32, #tpu.memory_space<vmem>>
    %dma_start3A_97 = tpu.memref_squeeze %dma_start3A_96 : memref<1x128x128xf32, #tpu.memory_space<vmem>> -> memref<128x128xf32, #tpu.memory_space<vmem>>
    %dma_start3A_98 = arith.constant 0 : i32
    %dma_start3A_99 = tpu.memref_slice %arg6[%dma_start3A_92, %dma_start3A_98] : memref<48x128xi32, #tpu.memory_space<vmem>> -> memref<1x128xi32, #tpu.memory_space<vmem>>
    %dma_start3A_100 = tpu.memref_squeeze %dma_start3A_99 : memref<1x128xi32, #tpu.memory_space<vmem>> -> memref<128xi32, #tpu.memory_space<vmem>>
    %dma_start3A_101 = arith.constant 0 : i32
    %dma_start3A_102 = arith.constant 0 : i32
    %dma_start3A_103 = tpu.memref_slice %arg2[%dma_start3A_101, %dma_start3A_102] : memref<10000x128xf32, #tpu.memory_space<hbm>> -> memref<10000x128xf32, #tpu.memory_space<hbm>>
    tpu.enqueue_indirect_dma source(%dma_start3A_103 : memref<10000x128xf32, #tpu.memory_space<hbm>>) target(%dma_start3A_97 : memref<128x128xf32, #tpu.memory_space<vmem>>) offsets(%dma_start3A_100 : memref<128xi32, #tpu.memory_space<vmem>>) semaphore(%arg11 : memref<!tpu.dma_semaphore, #tpu.memory_space<semaphore_mem>>)
    %scan3A_104 = arith.constant 0 : i32
    %scan3A_105 = arith.constant 0 : i32
    %scan3A_106 = arith.constant 16 : i32
    %scan3A_107 = arith.addi %scan3A_105, %scan3A_106 : i32
    %scan3A_108 = arith.constant 1 : i32
    scf.for %scan3A_115 = %scan3A_105 to %scan3A_107 step %scan3A_108  : i32 {
      %add3A_116 = arith.constant 0 : i32
      %add3A_117 = arith.addi %add3A_116, %scan3A_115 : i32
      %dma_wait3A = arith.constant 0 : i32
      %dma_wait3A_118 = arith.constant 0 : i32
      %dma_wait3A_119 = arith.constant 0 : i32
      %dma_wait3A_120 = tpu.memref_slice %arg8[%dma_wait3A, %dma_wait3A_118, %dma_wait3A_119] : memref<2x128x128xf32, #tpu.memory_space<vmem>> -> memref<1x128x128xf32, #tpu.memory_space<vmem>>
      %dma_wait3A_121 = tpu.memref_squeeze %dma_wait3A_120 : memref<1x128x128xf32, #tpu.memory_space<vmem>> -> memref<128x128xf32, #tpu.memory_space<vmem>>
      %dma_wait3A_122 = arith.constant 0 : i32
      %dma_wait3A_123 = arith.constant 0 : i32
      %dma_wait3A_124 = tpu.memref_slice %arg2[%dma_wait3A_122, %dma_wait3A_123] : memref<10000x128xf32, #tpu.memory_space<hbm>> -> memref<128x128xf32, #tpu.memory_space<hbm>>
      %dma_wait3A_125 = arith.constant 0 : i32
      %dma_wait3A_126 = arith.constant 0 : i32
      %dma_wait3A_127 = tpu.memref_slice %arg8[%dma_wait3A, %dma_wait3A_125, %dma_wait3A_126] : memref<2x128x128xf32, #tpu.memory_space<vmem>> -> memref<1x128x128xf32, #tpu.memory_space<vmem>>
      %dma_wait3A_128 = tpu.memref_squeeze %dma_wait3A_127 : memref<1x128x128xf32, #tpu.memory_space<vmem>> -> memref<128x128xf32, #tpu.memory_space<vmem>>
      %dma_wait3A_129 = arith.constant 0 : i32
      %dma_wait3A_130 = arith.constant 0 : i32
      %dma_wait3A_131 = tpu.memref_slice %arg2[%dma_wait3A_129, %dma_wait3A_130] : memref<10000x128xf32, #tpu.memory_space<hbm>> -> memref<128x128xf32, #tpu.memory_space<hbm>>
      tpu.wait_dma2 semaphore(%arg10 : memref<!tpu.dma_semaphore, #tpu.memory_space<semaphore_mem>>) src(%dma_wait3A_131 : memref<128x128xf32, #tpu.memory_space<hbm>>) dst(%dma_wait3A_128 : memref<128x128xf32, #tpu.memory_space<vmem>>)
      %run_scoped3A_132 = arith.constant 0 : i32
      "tpu.region"() ({
        %run_scoped3A_162 = tpu.sem_alloc : memref<!tpu.dma_semaphore, #tpu.memory_space<semaphore_mem>>
        %dma_start3A_163 = arith.constant 0 : i32
        %dma_start3A_164 = arith.constant 0 : i32
        %dma_start3A_165 = tpu.memref_slice %arg8[%run_scoped3A_132, %dma_start3A_163, %dma_start3A_164] : memref<2x128x128xf32, #tpu.memory_space<vmem>> -> memref<1x128x128xf32, #tpu.memory_space<vmem>>
        %dma_start3A_166 = tpu.memref_squeeze %dma_start3A_165 : memref<1x128x128xf32, #tpu.memory_space<vmem>> -> memref<128x128xf32, #tpu.memory_space<vmem>>
        %dma_start3A_167 = arith.constant 0 : i32
        %dma_start3A_168 = tpu.memref_slice %arg7[%add3A_117, %dma_start3A_167] : memref<48x128xi32, #tpu.memory_space<vmem>> -> memref<1x128xi32, #tpu.memory_space<vmem>>
        %dma_start3A_169 = tpu.memref_squeeze %dma_start3A_168 : memref<1x128xi32, #tpu.memory_space<vmem>> -> memref<128xi32, #tpu.memory_space<vmem>>
        %dma_start3A_170 = arith.constant 0 : i32
        %dma_start3A_171 = arith.constant 0 : i32
        %dma_start3A_172 = tpu.memref_slice %arg9[%dma_start3A_170, %dma_start3A_171] : memref<10240x128xf32, #tpu.memory_space<vmem_shared>> -> memref<10240x128xf32, #tpu.memory_space<vmem_shared>>
        tpu.enqueue_indirect_dma source(%dma_start3A_166 : memref<128x128xf32, #tpu.memory_space<vmem>>) target(%dma_start3A_172 : memref<10240x128xf32, #tpu.memory_space<vmem_shared>>) offsets(%dma_start3A_169 : memref<128xi32, #tpu.memory_space<vmem>>) semaphore(%run_scoped3A_162 : memref<!tpu.dma_semaphore, #tpu.memory_space<semaphore_mem>>) {add = true}
        %dma_wait3A_173 = arith.constant 0 : i32
        %dma_wait3A_174 = arith.constant 0 : i32
        %dma_wait3A_175 = tpu.memref_slice %arg8[%run_scoped3A_132, %dma_wait3A_173, %dma_wait3A_174] : memref<2x128x128xf32, #tpu.memory_space<vmem>> -> memref<1x128x128xf32, #tpu.memory_space<vmem>>
        %dma_wait3A_176 = tpu.memref_squeeze %dma_wait3A_175 : memref<1x128x128xf32, #tpu.memory_space<vmem>> -> memref<128x128xf32, #tpu.memory_space<vmem>>
        %dma_wait3A_177 = arith.constant 0 : i32
        %dma_wait3A_178 = tpu.memref_slice %arg7[%add3A_117, %dma_wait3A_177] : memref<48x128xi32, #tpu.memory_space<vmem>> -> memref<1x128xi32, #tpu.memory_space<vmem>>
        %dma_wait3A_179 = tpu.memref_squeeze %dma_wait3A_178 : memref<1x128xi32, #tpu.memory_space<vmem>> -> memref<128xi32, #tpu.memory_space<vmem>>
        %dma_wait3A_180 = arith.constant 0 : i32
        %dma_wait3A_181 = arith.constant 0 : i32
        %dma_wait3A_182 = tpu.memref_slice %arg9[%dma_wait3A_180, %dma_wait3A_181] : memref<10240x128xf32, #tpu.memory_space<vmem_shared>> -> memref<10240x128xf32, #tpu.memory_space<vmem_shared>>
        tpu.wait_indirect_dma semaphore(%run_scoped3A_162 : memref<!tpu.dma_semaphore, #tpu.memory_space<semaphore_mem>>) src(%dma_wait3A_176 : memref<128x128xf32, #tpu.memory_space<vmem>>) dst(%dma_wait3A_182 : memref<10240x128xf32, #tpu.memory_space<vmem_shared>>)
        tpu.yield
      }) : () -> ()
      %add3A_133 = arith.constant 1 : i32
      %add3A_134 = arith.addi %scan3A_115, %add3A_133 : i32
      %lt3A = arith.constant 16 : i32
      %lt3A_135 = arith.cmpi slt, %add3A_134, %lt3A : i32
      %convert_element_type3A = arith.extui %lt3A_135 : i1 to i32
      %cond3A = arith.constant 0 : i32
      %cond3A_136 = arith.cmpi ne, %convert_element_type3A, %cond3A : i32
      scf.if %cond3A_136 {
        %add3A_162 = arith.constant 1 : i32
        %add3A_163 = arith.addi %add3A_117, %add3A_162 : i32
        %dma_start3A_164 = arith.constant 0 : i32
        %dma_start3A_165 = arith.constant 0 : i32
        %dma_start3A_166 = arith.constant 0 : i32
        %dma_start3A_167 = tpu.memref_slice %arg8[%dma_start3A_164, %dma_start3A_165, %dma_start3A_166] : memref<2x128x128xf32, #tpu.memory_space<vmem>> -> memref<1x128x128xf32, #tpu.memory_space<vmem>>
        %dma_start3A_168 = tpu.memref_squeeze %dma_start3A_167 : memref<1x128x128xf32, #tpu.memory_space<vmem>> -> memref<128x128xf32, #tpu.memory_space<vmem>>
        %dma_start3A_169 = arith.constant 0 : i32
        %dma_start3A_170 = tpu.memref_slice %arg6[%add3A_163, %dma_start3A_169] : memref<48x128xi32, #tpu.memory_space<vmem>> -> memref<1x128xi32, #tpu.memory_space<vmem>>
        %dma_start3A_171 = tpu.memref_squeeze %dma_start3A_170 : memref<1x128xi32, #tpu.memory_space<vmem>> -> memref<128xi32, #tpu.memory_space<vmem>>
        %dma_start3A_172 = arith.constant 0 : i32
        %dma_start3A_173 = arith.constant 0 : i32
        %dma_start3A_174 = tpu.memref_slice %arg2[%dma_start3A_172, %dma_start3A_173] : memref<10000x128xf32, #tpu.memory_space<hbm>> -> memref<10000x128xf32, #tpu.memory_space<hbm>>
        tpu.enqueue_indirect_dma source(%dma_start3A_174 : memref<10000x128xf32, #tpu.memory_space<hbm>>) target(%dma_start3A_168 : memref<128x128xf32, #tpu.memory_space<vmem>>) offsets(%dma_start3A_171 : memref<128xi32, #tpu.memory_space<vmem>>) semaphore(%arg10 : memref<!tpu.dma_semaphore, #tpu.memory_space<semaphore_mem>>)
      } else {
      }
      %add3A_137 = arith.constant 16 : i32
      %add3A_138 = arith.addi %add3A_137, %scan3A_115 : i32
      %dma_wait3A_139 = arith.constant 1 : i32
      %dma_wait3A_140 = arith.constant 0 : i32
      %dma_wait3A_141 = arith.constant 0 : i32
      %dma_wait3A_142 = tpu.memref_slice %arg8[%dma_wait3A_139, %dma_wait3A_140, %dma_wait3A_141] : memref<2x128x128xf32, #tpu.memory_space<vmem>> -> memref<1x128x128xf32, #tpu.memory_space<vmem>>
      %dma_wait3A_143 = tpu.memref_squeeze %dma_wait3A_142 : memref<1x128x128xf32, #tpu.memory_space<vmem>> -> memref<128x128xf32, #tpu.memory_space<vmem>>
      %dma_wait3A_144 = arith.constant 0 : i32
      %dma_wait3A_145 = arith.constant 0 : i32
      %dma_wait3A_146 = tpu.memref_slice %arg2[%dma_wait3A_144, %dma_wait3A_145] : memref<10000x128xf32, #tpu.memory_space<hbm>> -> memref<128x128xf32, #tpu.memory_space<hbm>>
      %dma_wait3A_147 = arith.constant 0 : i32
      %dma_wait3A_148 = arith.constant 0 : i32
      %dma_wait3A_149 = tpu.memref_slice %arg8[%dma_wait3A_139, %dma_wait3A_147, %dma_wait3A_148] : memref<2x128x128xf32, #tpu.memory_space<vmem>> -> memref<1x128x128xf32, #tpu.memory_space<vmem>>
      %dma_wait3A_150 = tpu.memref_squeeze %dma_wait3A_149 : memref<1x128x128xf32, #tpu.memory_space<vmem>> -> memref<128x128xf32, #tpu.memory_space<vmem>>
      %dma_wait3A_151 = arith.constant 0 : i32
      %dma_wait3A_152 = arith.constant 0 : i32
      %dma_wait3A_153 = tpu.memref_slice %arg2[%dma_wait3A_151, %dma_wait3A_152] : memref<10000x128xf32, #tpu.memory_space<hbm>> -> memref<128x128xf32, #tpu.memory_space<hbm>>
      tpu.wait_dma2 semaphore(%arg11 : memref<!tpu.dma_semaphore, #tpu.memory_space<semaphore_mem>>) src(%dma_wait3A_153 : memref<128x128xf32, #tpu.memory_space<hbm>>) dst(%dma_wait3A_150 : memref<128x128xf32, #tpu.memory_space<vmem>>)
      %run_scoped3A_154 = arith.constant 1 : i32
      "tpu.region"() ({
        %run_scoped3A_162 = tpu.sem_alloc : memref<!tpu.dma_semaphore, #tpu.memory_space<semaphore_mem>>
        %dma_start3A_163 = arith.constant 0 : i32
        %dma_start3A_164 = arith.constant 0 : i32
        %dma_start3A_165 = tpu.memref_slice %arg8[%run_scoped3A_154, %dma_start3A_163, %dma_start3A_164] : memref<2x128x128xf32, #tpu.memory_space<vmem>> -> memref<1x128x128xf32, #tpu.memory_space<vmem>>
        %dma_start3A_166 = tpu.memref_squeeze %dma_start3A_165 : memref<1x128x128xf32, #tpu.memory_space<vmem>> -> memref<128x128xf32, #tpu.memory_space<vmem>>
        %dma_start3A_167 = arith.constant 0 : i32
        %dma_start3A_168 = tpu.memref_slice %arg7[%add3A_138, %dma_start3A_167] : memref<48x128xi32, #tpu.memory_space<vmem>> -> memref<1x128xi32, #tpu.memory_space<vmem>>
        %dma_start3A_169 = tpu.memref_squeeze %dma_start3A_168 : memref<1x128xi32, #tpu.memory_space<vmem>> -> memref<128xi32, #tpu.memory_space<vmem>>
        %dma_start3A_170 = arith.constant 0 : i32
        %dma_start3A_171 = arith.constant 0 : i32
        %dma_start3A_172 = tpu.memref_slice %arg9[%dma_start3A_170, %dma_start3A_171] : memref<10240x128xf32, #tpu.memory_space<vmem_shared>> -> memref<10240x128xf32, #tpu.memory_space<vmem_shared>>
        tpu.enqueue_indirect_dma source(%dma_start3A_166 : memref<128x128xf32, #tpu.memory_space<vmem>>) target(%dma_start3A_172 : memref<10240x128xf32, #tpu.memory_space<vmem_shared>>) offsets(%dma_start3A_169 : memref<128xi32, #tpu.memory_space<vmem>>) semaphore(%run_scoped3A_162 : memref<!tpu.dma_semaphore, #tpu.memory_space<semaphore_mem>>) {add = true}
        %dma_wait3A_173 = arith.constant 0 : i32
        %dma_wait3A_174 = arith.constant 0 : i32
        %dma_wait3A_175 = tpu.memref_slice %arg8[%run_scoped3A_154, %dma_wait3A_173, %dma_wait3A_174] : memref<2x128x128xf32, #tpu.memory_space<vmem>> -> memref<1x128x128xf32, #tpu.memory_space<vmem>>
        %dma_wait3A_176 = tpu.memref_squeeze %dma_wait3A_175 : memref<1x128x128xf32, #tpu.memory_space<vmem>> -> memref<128x128xf32, #tpu.memory_space<vmem>>
        %dma_wait3A_177 = arith.constant 0 : i32
        %dma_wait3A_178 = tpu.memref_slice %arg7[%add3A_138, %dma_wait3A_177] : memref<48x128xi32, #tpu.memory_space<vmem>> -> memref<1x128xi32, #tpu.memory_space<vmem>>
        %dma_wait3A_179 = tpu.memref_squeeze %dma_wait3A_178 : memref<1x128xi32, #tpu.memory_space<vmem>> -> memref<128xi32, #tpu.memory_space<vmem>>
        %dma_wait3A_180 = arith.constant 0 : i32
        %dma_wait3A_181 = arith.constant 0 : i32
        %dma_wait3A_182 = tpu.memref_slice %arg9[%dma_wait3A_180, %dma_wait3A_181] : memref<10240x128xf32, #tpu.memory_space<vmem_shared>> -> memref<10240x128xf32, #tpu.memory_space<vmem_shared>>
        tpu.wait_indirect_dma semaphore(%run_scoped3A_162 : memref<!tpu.dma_semaphore, #tpu.memory_space<semaphore_mem>>) src(%dma_wait3A_176 : memref<128x128xf32, #tpu.memory_space<vmem>>) dst(%dma_wait3A_182 : memref<10240x128xf32, #tpu.memory_space<vmem_shared>>)
        tpu.yield
      }) : () -> ()
      %add3A_155 = arith.constant 1 : i32
      %add3A_156 = arith.addi %scan3A_115, %add3A_155 : i32
      %lt3A_157 = arith.constant 16 : i32
      %lt3A_158 = arith.cmpi slt, %add3A_156, %lt3A_157 : i32
      %convert_element_type3A_159 = arith.extui %lt3A_158 : i1 to i32
      %cond3A_160 = arith.constant 0 : i32
      %cond3A_161 = arith.cmpi ne, %convert_element_type3A_159, %cond3A_160 : i32
      scf.if %cond3A_161 {
        %add3A_162 = arith.constant 1 : i32
        %add3A_163 = arith.addi %add3A_138, %add3A_162 : i32
        %dma_start3A_164 = arith.constant 1 : i32
        %dma_start3A_165 = arith.constant 0 : i32
        %dma_start3A_166 = arith.constant 0 : i32
        %dma_start3A_167 = tpu.memref_slice %arg8[%dma_start3A_164, %dma_start3A_165, %dma_start3A_166] : memref<2x128x128xf32, #tpu.memory_space<vmem>> -> memref<1x128x128xf32, #tpu.memory_space<vmem>>
        %dma_start3A_168 = tpu.memref_squeeze %dma_start3A_167 : memref<1x128x128xf32, #tpu.memory_space<vmem>> -> memref<128x128xf32, #tpu.memory_space<vmem>>
        %dma_start3A_169 = arith.constant 0 : i32
        %dma_start3A_170 = tpu.memref_slice %arg6[%add3A_163, %dma_start3A_169] : memref<48x128xi32, #tpu.memory_space<vmem>> -> memref<1x128xi32, #tpu.memory_space<vmem>>
        %dma_start3A_171 = tpu.memref_squeeze %dma_start3A_170 : memref<1x128xi32, #tpu.memory_space<vmem>> -> memref<128xi32, #tpu.memory_space<vmem>>
        %dma_start3A_172 = arith.constant 0 : i32
        %dma_start3A_173 = arith.constant 0 : i32
        %dma_start3A_174 = tpu.memref_slice %arg2[%dma_start3A_172, %dma_start3A_173] : memref<10000x128xf32, #tpu.memory_space<hbm>> -> memref<10000x128xf32, #tpu.memory_space<hbm>>
        tpu.enqueue_indirect_dma source(%dma_start3A_174 : memref<10000x128xf32, #tpu.memory_space<hbm>>) target(%dma_start3A_168 : memref<128x128xf32, #tpu.memory_space<vmem>>) offsets(%dma_start3A_171 : memref<128xi32, #tpu.memory_space<vmem>>) semaphore(%arg11 : memref<!tpu.dma_semaphore, #tpu.memory_space<semaphore_mem>>)
      } else {
      }
    }
    %scan3A_109 = arith.constant 16 : i32
    %barrier3A_110 = arith.constant 0 : index
    tpu.barrier barrier_id(%barrier3A_110)
    %mul3A_111 = arith.constant 640 : i32
    %mul3A_112 = arith.muli %arg1, %mul3A_111 : i32
    %mul3A_113 = arith.constant 640 : i32
    %mul3A_114 = arith.muli %arg1, %mul3A_113 : i32
    "tpu.region"() ({
      %run_scoped3A_115 = tpu.sem_alloc : memref<!tpu.dma_semaphore, #tpu.memory_space<semaphore_mem>>
      %dma_start3A_116 = arith.constant 0 : i32
      %dma_start3A_117 = tpu.memref_slice %arg5[%arg0, %mul3A_114, %dma_start3A_116] : memref<2x10240x128xf32, #tpu.memory_space<hbm>> -> memref<1x640x128xf32, #tpu.memory_space<hbm>>
      %dma_start3A_118 = tpu.memref_squeeze %dma_start3A_117 : memref<1x640x128xf32, #tpu.memory_space<hbm>> -> memref<640x128xf32, #tpu.memory_space<hbm>>
      %dma_start3A_119 = arith.constant 0 : i32
      %dma_start3A_120 = tpu.memref_slice %arg9[%mul3A_112, %dma_start3A_119] : memref<10240x128xf32, #tpu.memory_space<vmem_shared>> -> memref<640x128xf32, #tpu.memory_space<vmem_shared>>
      tpu.enqueue_dma source(%dma_start3A_120 : memref<640x128xf32, #tpu.memory_space<vmem_shared>>) target(%dma_start3A_118 : memref<640x128xf32, #tpu.memory_space<hbm>>) target_semaphore(%run_scoped3A_115 : memref<!tpu.dma_semaphore, #tpu.memory_space<semaphore_mem>>)
      %dma_wait3A = arith.constant 0 : i32
      %dma_wait3A_121 = tpu.memref_slice %arg5[%arg0, %mul3A_114, %dma_wait3A] : memref<2x10240x128xf32, #tpu.memory_space<hbm>> -> memref<1x640x128xf32, #tpu.memory_space<hbm>>
      %dma_wait3A_122 = tpu.memref_squeeze %dma_wait3A_121 : memref<1x640x128xf32, #tpu.memory_space<hbm>> -> memref<640x128xf32, #tpu.memory_space<hbm>>
      %dma_wait3A_123 = arith.constant 0 : i32
      %dma_wait3A_124 = tpu.memref_slice %arg9[%mul3A_112, %dma_wait3A_123] : memref<10240x128xf32, #tpu.memory_space<vmem_shared>> -> memref<640x128xf32, #tpu.memory_space<vmem_shared>>
      tpu.wait_dma2 semaphore(%run_scoped3A_115 : memref<!tpu.dma_semaphore, #tpu.memory_space<semaphore_mem>>) src(%dma_wait3A_124 : memref<640x128xf32, #tpu.memory_space<vmem_shared>>) dst(%dma_wait3A_122 : memref<640x128xf32, #tpu.memory_space<hbm>>)
      tpu.yield
    }) : () -> ()
    return
  }
}

module attributes {stable_mosaic.version = 14 : i64} {
  func.func @_mm_body(%arg0: i32, %arg1: memref<2000x128xf32, #tpu.memory_space<vmem>>, %arg2: memref<128x128xf32, #tpu.memory_space<vmem>>, %arg3: memref<2000x128xf32, #tpu.memory_space<vmem>>) attributes {dimension_semantics = [#tpu.dimension_semantics<arbitrary>], iteration_bounds = array<i64: 5>, scalar_prefetch = 0 : i64, scratch_operands = 0 : i64, tpu.core_type = #tpu.core_type<tc>, window_params = [{transform_indices = @transform_0, window_bounds = array<i64: 2000, 128>}, {pipeline_mode = #tpu.pipeline_mode<synchronous>, transform_indices = @transform_1, window_bounds = array<i64: 128, 128>}, {transform_indices = @transform_2, window_bounds = array<i64: 2000, 128>}]} {
    %get3A = arith.constant 0 : index
    %get3A_0 = arith.constant 0 : index
    %get3A_1 = vector.load %arg1[%get3A, %get3A_0] : memref<2000x128xf32, #tpu.memory_space<vmem>>, vector<2000x128xf32>
    %get3A_2 = arith.constant 0 : index
    %get3A_3 = arith.constant 0 : index
    %get3A_4 = vector.load %arg2[%get3A_2, %get3A_3] : memref<128x128xf32, #tpu.memory_space<vmem>>, vector<128x128xf32>
    %dot_general3A = arith.constant dense<0.000000e+00> : vector<2000x128xf32>
    %dot_general3A_5 = tpu.matmul %get3A_1, %get3A_4, %dot_general3A {dimension_numbers = #tpu.dot_dimension_numbers<[1], [1], [0], [0], [0, 0, 1, 0], [], []>, transpose_lhs_hint = false} : vector<2000x128xf32>, vector<128x128xf32>, vector<2000x128xf32> -> vector<2000x128xf32>
    %swap3A = arith.constant 0 : index
    %swap3A_6 = arith.constant 0 : index
    %swap3A_7 = vector.load %arg3[%swap3A, %swap3A_6] : memref<2000x128xf32, #tpu.memory_space<vmem>>, vector<2000x128xf32>
    tpu.vector_store %arg3[%swap3A, %swap3A_6], %dot_general3A_5 {strides = array<i32>} : memref<2000x128xf32, #tpu.memory_space<vmem>>, vector<2000x128xf32>,
    return
  }
  func.func @transform_0(%arg0: i32) -> (i32, i32) {
    %c0_i32 = arith.constant 0 : i32
    %c0_i32_0 = arith.constant 0 : i32
    return %arg0, %c0_i32 : i32, i32
  }
  func.func @transform_1(%arg0: i32) -> (i32, i32) {
    %c0_i32 = arith.constant 0 : i32
    %c0_i32_0 = arith.constant 0 : i32
    %c0_i32_1 = arith.constant 0 : i32
    return %c0_i32, %c0_i32_0 : i32, i32
  }
  func.func @transform_2(%arg0: i32) -> (i32, i32) {
    %c0_i32 = arith.constant 0 : i32
    %c0_i32_0 = arith.constant 0 : i32
    return %arg0, %c0_i32 : i32, i32
  }
}

module attributes {stable_mosaic.version = 14 : i64} {
  func.func @_combine_mm_body(%arg0: i32, %arg1: memref<2x2000x128xf32, #tpu.memory_space<vmem>>, %arg2: memref<2000x128xf32, #tpu.memory_space<vmem>>, %arg3: memref<2x2000x1xf32, #tpu.memory_space<vmem>>, %arg4: memref<1x128xf32, #tpu.memory_space<vmem>>, %arg5: memref<128x128xf32, #tpu.memory_space<vmem>>, %arg6: memref<2000x128xf32, #tpu.memory_space<vmem>>) attributes {dimension_semantics = [#tpu.dimension_semantics<arbitrary>], iteration_bounds = array<i64: 5>, scalar_prefetch = 0 : i64, scratch_operands = 0 : i64, tpu.core_type = #tpu.core_type<tc>, window_params = [{transform_indices = @transform_0, window_bounds = array<i64: 2, 2000, 128>}, {transform_indices = @transform_1, window_bounds = array<i64: 2000, 128>}, {transform_indices = @transform_2, window_bounds = array<i64: 2, 2000, 1>}, {pipeline_mode = #tpu.pipeline_mode<synchronous>, transform_indices = @transform_3, window_bounds = array<i64: 1, 128>}, {pipeline_mode = #tpu.pipeline_mode<synchronous>, transform_indices = @transform_4, window_bounds = array<i64: 128, 128>}, {transform_indices = @transform_5, window_bounds = array<i64: 2000, 128>}]} {
    %get3A = arith.constant 0 : index
    %get3A_0 = arith.constant 0 : index
    %get3A_1 = arith.constant 0 : index
    %get3A_2 = vector.load %arg1[%get3A, %get3A_0, %get3A_1] : memref<2x2000x128xf32, #tpu.memory_space<vmem>>, vector<1x2000x128xf32>
    %get3A_3 = vector.shape_cast %get3A_2 : vector<1x2000x128xf32> to vector<2000x128xf32>
    %get3A_4 = arith.constant 1 : index
    %get3A_5 = arith.constant 0 : index
    %get3A_6 = arith.constant 0 : index
    %get3A_7 = vector.load %arg1[%get3A_4, %get3A_5, %get3A_6] : memref<2x2000x128xf32, #tpu.memory_space<vmem>>, vector<1x2000x128xf32>
    %get3A_8 = vector.shape_cast %get3A_7 : vector<1x2000x128xf32> to vector<2000x128xf32>
    %add3A = arith.addf %get3A_3, %get3A_8 : vector<2000x128xf32>
    %get3A_9 = arith.constant 0 : index
    %get3A_10 = arith.constant 0 : index
    %get3A_11 = arith.constant 0 : index
    %get3A_12 = vector.load %arg3[%get3A_9, %get3A_10, %get3A_11] : memref<2x2000x1xf32, #tpu.memory_space<vmem>>, vector<1x2000x1xf32>
    %get3A_13 = vector.shape_cast %get3A_12 : vector<1x2000x1xf32> to vector<2000x1xf32>
    %get3A_14 = arith.constant 1 : index
    %get3A_15 = arith.constant 0 : index
    %get3A_16 = arith.constant 0 : index
    %get3A_17 = vector.load %arg3[%get3A_14, %get3A_15, %get3A_16] : memref<2x2000x1xf32, #tpu.memory_space<vmem>>, vector<1x2000x1xf32>
    %get3A_18 = vector.shape_cast %get3A_17 : vector<1x2000x1xf32> to vector<2000x1xf32>
    %add3A_19 = arith.addf %get3A_13, %get3A_18 : vector<2000x1xf32>
    %add3A_20 = arith.constant 1.000000e+00 : f32
    %add3A_21 = vector.broadcast %add3A_20 : f32 to vector<2000x1xf32>
    %add3A_22 = arith.addf %add3A_19, %add3A_21 : vector<2000x1xf32>
    %get3A_23 = arith.constant 0 : index
    %get3A_24 = arith.constant 0 : index
    %get3A_25 = vector.load %arg2[%get3A_23, %get3A_24] : memref<2000x128xf32, #tpu.memory_space<vmem>>, vector<2000x128xf32>
    %add3A_26 = arith.addf %add3A, %get3A_25 : vector<2000x128xf32>
    %div3A = vector.broadcast %add3A_22 : vector<2000x1xf32> to vector<2000x128xf32>
    %div3A_27 = arith.divf %add3A_26, %div3A : vector<2000x128xf32>
    %get3A_28 = arith.constant 0 : index
    %get3A_29 = arith.constant 0 : index
    %get3A_30 = vector.load %arg4[%get3A_28, %get3A_29] : memref<1x128xf32, #tpu.memory_space<vmem>>, vector<1x128xf32>
    %add3A_31 = vector.broadcast %get3A_30 : vector<1x128xf32> to vector<2000x128xf32>
    %add3A_32 = arith.addf %div3A_27, %add3A_31 : vector<2000x128xf32>
    %ge3A = arith.constant 0.000000e+00 : f32
    %ge3A_33 = vector.broadcast %ge3A : f32 to vector<2000x128xf32>
    %ge3A_34 = arith.cmpf oge, %add3A_32, %ge3A_33 : vector<2000x128xf32>
    %mul3A = arith.constant 0.00999999977 : f32
    %mul3A_35 = vector.broadcast %mul3A : f32 to vector<2000x128xf32>
    %mul3A_36 = arith.mulf %mul3A_35, %add3A_32 : vector<2000x128xf32>
    %select_n3A = arith.select %ge3A_34, %add3A_32, %mul3A_36 : vector<2000x128xi1>, vector<2000x128xf32>
    %get3A_37 = arith.constant 0 : index
    %get3A_38 = arith.constant 0 : index
    %get3A_39 = vector.load %arg5[%get3A_37, %get3A_38] : memref<128x128xf32, #tpu.memory_space<vmem>>, vector<128x128xf32>
    %dot_general3A = arith.constant dense<0.000000e+00> : vector<2000x128xf32>
    %dot_general3A_40 = tpu.matmul %select_n3A, %get3A_39, %dot_general3A {dimension_numbers = #tpu.dot_dimension_numbers<[1], [1], [0], [0], [0, 0, 1, 0], [], []>, transpose_lhs_hint = false} : vector<2000x128xf32>, vector<128x128xf32>, vector<2000x128xf32> -> vector<2000x128xf32>
    %swap3A = arith.constant 0 : index
    %swap3A_41 = arith.constant 0 : index
    %swap3A_42 = vector.load %arg6[%swap3A, %swap3A_41] : memref<2000x128xf32, #tpu.memory_space<vmem>>, vector<2000x128xf32>
    tpu.vector_store %arg6[%swap3A, %swap3A_41], %dot_general3A_40 {strides = array<i32>} : memref<2000x128xf32, #tpu.memory_space<vmem>>, vector<2000x128xf32>,
    return
  }
  func.func @transform_0(%arg0: i32) -> (i32, i32, i32) {
    %c0_i32 = arith.constant 0 : i32
    %c0_i32_0 = arith.constant 0 : i32
    %c0_i32_1 = arith.constant 0 : i32
    return %c0_i32, %arg0, %c0_i32_0 : i32, i32, i32
  }
  func.func @transform_1(%arg0: i32) -> (i32, i32) {
    %c0_i32 = arith.constant 0 : i32
    %c0_i32_0 = arith.constant 0 : i32
    return %arg0, %c0_i32 : i32, i32
  }
  func.func @transform_2(%arg0: i32) -> (i32, i32, i32) {
    %c0_i32 = arith.constant 0 : i32
    %c0_i32_0 = arith.constant 0 : i32
    %c0_i32_1 = arith.constant 0 : i32
    return %c0_i32, %arg0, %c0_i32_0 : i32, i32, i32
  }
  func.func @transform_3(%arg0: i32) -> (i32, i32) {
    %c0_i32 = arith.constant 0 : i32
    %c0_i32_0 = arith.constant 0 : i32
    %c0_i32_1 = arith.constant 0 : i32
    return %c0_i32, %c0_i32_0 : i32, i32
  }
  func.func @transform_4(%arg0: i32) -> (i32, i32) {
    %c0_i32 = arith.constant 0 : i32
    %c0_i32_0 = arith.constant 0 : i32
    %c0_i32_1 = arith.constant 0 : i32
    return %c0_i32, %c0_i32_0 : i32, i32
  }
  func.func @transform_5(%arg0: i32) -> (i32, i32) {
    %c0_i32 = arith.constant 0 : i32
    %c0_i32_0 = arith.constant 0 : i32
    return %arg0, %c0_i32 : i32, i32
  }
}

module attributes {stable_mosaic.version = 14 : i64} {
  func.func @_combine_body(%arg0: i32, %arg1: memref<2x2000x128xf32, #tpu.memory_space<vmem>>, %arg2: memref<2000x128xf32, #tpu.memory_space<vmem>>, %arg3: memref<2x2000x1xf32, #tpu.memory_space<vmem>>, %arg4: memref<1x128xf32, #tpu.memory_space<vmem>>, %arg5: memref<2000x128xf32, #tpu.memory_space<vmem>>) attributes {dimension_semantics = [#tpu.dimension_semantics<arbitrary>], iteration_bounds = array<i64: 5>, scalar_prefetch = 0 : i64, scratch_operands = 0 : i64, tpu.core_type = #tpu.core_type<tc>, window_params = [{transform_indices = @transform_0, window_bounds = array<i64: 2, 2000, 128>}, {transform_indices = @transform_1, window_bounds = array<i64: 2000, 128>}, {transform_indices = @transform_2, window_bounds = array<i64: 2, 2000, 1>}, {pipeline_mode = #tpu.pipeline_mode<synchronous>, transform_indices = @transform_3, window_bounds = array<i64: 1, 128>}, {transform_indices = @transform_4, window_bounds = array<i64: 2000, 128>}]} {
    %get3A = arith.constant 0 : index
    %get3A_0 = arith.constant 0 : index
    %get3A_1 = arith.constant 0 : index
    %get3A_2 = vector.load %arg1[%get3A, %get3A_0, %get3A_1] : memref<2x2000x128xf32, #tpu.memory_space<vmem>>, vector<1x2000x128xf32>
    %get3A_3 = vector.shape_cast %get3A_2 : vector<1x2000x128xf32> to vector<2000x128xf32>
    %get3A_4 = arith.constant 1 : index
    %get3A_5 = arith.constant 0 : index
    %get3A_6 = arith.constant 0 : index
    %get3A_7 = vector.load %arg1[%get3A_4, %get3A_5, %get3A_6] : memref<2x2000x128xf32, #tpu.memory_space<vmem>>, vector<1x2000x128xf32>
    %get3A_8 = vector.shape_cast %get3A_7 : vector<1x2000x128xf32> to vector<2000x128xf32>
    %add3A = arith.addf %get3A_3, %get3A_8 : vector<2000x128xf32>
    %get3A_9 = arith.constant 0 : index
    %get3A_10 = arith.constant 0 : index
    %get3A_11 = arith.constant 0 : index
    %get3A_12 = vector.load %arg3[%get3A_9, %get3A_10, %get3A_11] : memref<2x2000x1xf32, #tpu.memory_space<vmem>>, vector<1x2000x1xf32>
    %get3A_13 = vector.shape_cast %get3A_12 : vector<1x2000x1xf32> to vector<2000x1xf32>
    %get3A_14 = arith.constant 1 : index
    %get3A_15 = arith.constant 0 : index
    %get3A_16 = arith.constant 0 : index
    %get3A_17 = vector.load %arg3[%get3A_14, %get3A_15, %get3A_16] : memref<2x2000x1xf32, #tpu.memory_space<vmem>>, vector<1x2000x1xf32>
    %get3A_18 = vector.shape_cast %get3A_17 : vector<1x2000x1xf32> to vector<2000x1xf32>
    %add3A_19 = arith.addf %get3A_13, %get3A_18 : vector<2000x1xf32>
    %add3A_20 = arith.constant 1.000000e+00 : f32
    %add3A_21 = vector.broadcast %add3A_20 : f32 to vector<2000x1xf32>
    %add3A_22 = arith.addf %add3A_19, %add3A_21 : vector<2000x1xf32>
    %get3A_23 = arith.constant 0 : index
    %get3A_24 = arith.constant 0 : index
    %get3A_25 = vector.load %arg2[%get3A_23, %get3A_24] : memref<2000x128xf32, #tpu.memory_space<vmem>>, vector<2000x128xf32>
    %add3A_26 = arith.addf %add3A, %get3A_25 : vector<2000x128xf32>
    %div3A = vector.broadcast %add3A_22 : vector<2000x1xf32> to vector<2000x128xf32>
    %div3A_27 = arith.divf %add3A_26, %div3A : vector<2000x128xf32>
    %get3A_28 = arith.constant 0 : index
    %get3A_29 = arith.constant 0 : index
    %get3A_30 = vector.load %arg4[%get3A_28, %get3A_29] : memref<1x128xf32, #tpu.memory_space<vmem>>, vector<1x128xf32>
    %add3A_31 = vector.broadcast %get3A_30 : vector<1x128xf32> to vector<2000x128xf32>
    %add3A_32 = arith.addf %div3A_27, %add3A_31 : vector<2000x128xf32>
    %ge3A = arith.constant 0.000000e+00 : f32
    %ge3A_33 = vector.broadcast %ge3A : f32 to vector<2000x128xf32>
    %ge3A_34 = arith.cmpf oge, %add3A_32, %ge3A_33 : vector<2000x128xf32>
    %mul3A = arith.constant 0.00999999977 : f32
    %mul3A_35 = vector.broadcast %mul3A : f32 to vector<2000x128xf32>
    %mul3A_36 = arith.mulf %mul3A_35, %add3A_32 : vector<2000x128xf32>
    %select_n3A = arith.select %ge3A_34, %add3A_32, %mul3A_36 : vector<2000x128xi1>, vector<2000x128xf32>
    %swap3A = arith.constant 0 : index
    %swap3A_37 = arith.constant 0 : index
    %swap3A_38 = vector.load %arg5[%swap3A, %swap3A_37] : memref<2000x128xf32, #tpu.memory_space<vmem>>, vector<2000x128xf32>
    tpu.vector_store %arg5[%swap3A, %swap3A_37], %select_n3A {strides = array<i32>} : memref<2000x128xf32, #tpu.memory_space<vmem>>, vector<2000x128xf32>,
    return
  }
  func.func @transform_0(%arg0: i32) -> (i32, i32, i32) {
    %c0_i32 = arith.constant 0 : i32
    %c0_i32_0 = arith.constant 0 : i32
    %c0_i32_1 = arith.constant 0 : i32
    return %c0_i32, %arg0, %c0_i32_0 : i32, i32, i32
  }
  func.func @transform_1(%arg0: i32) -> (i32, i32) {
    %c0_i32 = arith.constant 0 : i32
    %c0_i32_0 = arith.constant 0 : i32
    return %arg0, %c0_i32 : i32, i32
  }
  func.func @transform_2(%arg0: i32) -> (i32, i32, i32) {
    %c0_i32 = arith.constant 0 : i32
    %c0_i32_0 = arith.constant 0 : i32
    %c0_i32_1 = arith.constant 0 : i32
    return %c0_i32, %arg0, %c0_i32_0 : i32, i32, i32
  }
  func.func @transform_3(%arg0: i32) -> (i32, i32) {
    %c0_i32 = arith.constant 0 : i32
    %c0_i32_0 = arith.constant 0 : i32
    %c0_i32_1 = arith.constant 0 : i32
    return %c0_i32, %c0_i32_0 : i32, i32
  }
  func.func @transform_4(%arg0: i32) -> (i32, i32) {
    %c0_i32 = arith.constant 0 : i32
    %c0_i32_0 = arith.constant 0 : i32
    return %arg0, %c0_i32 : i32, i32
  }
}

</mosaic_0001>

<sc_bundles>
// kernel: kernel.10.cloned.1.call-start
scs
__scs_entry_jumppad:
0x0: {  	(pc) =	sbr.rel $0x88, $3  }
0x1: {  	(tag) =	ssettag $0x0;
	lr =	simm.s32 $0x1  }
0x2: {  	[smem:$0x3F9B] =	sst lr;
	_ =	strace $0xD0000000  }
0x3: {  	_ = 	snop  }
0x4: {  	_ = 	snop  }
0x5: {  	_ = 	snop  }
0x6: {  	_ = 	snop  }
0x7: {  	_ = 	snop  }
__scs_overlays_trampoline_lowered:
0x8: {  	[smem:$0x3FAA] =	sst s0  }
0x9: {  	[smem:$0x3FAB] =	sst s1  }
0xa: {  	[smem:$0x3FAC] =	sst s2  }
0xb: {  	[smem:$0x3FAD] =	sst s3  }
0xc: {  	[smem:$0x3FAE] =	sst s4  }
0xd: {  	[smem:$0x3FAF] =	sst s5  }
0xe: {  	[smem:$0x3FB0] =	sst s6  }
0xf: {  	[smem:$0x3FB1] =	sst s7  }
0x10: {  	[smem:$0x3FB2] =	sst s8  }
0x11: {  	[smem:$0x3FB3] =	sst s9;
	s0 =	simm.s32 @!p0 $0x0  }
0x12: {  	s1 =	sld [smem:$0x3F99];
	s0 =	simm.s32 @p0 $0x1  }
0x13: {  	[smem:$0x3FB4] =	sst s0;
	s0 =	simm.s32 @!p1 $0x0  }
0x14: {  	s2 =	sld [smem:$0x3F98];
	s0 =	simm.s32 @p1 $0x1  }
0x15: {  	[smem:$0x3FB5] =	sst s0;
	s0 =	simm.s32 @!p2 $0x0  }
0x16: {  	s3 =	sld [smem:$0x3FDB];
	s0 =	simm.s32 @p2 $0x1  }
0x17: {  	s4 =	simm.s32 $0x1BF5;
	[smem:$0x3FB7] =	sst s0  }
0x18: {  	s0 =	sld [smem:$0x3F9A];
	_ =	swait.ge [sflag:s4], $0x0  }
0x19: {  	s7 =	sld [smem:$0x3F9B]  }
0x1a: {  	s8 =	sadd.s32 $0xFFFFE003, lr  }
0x1b: {  	s9 =	sadd.s32 $0xFFFFFEF7, lr;
	s5 =	simm.s32 $0xFFFFFFFF;
	p2 =	slt.u32 s8, $0xFFFFF086  }
0x1c: {  	p1 =	slt.u32 s9, $0xF7A;
	s5 =	simm.s32 @!p2 $0x0  }
0x1d: {  	s5 =	simm.s32 @p1 $0x1;
	p0 =	seq.s32 s7, s2  }
0x1e: {  	s7 =	smul.u32 @!p0 $0xF7A, s2;
	p2 =	seq.s32 @!p0 s5, $0x0  }
0x1f: {  	s9 =	smul.u32 $0xF7A, s1;
	s8 =	simm.s32 @!p0 $0x1BF5;
	p2 =	por !p2, p0  }
0x20: {  	[sflag:s8] =	ssyncset.s32 @!p0 $0xFFFFF086;
	s6 =	sadd.s32 @!p0 s3, s7;
	s7 =	simm.s32 @!p0 $0x108  }
0x21: {  	s3 =	sadd.s32 s3, s9;
	s6 =	sadd.s32 @!p0 $0x88, s6;
	s7 =	simm.s32 @p2 $0x1082  }
0x22: {  	[simem:s7], [sflag:s8] =	dma.local @!p0 [hbm:s6], $0xF7A  }
0x23: {  	s9 =	sor.u32 $0xD0000000, s2;
	s6 =	simm.s32 $0x108;
	_ =	swait.ge @!p0 [sflag:s8], $0x0  }
0x24: {  	s3 =	sadd.s32 $0x88, s3;
	s6 =	simm.s32 @!p1 $0x1082;
	[sflag:s4] =	ssyncset.s32 $0xFFFFF086  }
0x25: {  	[simem:s6], [sflag:s4] =	dma.local [hbm:s3], $0xF7A  }
0x26: {  	[smem:$0x3F9B] =	sst s1;
	(tag) =	ssettag s2;
	_ =	strace s9  }
0x27: {  	s1 =	sld [smem:$0x3FAB]  }
0x28: {  	s2 =	sld [smem:$0x3FAC]  }
0x29: {  	s4 =	sld [smem:$0x3FAE]  }
0x2a: {  	p0 =	seq.s32 s5, $0x0;
	s5 =	sld [smem:$0x3FAF]  }
0x2b: {  	s6 =	sld [smem:$0x3FB0]  }
0x2c: {  	s7 =	sld [smem:$0x3FB1]  }
0x2d: {  	s3 =	simm.s32 $0x108;
	s8 =	sld [smem:$0x3FB2]  }
0x2e: {  	s3 =	simm.s32 @!p0 $0x1082;
	s9 =	sld [smem:$0x3FB3]  }
0x2f: {  	lr =	sadd.s32 s0, s3;
	s0 =	sld [smem:$0x3FAA]  }
0x30: {  	s3 =	sld [smem:$0x3FAD]  }
0x31: {  	[smem:$0x3FB6] =	sst s10  }
0x32: {  	s10 =	sld [smem:$0x3FB4];
	_ =	sdelay $0x3  }
0x33: {  	p0 =	seq.s32 s10, $0x1;
	s10 =	sld [smem:$0x3FB6];
	_ =	sdelay $0x3  }
0x34: {  	[smem:$0x3FB6] =	sst s10  }
0x35: {  	s10 =	sld [smem:$0x3FB5];
	_ =	sdelay $0x3  }
0x36: {  	p1 =	seq.s32 s10, $0x1;
	s10 =	sld [smem:$0x3FB6];
	_ =	sdelay $0x3  }
0x37: {  	[smem:$0x3FB6] =	sst s10  }
0x38: {  	s10 =	sld [smem:$0x3FB7]  }
0x39: {  	_ = 	snop;
	(pc) =	sbr.ind lr, $3  }
0x3a: {  	_ = 	snop  }
0x3b: {  	_ = 	snop  }
0x3c: {  	p2 =	seq.s32 s10, $0x1;
	s10 =	sld [smem:$0x3FB6]  }
0x3d: {  	_ =	shalt  }
0x3e: {  	_ =	shalt  }
0x3f: {  	_ =	shalt  }
0x40: {  	_ =	shalt  }
0x41: {  	_ =	shalt  }
0x42: {  	_ =	shalt  }
0x43: {  	_ =	shalt  }
0x44: {  	_ =	shalt  }
0x45: {  	_ =	shalt  }
0x46: {  	_ =	shalt  }
0x47: {  	_ =	shalt  }
0x48: {  	_ =	shalt  }
0x49: {  	_ =	shalt  }
0x4a: {  	_ =	shalt  }
0x4b: {  	_ =	shalt  }
0x4c: {  	_ =	shalt  }
0x4d: {  	_ =	shalt  }
0x4e: {  	_ =	shalt  }
0x4f: {  	_ =	shalt  }
0x50: {  	_ =	shalt  }
0x51: {  	_ =	shalt  }
0x52: {  	_ =	shalt  }
0x53: {  	_ =	shalt  }
0x54: {  	_ =	shalt  }
0x55: {  	_ =	shalt  }
0x56: {  	_ =	shalt  }
0x57: {  	_ =	shalt  }
0x58: {  	_ =	shalt  }
0x59: {  	_ =	shalt  }
0x5a: {  	_ =	shalt  }
0x5b: {  	_ =	shalt  }
0x5c: {  	_ =	shalt  }
0x5d: {  	_ =	shalt  }
0x5e: {  	_ =	shalt  }
0x5f: {  	_ =	shalt  }
0x60: {  	_ =	shalt  }
0x61: {  	_ =	shalt  }
0x62: {  	_ =	shalt  }
0x63: {  	_ =	shalt  }
0x64: {  	_ =	shalt  }
0x65: {  	_ =	shalt  }
0x66: {  	_ =	shalt  }
0x67: {  	_ =	shalt  }
0x68: {  	_ =	shalt  }
0x69: {  	_ =	shalt  }
0x6a: {  	_ =	shalt  }
0x6b: {  	_ =	shalt  }
0x6c: {  	_ =	shalt  }
0x6d: {  	_ =	shalt  }
0x6e: {  	_ =	shalt  }
0x6f: {  	_ =	shalt  }
0x70: {  	_ =	shalt  }
0x71: {  	_ =	shalt  }
0x72: {  	_ =	shalt  }
0x73: {  	_ =	shalt  }
0x74: {  	_ =	shalt  }
0x75: {  	_ =	shalt  }
0x76: {  	_ =	shalt  }
0x77: {  	_ =	shalt  }
0x78: {  	_ =	shalt  }
0x79: {  	_ =	shalt  }
0x7a: {  	_ =	shalt  }
0x7b: {  	_ =	shalt  }
0x7c: {  	_ =	shalt  }
0x7d: {  	_ =	shalt  }
0x7e: {  	_ =	shalt  }
0x7f: {  	_ =	shalt  }
0x80: {  	_ =	shalt  }
0x81: {  	_ =	shalt  }
0x82: {  	_ =	shalt  }
0x83: {  	_ =	shalt  }
0x84: {  	_ =	shalt  }
0x85: {  	_ =	shalt  }
0x86: {  	_ =	shalt  }
0x87: {  	_ =	shalt  }
.Lfunc_end0:
.L_simem_size_0:
called_computation.1_lowered:
.L_overlay_start_0:
0x88: {  	s2 =	sld [smem:$0x3FD9]  }
0x89: {  	s3 =	sld [smem:$0x3FFE];
	_ =	sdelay $0x1  }
0x8a: {  	s1 =	srdreg.scid  }
0x8b: {  	s0 =	sand.u32 $0x1, s1  }
0x8c: {  	s17 =	sshll.u32 s0, $0xA;
	s2 =	sadd.s32 s3, s2  }
0x8d: {  	s2 =	sadd.s32 s2, s17  }
0x8e: {  	[smem:$0x3FC2] =	sst s2  }
0x8f: {  	_ = 	snop  }
0x90: {  	s2 =	sld [smem:$0x3FD0];
	(tm) =	ssettm $0x1  }
0x91: {  	s18 =	sld [smem:$0x3FFB];
	_ =	sdelay $0x3  }
0x92: {  	_ =	strace s18  }
0x93: {  	s3 =	sld [smem:$0x3FFC];
	_ =	sdelay $0x3  }
0x94: {  	_ =	strace s3  }
0x95: {  	s3 =	sld [smem:$0x3FFD];
	_ =	sdelay $0x3  }
0x96: {  	_ =	strace s3  }
0x97: {  	_ =	strace $0x8FFFFFFF  }
0x98: {  	s19 =	sld [smem:$0x3FDB];
	_ =	sdelay $0x1  }
0x99: {  	s4 =	simm.s32 $_scs_section_size  }
0x9a: {  	s5 =	simm.s32 $_size__tile_overlayer_lowered;
	s6 =	simm.s32 $_tile_overlayer_lowered  }
0x9b: {  	s22 =	simm.s32 $0x1BFF;
	s21 =	sshll.u32 s6, $0x1;
	s3 =	sadd.s32 s4, s19  }
0x9c: {  	s7 =	simm.s32 $0x0;
	s20 =	sshll.u32 s5, $0x1;
	s5 =	sadd.s32 s21, s3  }
0x9d: {  	[timem:s7], [sflag:s22] =	dma.local [hbm:s5], s20  }
0x9e: {  	_ =	swait.ge [sflag:s22], s20  }
0x9f: {  	s4 =	ssub.s32 $0x0, s20;
	[sflag:s22] =	ssyncset.done $0x0  }
0xa0: {  	[sflag:s22] =	ssyncadd.s32 s4;
	_ =	sdelay $0x1  }
0xa1: {  	s23 =	simm.s32 $0x1B8B  }
0xa2: {  	_ =	swait.ge [sflag:s23], $0x1  }
0xa3: {  	[sflag:s23] =	ssyncset.done $0x0  }
0xa4: {  	s25 =	simm.s32 $0x1B8E;
	s24 =	sld [smem:$0x3FFE];
	[sflag:s23] =	ssyncadd.s32 $0xFFFFFFFF  }
0xa5: {  	s26 =	simm.s32 $execute0_lowered;
	[smem:$0x3FD2] =	sst s25  }
0xa6: {  	s5 =	sshll.u32 s26, $0x1;
	_ =	strace $0x80000049;
	[dreg:$0x1] =	wrdreg $0xFFFFFFFF  }
0xa7: {  	s28 =	simm.s32 $_size_execute0_lowered;
	s3 =	sadd.s32 s3, s5;
	[dreg:$0x0] =	wrdreg $0x0  }
0xa8: {  	s5 =	sshll.u32 s28, $0x1;
	[dreg:$0x2] =	wrdreg s3  }
0xa9: {  	[dreg:$0x3] =	wrdreg s5  }
0xaa: {  	[dreg:$0x4] =	wrdreg $0xC0  }
0xab: {  	_ =	task [dreg:s7], $0x5FFFF  }
0xac: {  	[dreg:$0x1] =	wrdreg $0xFFFFFFFF  }
0xad: {  	[dreg:$0x0] =	wrdreg $0x60  }
0xae: {  	[dreg:$0x2] =	wrdreg s2  }
0xaf: {  	[dreg:$0x3] =	wrdreg s24  }
0xb0: {  	[dreg:$0x4] =	wrdreg $0xB0000  }
0xb1: {  	[dreg:$0x5] =	wrdreg $0x9  }
0xb2: {  	_ =	task.clear_ibuf [dreg:s7], $0x6FFFF;
	_ =	strace $0x90000049  }
0xb3: {  	s29 =	simm.s32 $0x9;
	_ =	strace $0x8000004B  }
0xb4: {  	_ =	swait.ge [sflag:s29], $0x1  }
0xb5: {  	[sflag:s29] =	ssyncadd.s32 $0xFFFFFFFF  }
0xb6: {  	_ =	strace $0x9000004B  }
0xb7: {  	_ =	sfence  }
0xb8: {  	s30 =	sld [smem:$0x0];
	_ =	sdelay $0x2  }
0xb9: {  	s31 =	sshll.u32 s1, $0xD;
	s1 =	sshrl.u32 s1, $0x2  }
0xba: {  	s3 =	sand.u32 $0x4000, s31;
	s1 =	sadd.s32 s1, s30  }
0xbb: {  	s0 =	sor.u32 s3, s0;
	s1 =	sshll.u32 s1, $0x11  }
0xbc: {  	s0 =	sor.u32 s1, s0  }
0xbd: {  	s0 =	sadd.s32 $0x8F2B, s0  }
0xbe: {  	[sflag:s0] =	ssyncadd.remote.s32 $0x1  }
0xbf: {  	_ =	sfence.sel $0xFFFF  }
0xc0: {  	[dreg:$0x0] =	wrdreg $0xFFFFFFFF;
	(pc) =	sbr.abs _section_cstart, $3  }
0xc1: {  	[dreg:$0x1] =	wrdreg $0xFFFFFFFF  }
0xc2: {  	_ =	task.clear_ibuf [dreg:s7], $0x2FFFF;
	_ =	strace $0x9FFFFFFF  }
0xc3: {  	(tm) =	ssettm $0x7FFFFFFF  }
tec
execute0_lowered:
.L_overlay_start_1:
0x0: {  	(tag) =	ssettag $0x1  }
0x1: {  	s1 =	rddreg [dreg:$0x0]  }
0x2: {  	s0 =	rddreg [dreg:$0x1]  }
0x3: {  	s2 =	rddreg [dreg:$0x2];
	s3 =	srdreg.scid;
	s4 =	simm.s32 $0x0  }
0x4: {  	s25 =	stileid.u32;
	s14 =	simm.s32 $0x30;
	s16 =	simm.s32 $0x3000  }
0x5: {  	s17 =	simm.s32 $0x3;
	s18 =	simm.s32 $0x1800;
	s19 =	simm.s32 $0x80  }
0x6: {  	s20 =	simm.s32 $0xC00;
	s21 =	simm.s32 $0x7000;
	s22 =	simm.s32 $0x1  }
0x7: {  	s23 =	simm.s32 $0x2;
	s24 =	simm.s32 $0x2380;
	s6 =	smul.u32 $0x14000, s25  }
0x8: {  	s28 =	simm.s32 $0x1F80;
	s29 =	simm.s32 $0x2780;
	s26 =	smul.u32 $0x50000, s25  }
0x9: {  	s30 =	simm.s32 $0x0;
	s8 =	sand.u32 $0x1, s3;
	s9 =	smul.u32 $0x2800, s25  }
0xa: {  	[smem:$0x7FF] =	sst s4;
	s12 =	sadd.s32 $0x2400, s0;
	s10 =	smul.u32 $0x50, s25  }
0xb: {  	s13 =	sadd.s32 $0xC600, s0;
	s25 =	simm.s32 $0x2F80;
	s5 =	smul.u32 $0x140000, s8  }
0xc: {  	_ =	strace $0x8000004A;
	s7 =	ssub.s32 $0x2, s8;
	p0 =	seq.s32 s8, $0x0  }
0xd: {  	s31 =	sshrl.u32 s7, $0x1;
	s11 =	sadd.s32 $0x28000, s9;
	s14 =	simm.s32 @!p0 $0x530  }
0xe: {  	s5 =	sadd.s32 s6, s5;
	s6 =	sshrl.u32 s26, $0x2;
	s15 =	ssub.s32 s7, s31  }
0xf: {  	s11 =	smov.u32 @p0 s9;
	s14 =	sadd.s32 s10, s14;
	s26 =	simm.s32 $0x800  }
0x10: {  	s5 =	sshrl.u32 s5, $0x3;
	s11 =	sshrl.u32 s11, $0x3;
	s14 =	sshll.u32 s14, $0x4  }
0x11: {  	s15 =	smax.u32 s15, $0x1;
	s0 =	sadd.s32 s5, s0;
	s5 =	sadd.s32 s6, s2  }
0x12: {  	s10 =	sadd.s32 s12, s11;
	s11 =	sadd.s32 s13, s11;
	s12 =	sadd.s32 s12, s14  }
0x13: {  	s13 =	sadd.s32 s13, s14;
	s6 =	sadd.s32 $0x4000, s5;
	s7 =	sadd.s32 $0x8000, s5  }
0x14: {  	v0 =	vimm.f32 $0.0e+00;
	s8 =	sadd.s32 $0xC000, s5;
	s9 =	sadd.s32 $0x10000, s5;
	s14 =	sadd.s32 $0x16800, s0  }
.LBB2_1:
0x15: {  	s31 =	simm.s32 $0x0;
	s0 =	simm.s32 $0x200  }
.LBB2_2:
0x16: {  	p0 =	sne.s32 s0, $0xFE00;
	[tilespmem:s31+$0x3070] =	vst v0  }
0x17: {  	[tilespmem:s31+$0x3000] =	vst v0  }
0x18: {  	[tilespmem:s31+$0x3010] =	vst v0  }
.Ltmp0:
0x19: {  	[tilespmem:s31+$0x3020] =	vst v0;
	(pc) =	sbr.rel @p0 .LBB2_2-.Ltmp0, $4  }
0x1a: {  	[tilespmem:s31+$0x3030] =	vst v0  }
0x1b: {  	[tilespmem:s31+$0x3040] =	vst v0  }
0x1c: {  	[tilespmem:s31+$0x3050] =	vst v0  }
0x1d: {  	[tilespmem:s31+$0x3060] =	vst v0;
	s31 =	sshra.s32 s0, $0x2;
	s0 =	sadd.s32 $0x200, s0  }
0x1e: {  	[tilespmem:s31+$0x3070] =	vst v0  }
0x1f: {  	[tilespmem:s31+$0x3000] =	vst v0  }
0x20: {  	[tilespmem:s31+$0x3010] =	vst v0  }
0x21: {  	[tilespmem:s31+$0x3020] =	vst v0  }
0x22: {  	[tilespmem:s31+$0x3030] =	vst v0  }
0x23: {  	[tilespmem:s31+$0x3040] =	vst v0  }
0x24: {  	[tilespmem:s31+$0x3050] =	vst v0  }
0x25: {  	[tilespmem:s31+$0x3060] =	vst v0  }
0x26: {  	[spmem:s5] =	stream.linear.scatter [tilespmem:s16], [sflag:$0x3], $0x4000, $0x38;
	[tilespmem:$0x1F000] =	vst v63  }
0x27: {  	_ =	swait.ge [sflag:s17], $0x4000  }
0x28: {  	[sflag:s17] =	ssyncset.done $0x0  }
0x29: {  	[sflag:s17] =	ssyncadd.s32 $0xFFFFC000  }
0x2a: {  	[spmem:s6] =	stream.linear.scatter [tilespmem:s16], [sflag:$0x3], $0x4000, $0x38;
	[tilespmem:$0x1F000] =	vst v63  }
0x2b: {  	_ =	swait.ge [sflag:s17], $0x4000  }
0x2c: {  	[sflag:s17] =	ssyncset.done $0x0  }
0x2d: {  	[sflag:s17] =	ssyncadd.s32 $0xFFFFC000  }
0x2e: {  	[spmem:s7] =	stream.linear.scatter [tilespmem:s16], [sflag:$0x3], $0x4000, $0x38;
	[tilespmem:$0x1F000] =	vst v63  }
0x2f: {  	_ =	swait.ge [sflag:s17], $0x4000  }
0x30: {  	[sflag:s17] =	ssyncset.done $0x0  }
0x31: {  	[sflag:s17] =	ssyncadd.s32 $0xFFFFC000  }
0x32: {  	[spmem:s8] =	stream.linear.scatter [tilespmem:s16], [sflag:$0x3], $0x4000, $0x38;
	[tilespmem:$0x1F000] =	vst v63  }
0x33: {  	_ =	swait.ge [sflag:s17], $0x4000  }
0x34: {  	[sflag:s17] =	ssyncset.done $0x0  }
0x35: {  	[sflag:s17] =	ssyncadd.s32 $0xFFFFC000  }
0x36: {  	[spmem:s9] =	stream.linear.scatter [tilespmem:s16], [sflag:$0x3], $0x4000, $0x38;
	[tilespmem:$0x1F000] =	vst v63  }
0x37: {  	_ =	swait.ge [sflag:s17], $0x4000  }
0x38: {  	[sflag:s17] =	ssyncset.done $0x0  }
0x39: {  	[sflag:s17] =	ssyncadd.s32 $0xFFFFC000  }
0x3a: {  	[bflag:$0x0] =	sbarrier.arrive $0xFFFF  }
0x3b: {  	[tilespmem:s4], [sflag:$0x3] =	stream.linear.gather [hbm4b:s10+s4], $0x1800, $0x38;
	[tilespmem:$0x1F000] =	vst v63  }
0x3c: {  	_ =	swait.ge [sflag:s17], $0x1800  }
0x3d: {  	[sflag:s17] =	ssyncset.done $0x0  }
0x3e: {  	[sflag:s17] =	ssyncadd.s32 $0xFFFFE800  }
0x3f: {  	[tilespmem:s18], [sflag:$0x3] =	stream.linear.gather [hbm4b:s11+s4], $0x1800, $0x38;
	[tilespmem:$0x1F000] =	vst v63  }
0x40: {  	_ =	swait.ge [sflag:s17], $0x1800  }
0x41: {  	[sflag:s17] =	ssyncset.done $0x0  }
0x42: {  	[sflag:s17] =	ssyncadd.s32 $0xFFFFE800  }
0x43: {  	[tilespmem:s16], [sflag:$0x1] =	stream.indirect.gather [hbm4b:s1+s19], $0x80, s4, s19, $0xb8;
	[tilespmem:$0x1F000] =	vst v63  }
0x44: {  	_ = 	snop  }
0x45: {  	[tilespmem:s21], [sflag:$0x2] =	stream.indirect.gather [hbm4b:s1+s19], $0x80, s20, s19, $0xb8;
	[tilespmem:$0x1F000] =	vst v63  }
0x46: {  	_ =	swait.ge [sflag:s22], $0x4000  }
0x47: {  	[sflag:s22] =	ssyncset.done $0x0  }
0x48: {  	s0 =	simm.s32 $0x1800;
	[sflag:s22] =	ssyncadd.s32 $0xFFFFC000  }
0x49: {  	[spmem:s2] =	stream.indirect.scatter.add.f32 [tilespmem:s16], [sflag:$0x3], $0x80, s0, s19, $0xb8;
	[tilespmem:$0x1F000] =	vst v63  }
0x4a: {  	_ =	swait.ge [sflag:s17], $0x4000  }
0x4b: {  	[sflag:s17] =	ssyncset.done $0x0  }
0x4c: {  	s3 =	simm.s32 $0x80;
	[sflag:s17] =	ssyncadd.s32 $0xFFFFC000  }
0x4d: {  	[tilespmem:s16], [sflag:$0x1] =	stream.indirect.gather [hbm4b:s1+s19], $0x80, s3, s19, $0xb8;
	[tilespmem:$0x1F000] =	vst v63  }
0x4e: {  	_ =	swait.ge [sflag:s23], $0x4000  }
0x4f: {  	[sflag:s23] =	ssyncset.done $0x0  }
0x50: {  	s3 =	simm.s32 $0x2400;
	[sflag:s23] =	ssyncadd.s32 $0xFFFFC000  }
0x51: {  	[spmem:s2] =	stream.indirect.scatter.add.f32 [tilespmem:s21], [sflag:$0x3], $0x80, s3, s19, $0xb8;
	[tilespmem:$0x1F000] =	vst v63  }
0x52: {  	_ =	swait.ge [sflag:s17], $0x4000  }
0x53: {  	[sflag:s17] =	ssyncset.done $0x0  }
0x54: {  	s31 =	simm.s32 $0x400;
	s0 =	simm.s32 $0xC80;
	[sflag:s17] =	ssyncadd.s32 $0xFFFFC000  }
.LBB2_4:
0x55: {  	[tilespmem:s21], [sflag:$0x2] =	stream.indirect.gather [hbm4b:s1+s19], $0x80, s0, s19, $0xb8;
	[tilespmem:$0x1F000] =	vst v63  }
0x56: {  	s0 =	smov.u32 s31  }
0x57: {  	p0 =	sne.s32 s31, $0x2E00;
	s31 =	sadd.s32 $0x200, s31;
	_ =	swait.ge [sflag:s22], $0x4000  }
0x58: {  	s0 =	sshra.s32 s0, $0x2;
	[sflag:s22] =	ssyncset.done $0x0  }
0x59: {  	s3 =	sadd.s32 $0x1780, s0;
	[sflag:s22] =	ssyncadd.s32 $0xFFFFC000  }
0x5a: {  	[spmem:s2] =	stream.indirect.scatter.add.f32 [tilespmem:s16], [sflag:$0x3], $0x80, s3, s19, $0xb8;
	[tilespmem:$0x1F000] =	vst v63  }
0x5b: {  	_ =	swait.ge [sflag:s17], $0x4000  }
0x5c: {  	[sflag:s17] =	ssyncset.done $0x0  }
0x5d: {  	[sflag:s17] =	ssyncadd.s32 $0xFFFFC000  }
0x5e: {  	[tilespmem:s16], [sflag:$0x1] =	stream.indirect.gather [hbm4b:s1+s19], $0x80, s0, s19, $0xb8;
	[tilespmem:$0x1F000] =	vst v63  }
0x5f: {  	_ =	swait.ge [sflag:s23], $0x4000  }
0x60: {  	[sflag:s23] =	ssyncset.done $0x0  }
.Ltmp1:
0x61: {  	s3 =	sadd.s32 $0x2380, s0;
	[sflag:s23] =	ssyncadd.s32 $0xFFFFC000;
	(pc) =	sbr.rel @p0 .LBB2_4-.Ltmp1, $4  }
0x62: {  	[spmem:s2] =	stream.indirect.scatter.add.f32 [tilespmem:s21], [sflag:$0x3], $0x80, s3, s19, $0xb8;
	[tilespmem:$0x1F000] =	vst v63  }
0x63: {  	_ =	swait.ge [sflag:s17], $0x4000  }
0x64: {  	[sflag:s17] =	ssyncset.done $0x0  }
0x65: {  	s0 =	sadd.s32 $0xC00, s0;
	[sflag:s17] =	ssyncadd.s32 $0xFFFFC000  }
0x66: {  	[tilespmem:s21], [sflag:$0x2] =	stream.indirect.gather [hbm4b:s1+s19], $0x80, s0, s19, $0xb8;
	[tilespmem:$0x1F000] =	vst v63  }
0x67: {  	_ =	swait.ge [sflag:s22], $0x4000  }
0x68: {  	[sflag:s22] =	ssyncset.done $0x0  }
0x69: {  	[sflag:s22] =	ssyncadd.s32 $0xFFFFC000  }
0x6a: {  	[spmem:s2] =	stream.indirect.scatter.add.f32 [tilespmem:s16], [sflag:$0x3], $0x80, s24, s19, $0xb8;
	[tilespmem:$0x1F000] =	vst v63  }
0x6b: {  	_ =	swait.ge [sflag:s17], $0x4000  }
0x6c: {  	[sflag:s17] =	ssyncset.done $0x0  }
0x6d: {  	[sflag:s17] =	ssyncadd.s32 $0xFFFFC000  }
0x6e: {  	_ =	swait.ge [sflag:s23], $0x4000  }
0x6f: {  	[sflag:s23] =	ssyncset.done $0x0  }
0x70: {  	[sflag:s23] =	ssyncadd.s32 $0xFFFFC000  }
0x71: {  	[spmem:s2] =	stream.indirect.scatter.add.f32 [tilespmem:s21], [sflag:$0x3], $0x80, s25, s19, $0xb8;
	[tilespmem:$0x1F000] =	vst v63  }
0x72: {  	_ =	swait.ge [sflag:s17], $0x4000  }
0x73: {  	[sflag:s17] =	ssyncset.done $0x0  }
0x74: {  	[sflag:s17] =	ssyncadd.s32 $0xFFFFC000  }
0x75: {  	[tilespmem:s4], [sflag:$0x3] =	stream.linear.gather [hbm4b:s12+s4], $0x1800, $0x38;
	[tilespmem:$0x1F000] =	vst v63  }
0x76: {  	_ =	swait.ge [sflag:s17], $0x1800  }
0x77: {  	[sflag:s17] =	ssyncset.done $0x0  }
0x78: {  	[sflag:s17] =	ssyncadd.s32 $0xFFFFE800  }
0x79: {  	[tilespmem:s18], [sflag:$0x3] =	stream.linear.gather [hbm4b:s13+s4], $0x1800, $0x38;
	[tilespmem:$0x1F000] =	vst v63  }
0x7a: {  	_ =	swait.ge [sflag:s17], $0x1800  }
0x7b: {  	[sflag:s17] =	ssyncset.done $0x0  }
0x7c: {  	[sflag:s17] =	ssyncadd.s32 $0xFFFFE800  }
0x7d: {  	[tilespmem:s16], [sflag:$0x1] =	stream.indirect.gather [hbm4b:s1+s19], $0x80, s4, s19, $0xb8;
	[tilespmem:$0x1F000] =	vst v63  }
0x7e: {  	_ = 	snop  }
0x7f: {  	[tilespmem:s21], [sflag:$0x2] =	stream.indirect.gather [hbm4b:s1+s19], $0x80, s26, s19, $0xb8;
	[tilespmem:$0x1F000] =	vst v63  }
0x80: {  	_ =	swait.ge [sflag:s22], $0x4000  }
0x81: {  	[sflag:s22] =	ssyncset.done $0x0  }
0x82: {  	s3 =	simm.s32 $0x1800;
	[sflag:s22] =	ssyncadd.s32 $0xFFFFC000  }
0x83: {  	[spmem:s2] =	stream.indirect.scatter.add.f32 [tilespmem:s16], [sflag:$0x3], $0x80, s3, s19, $0xb8;
	[tilespmem:$0x1F000] =	vst v63  }
0x84: {  	_ =	swait.ge [sflag:s17], $0x4000  }
0x85: {  	[sflag:s17] =	ssyncset.done $0x0  }
0x86: {  	s3 =	simm.s32 $0x80;
	[sflag:s17] =	ssyncadd.s32 $0xFFFFC000  }
0x87: {  	[tilespmem:s16], [sflag:$0x1] =	stream.indirect.gather [hbm4b:s1+s19], $0x80, s3, s19, $0xb8;
	[tilespmem:$0x1F000] =	vst v63  }
0x88: {  	_ =	swait.ge [sflag:s23], $0x4000  }
0x89: {  	[sflag:s23] =	ssyncset.done $0x0  }
0x8a: {  	s3 =	simm.s32 $0x2000;
	[sflag:s23] =	ssyncadd.s32 $0xFFFFC000  }
0x8b: {  	[spmem:s2] =	stream.indirect.scatter.add.f32 [tilespmem:s21], [sflag:$0x3], $0x80, s3, s19, $0xb8;
	[tilespmem:$0x1F000] =	vst v63  }
0x8c: {  	_ =	swait.ge [sflag:s17], $0x4000  }
0x8d: {  	[sflag:s17] =	ssyncset.done $0x0  }
0x8e: {  	s31 =	simm.s32 $0x400;
	s0 =	simm.s32 $0x880;
	[sflag:s17] =	ssyncadd.s32 $0xFFFFC000  }
.LBB2_6:
0x8f: {  	[tilespmem:s21], [sflag:$0x2] =	stream.indirect.gather [hbm4b:s1+s19], $0x80, s0, s19, $0xb8;
	[tilespmem:$0x1F000] =	vst v63  }
0x90: {  	s0 =	smov.u32 s31  }
0x91: {  	p0 =	sne.s32 s31, $0x1E00;
	s31 =	sadd.s32 $0x200, s31;
	_ =	swait.ge [sflag:s22], $0x4000  }
0x92: {  	s0 =	sshra.s32 s0, $0x2;
	[sflag:s22] =	ssyncset.done $0x0  }
0x93: {  	s3 =	sadd.s32 $0x1780, s0;
	[sflag:s22] =	ssyncadd.s32 $0xFFFFC000  }
0x94: {  	[spmem:s2] =	stream.indirect.scatter.add.f32 [tilespmem:s16], [sflag:$0x3], $0x80, s3, s19, $0xb8;
	[tilespmem:$0x1F000] =	vst v63  }
0x95: {  	_ =	swait.ge [sflag:s17], $0x4000  }
0x96: {  	[sflag:s17] =	ssyncset.done $0x0  }
0x97: {  	[sflag:s17] =	ssyncadd.s32 $0xFFFFC000  }
0x98: {  	[tilespmem:s16], [sflag:$0x1] =	stream.indirect.gather [hbm4b:s1+s19], $0x80, s0, s19, $0xb8;
	[tilespmem:$0x1F000] =	vst v63  }
0x99: {  	_ =	swait.ge [sflag:s23], $0x4000  }
0x9a: {  	[sflag:s23] =	ssyncset.done $0x0  }
.Ltmp2:
0x9b: {  	s3 =	sadd.s32 $0x1F80, s0;
	[sflag:s23] =	ssyncadd.s32 $0xFFFFC000;
	(pc) =	sbr.rel @p0 .LBB2_6-.Ltmp2, $4  }
0x9c: {  	[spmem:s2] =	stream.indirect.scatter.add.f32 [tilespmem:s21], [sflag:$0x3], $0x80, s3, s19, $0xb8;
	[tilespmem:$0x1F000] =	vst v63  }
0x9d: {  	_ =	swait.ge [sflag:s17], $0x4000  }
0x9e: {  	[sflag:s17] =	ssyncset.done $0x0  }
0x9f: {  	s0 =	sadd.s32 $0x800, s0;
	[sflag:s17] =	ssyncadd.s32 $0xFFFFC000  }
0xa0: {  	[tilespmem:s21], [sflag:$0x2] =	stream.indirect.gather [hbm4b:s1+s19], $0x80, s0, s19, $0xb8;
	[tilespmem:$0x1F000] =	vst v63  }
0xa1: {  	_ =	swait.ge [sflag:s22], $0x4000  }
0xa2: {  	[sflag:s22] =	ssyncset.done $0x0  }
0xa3: {  	[sflag:s22] =	ssyncadd.s32 $0xFFFFC000  }
0xa4: {  	[spmem:s2] =	stream.indirect.scatter.add.f32 [tilespmem:s16], [sflag:$0x3], $0x80, s28, s19, $0xb8;
	[tilespmem:$0x1F000] =	vst v63  }
0xa5: {  	_ =	swait.ge [sflag:s17], $0x4000  }
0xa6: {  	[sflag:s17] =	ssyncset.done $0x0  }
0xa7: {  	[sflag:s17] =	ssyncadd.s32 $0xFFFFC000  }
0xa8: {  	_ =	swait.ge [sflag:s23], $0x4000  }
0xa9: {  	[sflag:s23] =	ssyncset.done $0x0  }
0xaa: {  	[sflag:s23] =	ssyncadd.s32 $0xFFFFC000  }
0xab: {  	[spmem:s2] =	stream.indirect.scatter.add.f32 [tilespmem:s21], [sflag:$0x3], $0x80, s29, s19, $0xb8;
	[tilespmem:$0x1F000] =	vst v63  }
0xac: {  	s31 =	stileid.u32;
	_ =	swait.ge [sflag:s17], $0x4000  }
0xad: {  	s3 =	sshrl.u32 s5, $0x3;
	s30 =	sadd.s32 $0x1, s30;
	[sflag:s17] =	ssyncset.done $0x0  }
0xae: {  	s0 =	sshll.u32 s31, $0x6;
	p0 =	sne.s32 s30, s15;
	[sflag:s17] =	ssyncadd.s32 $0xFFFFC000  }
.Ltmp3:
0xaf: {  	s0 =	sor.u32 $0x1C03, s0;
	[bflag:$0x0] =	sbarrier.arrive $0xFFFF;
	(pc) =	sbr.rel @p0 .LBB2_1-.Ltmp3, $4  }
0xb0: {  	[hbm:s14], [sflag:s0] =	dma.local [spmem:s3], $0x2800  }
0xb1: {  	_ =	swait.ge [sflag:s17], $0x2800  }
0xb2: {  	[sflag:s17] =	ssyncset.done $0x0  }
0xb3: {  	[sflag:s17] =	ssyncadd.s32 $0xFFFFD800  }
0xb4: {  	_ =	sfence.sel $0x180000  }
0xb5: {  	[bflag:$0x0] =	sbarrier.arrive $0xFFFF  }
0xb6: {  	_ =	strace $0x9000004A  }
0xb7: {  	s0 =	stileid.u32;
	[bflag:$0x2] =	sbarrier.arrive $0xFFFF  }
0xb8: {  	p0 =	sne.s32 s0, $0x0;
	s0 =	rddreg [dreg:$0x3]  }
0xb9: {  	s0 =	sadd.s32 @!p0 $0x100000, s0  }
0xba: {  	[sflag:s0] =	ssyncadd.tile.s32 @!p0 $0x1;
	_ =	shalt  }
.Lfunc_end2:
_tile_overlayer_lowered:
.L_overlay_start_2:
0xbb: {  	(tag) =	ssettag $0x2  }
0xbc: {  	s0 =	rddreg [dreg:$0x0];
	s2 =	stileid.u32  }
0xbd: {  	s1 =	rddreg [dreg:$0x1];
	p0 =	sne.s32 s2, $0x0  }
0xbe: {  	s3 =	rddreg [dreg:$0x2];
	[bflag:$0x3] =	sbarrier.arrive $0xFFFF;
	s2 =	simm.s32 @!p0 $0x1C03  }
0xbf: {  	[timem:s3], [sflag:s2] =	dma.local @!p0 [hbm:s0], s1  }
0xc0: {  	s0 =	simm.s32 @!p0 $0x3  }
0xc1: {  	_ =	swait.ge @!p0 [sflag:s0], s1  }
0xc2: {  	s1 =	ssub.s32 @!p0 $0x0, s1;
	[sflag:s0] =	ssyncset.done @!p0 $0x0  }
0xc3: {  	[sflag:s0] =	ssyncadd.s32 @!p0 s1  }
0xc4: {  	[bflag:$0x3] =	sbarrier.arrive $0xFFFF  }
0xc5: {  	_ =	shalt  }

// kernel: kernel.7.cloned.1.call-start
scs
__scs_entry_jumppad:
0x0: {  	(pc) =	sbr.rel $0x88, $3  }
0x1: {  	(tag) =	ssettag $0x0;
	lr =	simm.s32 $0x1  }
0x2: {  	[smem:$0x3F9B] =	sst lr;
	_ =	strace $0xD0000000  }
0x3: {  	_ = 	snop  }
0x4: {  	_ = 	snop  }
0x5: {  	_ = 	snop  }
0x6: {  	_ = 	snop  }
0x7: {  	_ = 	snop  }
__scs_overlays_trampoline_lowered:
0x8: {  	[smem:$0x3FAA] =	sst s0  }
0x9: {  	[smem:$0x3FAB] =	sst s1  }
0xa: {  	[smem:$0x3FAC] =	sst s2  }
0xb: {  	[smem:$0x3FAD] =	sst s3  }
0xc: {  	[smem:$0x3FAE] =	sst s4  }
0xd: {  	[smem:$0x3FAF] =	sst s5  }
0xe: {  	[smem:$0x3FB0] =	sst s6  }
0xf: {  	[smem:$0x3FB1] =	sst s7  }
0x10: {  	[smem:$0x3FB2] =	sst s8  }
0x11: {  	[smem:$0x3FB3] =	sst s9;
	s0 =	simm.s32 @!p0 $0x0  }
0x12: {  	s1 =	sld [smem:$0x3F99];
	s0 =	simm.s32 @p0 $0x1  }
0x13: {  	[smem:$0x3FB4] =	sst s0;
	s0 =	simm.s32 @!p1 $0x0  }
0x14: {  	s2 =	sld [smem:$0x3F98];
	s0 =	simm.s32 @p1 $0x1  }
0x15: {  	[smem:$0x3FB5] =	sst s0;
	s0 =	simm.s32 @!p2 $0x0  }
0x16: {  	s3 =	sld [smem:$0x3FDB];
	s0 =	simm.s32 @p2 $0x1  }
0x17: {  	s4 =	simm.s32 $0x1BF5;
	[smem:$0x3FB7] =	sst s0  }
0x18: {  	s0 =	sld [smem:$0x3F9A];
	_ =	swait.ge [sflag:s4], $0x0  }
0x19: {  	s7 =	sld [smem:$0x3F9B]  }
0x1a: {  	s8 =	sadd.s32 $0xFFFFE003, lr  }
0x1b: {  	s9 =	sadd.s32 $0xFFFFFEF7, lr;
	s5 =	simm.s32 $0xFFFFFFFF;
	p2 =	slt.u32 s8, $0xFFFFF086  }
0x1c: {  	p1 =	slt.u32 s9, $0xF7A;
	s5 =	simm.s32 @!p2 $0x0  }
0x1d: {  	s5 =	simm.s32 @p1 $0x1;
	p0 =	seq.s32 s7, s2  }
0x1e: {  	s7 =	smul.u32 @!p0 $0xF7A, s2;
	p2 =	seq.s32 @!p0 s5, $0x0  }
0x1f: {  	s9 =	smul.u32 $0xF7A, s1;
	s8 =	simm.s32 @!p0 $0x1BF5;
	p2 =	por !p2, p0  }
0x20: {  	[sflag:s8] =	ssyncset.s32 @!p0 $0xFFFFF086;
	s6 =	sadd.s32 @!p0 s3, s7;
	s7 =	simm.s32 @!p0 $0x108  }
0x21: {  	s3 =	sadd.s32 s3, s9;
	s6 =	sadd.s32 @!p0 $0x88, s6;
	s7 =	simm.s32 @p2 $0x1082  }
0x22: {  	[simem:s7], [sflag:s8] =	dma.local @!p0 [hbm:s6], $0xF7A  }
0x23: {  	s9 =	sor.u32 $0xD0000000, s2;
	s6 =	simm.s32 $0x108;
	_ =	swait.ge @!p0 [sflag:s8], $0x0  }
0x24: {  	s3 =	sadd.s32 $0x88, s3;
	s6 =	simm.s32 @!p1 $0x1082;
	[sflag:s4] =	ssyncset.s32 $0xFFFFF086  }
0x25: {  	[simem:s6], [sflag:s4] =	dma.local [hbm:s3], $0xF7A  }
0x26: {  	[smem:$0x3F9B] =	sst s1;
	(tag) =	ssettag s2;
	_ =	strace s9  }
0x27: {  	s1 =	sld [smem:$0x3FAB]  }
0x28: {  	s2 =	sld [smem:$0x3FAC]  }
0x29: {  	s4 =	sld [smem:$0x3FAE]  }
0x2a: {  	p0 =	seq.s32 s5, $0x0;
	s5 =	sld [smem:$0x3FAF]  }
0x2b: {  	s6 =	sld [smem:$0x3FB0]  }
0x2c: {  	s7 =	sld [smem:$0x3FB1]  }
0x2d: {  	s3 =	simm.s32 $0x108;
	s8 =	sld [smem:$0x3FB2]  }
0x2e: {  	s3 =	simm.s32 @!p0 $0x1082;
	s9 =	sld [smem:$0x3FB3]  }
0x2f: {  	lr =	sadd.s32 s0, s3;
	s0 =	sld [smem:$0x3FAA]  }
0x30: {  	s3 =	sld [smem:$0x3FAD]  }
0x31: {  	[smem:$0x3FB6] =	sst s10  }
0x32: {  	s10 =	sld [smem:$0x3FB4];
	_ =	sdelay $0x3  }
0x33: {  	p0 =	seq.s32 s10, $0x1;
	s10 =	sld [smem:$0x3FB6];
	_ =	sdelay $0x3  }
0x34: {  	[smem:$0x3FB6] =	sst s10  }
0x35: {  	s10 =	sld [smem:$0x3FB5];
	_ =	sdelay $0x3  }
0x36: {  	p1 =	seq.s32 s10, $0x1;
	s10 =	sld [smem:$0x3FB6];
	_ =	sdelay $0x3  }
0x37: {  	[smem:$0x3FB6] =	sst s10  }
0x38: {  	s10 =	sld [smem:$0x3FB7]  }
0x39: {  	_ = 	snop;
	(pc) =	sbr.ind lr, $3  }
0x3a: {  	_ = 	snop  }
0x3b: {  	_ = 	snop  }
0x3c: {  	p2 =	seq.s32 s10, $0x1;
	s10 =	sld [smem:$0x3FB6]  }
0x3d: {  	_ =	shalt  }
0x3e: {  	_ =	shalt  }
0x3f: {  	_ =	shalt  }
0x40: {  	_ =	shalt  }
0x41: {  	_ =	shalt  }
0x42: {  	_ =	shalt  }
0x43: {  	_ =	shalt  }
0x44: {  	_ =	shalt  }
0x45: {  	_ =	shalt  }
0x46: {  	_ =	shalt  }
0x47: {  	_ =	shalt  }
0x48: {  	_ =	shalt  }
0x49: {  	_ =	shalt  }
0x4a: {  	_ =	shalt  }
0x4b: {  	_ =	shalt  }
0x4c: {  	_ =	shalt  }
0x4d: {  	_ =	shalt  }
0x4e: {  	_ =	shalt  }
0x4f: {  	_ =	shalt  }
0x50: {  	_ =	shalt  }
0x51: {  	_ =	shalt  }
0x52: {  	_ =	shalt  }
0x53: {  	_ =	shalt  }
0x54: {  	_ =	shalt  }
0x55: {  	_ =	shalt  }
0x56: {  	_ =	shalt  }
0x57: {  	_ =	shalt  }
0x58: {  	_ =	shalt  }
0x59: {  	_ =	shalt  }
0x5a: {  	_ =	shalt  }
0x5b: {  	_ =	shalt  }
0x5c: {  	_ =	shalt  }
0x5d: {  	_ =	shalt  }
0x5e: {  	_ =	shalt  }
0x5f: {  	_ =	shalt  }
0x60: {  	_ =	shalt  }
0x61: {  	_ =	shalt  }
0x62: {  	_ =	shalt  }
0x63: {  	_ =	shalt  }
0x64: {  	_ =	shalt  }
0x65: {  	_ =	shalt  }
0x66: {  	_ =	shalt  }
0x67: {  	_ =	shalt  }
0x68: {  	_ =	shalt  }
0x69: {  	_ =	shalt  }
0x6a: {  	_ =	shalt  }
0x6b: {  	_ =	shalt  }
0x6c: {  	_ =	shalt  }
0x6d: {  	_ =	shalt  }
0x6e: {  	_ =	shalt  }
0x6f: {  	_ =	shalt  }
0x70: {  	_ =	shalt  }
0x71: {  	_ =	shalt  }
0x72: {  	_ =	shalt  }
0x73: {  	_ =	shalt  }
0x74: {  	_ =	shalt  }
0x75: {  	_ =	shalt  }
0x76: {  	_ =	shalt  }
0x77: {  	_ =	shalt  }
0x78: {  	_ =	shalt  }
0x79: {  	_ =	shalt  }
0x7a: {  	_ =	shalt  }
0x7b: {  	_ =	shalt  }
0x7c: {  	_ =	shalt  }
0x7d: {  	_ =	shalt  }
0x7e: {  	_ =	shalt  }
0x7f: {  	_ =	shalt  }
0x80: {  	_ =	shalt  }
0x81: {  	_ =	shalt  }
0x82: {  	_ =	shalt  }
0x83: {  	_ =	shalt  }
0x84: {  	_ =	shalt  }
0x85: {  	_ =	shalt  }
0x86: {  	_ =	shalt  }
0x87: {  	_ =	shalt  }
.Lfunc_end0:
.L_simem_size_0:
called_computation_lowered:
.L_overlay_start_0:
0x88: {  	s2 =	sld [smem:$0x3FD9]  }
0x89: {  	s3 =	sld [smem:$0x3FFE];
	_ =	sdelay $0x1  }
0x8a: {  	s1 =	srdreg.scid  }
0x8b: {  	s0 =	sand.u32 $0x1, s1  }
0x8c: {  	s17 =	sshll.u32 s0, $0xA;
	s2 =	sadd.s32 s3, s2  }
0x8d: {  	s2 =	sadd.s32 s2, s17  }
0x8e: {  	[smem:$0x3FC2] =	sst s2  }
0x8f: {  	_ = 	snop  }
0x90: {  	s2 =	sld [smem:$0x3FD0];
	(tm) =	ssettm $0x1  }
0x91: {  	s18 =	sld [smem:$0x3FFB];
	_ =	sdelay $0x3  }
0x92: {  	_ =	strace s18  }
0x93: {  	s3 =	sld [smem:$0x3FFC];
	_ =	sdelay $0x3  }
0x94: {  	_ =	strace s3  }
0x95: {  	s3 =	sld [smem:$0x3FFD];
	_ =	sdelay $0x3  }
0x96: {  	_ =	strace s3  }
0x97: {  	_ =	strace $0x8FFFFFFF  }
0x98: {  	s19 =	sld [smem:$0x3FDB];
	_ =	sdelay $0x1  }
0x99: {  	s4 =	simm.s32 $_scs_section_size  }
0x9a: {  	s5 =	simm.s32 $_size__tile_overlayer_lowered;
	s6 =	simm.s32 $_tile_overlayer_lowered  }
0x9b: {  	s22 =	simm.s32 $0x1BFF;
	s21 =	sshll.u32 s6, $0x1;
	s3 =	sadd.s32 s4, s19  }
0x9c: {  	s7 =	simm.s32 $0x0;
	s20 =	sshll.u32 s5, $0x1;
	s5 =	sadd.s32 s21, s3  }
0x9d: {  	[timem:s7], [sflag:s22] =	dma.local [hbm:s5], s20  }
0x9e: {  	_ =	swait.ge [sflag:s22], s20  }
0x9f: {  	s4 =	ssub.s32 $0x0, s20;
	[sflag:s22] =	ssyncset.done $0x0  }
0xa0: {  	[sflag:s22] =	ssyncadd.s32 s4;
	_ =	sdelay $0x1  }
0xa1: {  	s23 =	simm.s32 $0x1B8B  }
0xa2: {  	_ =	swait.ge [sflag:s23], $0x1  }
0xa3: {  	[sflag:s23] =	ssyncset.done $0x0  }
0xa4: {  	s25 =	simm.s32 $0x1B8E;
	s24 =	sld [smem:$0x3FFE];
	[sflag:s23] =	ssyncadd.s32 $0xFFFFFFFF  }
0xa5: {  	s26 =	simm.s32 $execute0_lowered;
	[smem:$0x3FD2] =	sst s25  }
0xa6: {  	s5 =	sshll.u32 s26, $0x1;
	_ =	strace $0x80000046;
	[dreg:$0x1] =	wrdreg $0xFFFFFFFF  }
0xa7: {  	s28 =	simm.s32 $_size_execute0_lowered;
	s3 =	sadd.s32 s3, s5;
	[dreg:$0x0] =	wrdreg $0x0  }
0xa8: {  	s5 =	sshll.u32 s28, $0x1;
	[dreg:$0x2] =	wrdreg s3  }
0xa9: {  	[dreg:$0x3] =	wrdreg s5  }
0xaa: {  	[dreg:$0x4] =	wrdreg $0xC0  }
0xab: {  	_ =	task [dreg:s7], $0x5FFFF  }
0xac: {  	[dreg:$0x1] =	wrdreg $0xFFFFFFFF  }
0xad: {  	[dreg:$0x0] =	wrdreg $0x60  }
0xae: {  	[dreg:$0x2] =	wrdreg s2  }
0xaf: {  	[dreg:$0x3] =	wrdreg s24  }
0xb0: {  	[dreg:$0x4] =	wrdreg $0xB0000  }
0xb1: {  	[dreg:$0x5] =	wrdreg $0x1F0800  }
0xb2: {  	[dreg:$0x6] =	wrdreg $0x9  }
0xb3: {  	_ =	task.clear_ibuf [dreg:s7], $0x7FFFF;
	_ =	strace $0x90000046  }
0xb4: {  	s29 =	simm.s32 $0x9;
	_ =	strace $0x80000048  }
0xb5: {  	_ =	swait.ge [sflag:s29], $0x1  }
0xb6: {  	[sflag:s29] =	ssyncadd.s32 $0xFFFFFFFF  }
0xb7: {  	_ =	strace $0x90000048  }
0xb8: {  	_ =	sfence  }
0xb9: {  	s30 =	sld [smem:$0x0];
	_ =	sdelay $0x2  }
0xba: {  	s31 =	sshll.u32 s1, $0xD;
	s1 =	sshrl.u32 s1, $0x2  }
0xbb: {  	s3 =	sand.u32 $0x4000, s31;
	s1 =	sadd.s32 s1, s30  }
0xbc: {  	s0 =	sor.u32 s3, s0;
	s1 =	sshll.u32 s1, $0x11  }
0xbd: {  	s0 =	sor.u32 s1, s0  }
0xbe: {  	s0 =	sadd.s32 $0x8F2B, s0  }
0xbf: {  	[sflag:s0] =	ssyncadd.remote.s32 $0x1  }
0xc0: {  	_ =	sfence.sel $0xFFFF  }
0xc1: {  	[dreg:$0x0] =	wrdreg $0xFFFFFFFF;
	(pc) =	sbr.abs _section_cstart, $3  }
0xc2: {  	[dreg:$0x1] =	wrdreg $0xFFFFFFFF  }
0xc3: {  	_ =	task.clear_ibuf [dreg:s7], $0x2FFFF;
	_ =	strace $0x9FFFFFFF  }
0xc4: {  	(tm) =	ssettm $0x7FFFFFFF  }
0xc5: {  	_ =	shalt  }
tec
execute0_lowered:
.L_overlay_start_1:
0x0: {  	(tag) =	ssettag $0x1  }
0x1: {  	s1 =	rddreg [dreg:$0x0]  }
0x2: {  	s0 =	rddreg [dreg:$0x1]  }
0x3: {  	s2 =	rddreg [dreg:$0x2]  }
0x4: {  	s3 =	rddreg [dreg:$0x3];
	s4 =	srdreg.scid;
	s5 =	simm.s32 $0x0  }
0x5: {  	s18 =	stileid.u32;
	s29 =	simm.s32 $0x7000;
	s30 =	simm.s32 $0x1  }
0x6: {  	s31 =	simm.s32 $0x1F000;
	s28 =	simm.s32 $0x2380;
	s7 =	smul.u32 $0x14000, s18  }
0x7: {  	s4 =	sand.u32 $0x1, s4;
	[smem:$0x7FF] =	sst s5;
	s9 =	smul.u32 $0x500, s18  }
0x8: {  	s8 =	sadd.s32 $0x2400, s0;
	s10 =	sadd.s32 $0xC600, s0;
	s25 =	smul.u32 $0x50000, s18  }
0x9: {  	s6 =	smul.u32 $0x140000, s4;
	_ =	strace $0x80000047;
	s26 =	ssub.s32 $0x2, s4  }
0xa: {  	s23 =	sshll.u32 s4, $0x7;
	p0 =	seq.s32 s4, $0x0;
	s11 =	sshrl.u32 s26, $0x1  }
0xb: {  	s6 =	sadd.s32 s7, s6;
	s7 =	sor.u32 s23, s9;
	s9 =	smul.u32 $0x280, s18  }
0xc: {  	s22 =	ssub.s32 s26, s11;
	s6 =	sshrl.u32 s6, $0x3;
	s24 =	sshrl.u32 s7, $0x3  }
0xd: {  	s7 =	sshrl.u32 s25, $0x2;
	s25 =	smul.u32 $0x50, s18;
	s22 =	smax.u32 s22, $0x1  }
0xe: {  	s12 =	sadd.s32 s6, s0;
	s0 =	sadd.s32 s24, s0;
	s13 =	sadd.s32 $0x80, s9  }
0xf: {  	s6 =	sadd.s32 s7, s2;
	s19 =	sadd.s32 $0x180, s9;
	s15 =	sadd.s32 $0x200, s9  }
0x10: {  	s14 =	sshll.u32 s13, $0x7;
	s16 =	sshll.u32 s19, $0x7;
	s17 =	sshll.u32 s15, $0x7  }
0x11: {  	s24 =	sadd.s32 s13, s3;
	s26 =	sadd.s32 s19, s3;
	s15 =	sadd.s32 s15, s3  }
0x12: {  	s11 =	sadd.s32 s14, s2;
	s14 =	sadd.s32 $0x100, s9;
	[dreg:$0x9] =	wrdreg s24  }
0x13: {  	s21 =	sadd.s32 s16, s2;
	s23 =	sadd.s32 s17, s2;
	[dreg:$0xb] =	wrdreg s26  }
0x14: {  	s16 =	simm.s32 $0x30;
	s24 =	simm.s32 $0x3;
	[dreg:$0x5] =	wrdreg s11  }
0x15: {  	s26 =	simm.s32 $0x80;
	s20 =	sshll.u32 s14, $0x7;
	[dreg:$0x7] =	wrdreg s21  }
0x16: {  	[dreg:$0x8] =	wrdreg s23;
	s7 =	sadd.s32 s14, s3;
	s16 =	simm.s32 @!p0 $0x530  }
0x17: {  	s21 =	sadd.s32 $0x16800, s0;
	s23 =	simm.s32 $0x3000;
	s11 =	sadd.s32 s20, s2  }
0x18: {  	[dreg:$0x6] =	wrdreg s11;
	s11 =	sadd.s32 s9, s3;
	s9 =	smul.u32 $0x2800, s18  }
0x19: {  	s0 =	simm.s32 $0x2;
	s14 =	simm.s32 $0x10;
	[dreg:$0xa] =	wrdreg s7  }
0x1a: {  	s4 =	sadd.s32 s25, s16;
	s20 =	sadd.s32 $0x17200, s12;
	s7 =	sadd.s32 $0x28000, s9  }
0x1b: {  	s25 =	simm.s32 $0x1800;
	s4 =	sshll.u32 s4, $0x4;
	s7 =	smov.u32 @p0 s9  }
0x1c: {  	s18 =	sadd.s32 s8, s4;
	s19 =	sadd.s32 s10, s4;
	s7 =	sshrl.u32 s7, $0x3  }
0x1d: {  	s4 =	simm.s32 $0x2F80;
	s9 =	simm.s32 $0x0;
	s16 =	sadd.s32 s8, s7  }
0x1e: {  	v0 =	vimm.f32 $0.0e+00;
	v1 =	vimm.f32 $1.000000000e+00;
	s17 =	sadd.s32 s10, s7;
	s7 =	simm.s32 $0x1F80;
	s8 =	simm.s32 $0x2780  }
.LBB2_1:
0x1f: {  	s10 =	simm.s32 $0x0;
	s12 =	simm.s32 $0x200  }
.LBB2_2:
0x20: {  	p0 =	sne.s32 s12, $0xFE00;
	[tilespmem:s10+$0x3070] =	vst v0  }
0x21: {  	[tilespmem:s10+$0x3000] =	vst v0  }
0x22: {  	[tilespmem:s10+$0x3010] =	vst v0  }
.Ltmp0:
0x23: {  	[tilespmem:s10+$0x3020] =	vst v0;
	(pc) =	sbr.rel @p0 .LBB2_2-.Ltmp0, $4  }
0x24: {  	[tilespmem:s10+$0x3030] =	vst v0  }
0x25: {  	[tilespmem:s10+$0x3040] =	vst v0  }
0x26: {  	[tilespmem:s10+$0x3050] =	vst v0  }
0x27: {  	[tilespmem:s10+$0x3060] =	vst v0;
	s10 =	sshra.s32 s12, $0x2;
	s12 =	sadd.s32 $0x200, s12  }
0x28: {  	[tilespmem:s10+$0x3070] =	vst v0  }
0x29: {  	[tilespmem:s10+$0x3000] =	vst v0  }
0x2a: {  	[tilespmem:s10+$0x3010] =	vst v0  }
0x2b: {  	[tilespmem:s10+$0x3020] =	vst v0  }
0x2c: {  	[tilespmem:s10+$0x3030] =	vst v0  }
0x2d: {  	[tilespmem:s10+$0x3040] =	vst v0  }
0x2e: {  	[tilespmem:s10+$0x3050] =	vst v0  }
0x2f: {  	[tilespmem:s10+$0x3060] =	vst v0  }
0x30: {  	[spmem:s6] =	stream.linear.scatter [tilespmem:s23], [sflag:$0x3], $0x4000, $0x38;
	[tilespmem:$0x1F300] =	vst v63  }
0x31: {  	_ =	swait.ge [sflag:s24], $0x4000  }
0x32: {  	[sflag:s24] =	ssyncset.done $0x0  }
0x33: {  	s13 =	rddreg [dreg:$0x5];
	[sflag:s24] =	ssyncadd.s32 $0xFFFFC000  }
0x34: {  	[spmem:s13] =	stream.linear.scatter [tilespmem:s23], [sflag:$0x3], $0x4000, $0x38;
	[tilespmem:$0x1F300] =	vst v63  }
0x35: {  	_ =	swait.ge [sflag:s24], $0x4000  }
0x36: {  	[sflag:s24] =	ssyncset.done $0x0  }
0x37: {  	s12 =	rddreg [dreg:$0x6];
	[sflag:s24] =	ssyncadd.s32 $0xFFFFC000  }
0x38: {  	[spmem:s12] =	stream.linear.scatter [tilespmem:s23], [sflag:$0x3], $0x4000, $0x38;
	[tilespmem:$0x1F300] =	vst v63  }
0x39: {  	_ =	swait.ge [sflag:s24], $0x4000  }
0x3a: {  	[sflag:s24] =	ssyncset.done $0x0  }
0x3b: {  	s13 =	rddreg [dreg:$0x7];
	[sflag:s24] =	ssyncadd.s32 $0xFFFFC000  }
0x3c: {  	[spmem:s13] =	stream.linear.scatter [tilespmem:s23], [sflag:$0x3], $0x4000, $0x38;
	[tilespmem:$0x1F300] =	vst v63  }
0x3d: {  	_ =	swait.ge [sflag:s24], $0x4000  }
0x3e: {  	[sflag:s24] =	ssyncset.done $0x0  }
0x3f: {  	s12 =	rddreg [dreg:$0x8];
	[sflag:s24] =	ssyncadd.s32 $0xFFFFC000  }
0x40: {  	[spmem:s12] =	stream.linear.scatter [tilespmem:s23], [sflag:$0x3], $0x4000, $0x38;
	[tilespmem:$0x1F300] =	vst v63  }
0x41: {  	_ =	swait.ge [sflag:s24], $0x4000  }
0x42: {  	[sflag:s24] =	ssyncset.done $0x0  }
0x43: {  	[sflag:s24] =	ssyncadd.s32 $0xFFFFC000  }
0x44: {  	[spmem:s11] =	stream.linear.scatter [tilespmem:s23], [sflag:$0x3], $0x80, $0x38;
	[tilespmem:$0x1F300] =	vst v63  }
0x45: {  	_ =	swait.ge [sflag:s24], $0x80  }
0x46: {  	[sflag:s24] =	ssyncset.done $0x0  }
0x47: {  	s13 =	rddreg [dreg:$0x9];
	[sflag:s24] =	ssyncadd.s32 $0xFFFFFF80  }
0x48: {  	[spmem:s13] =	stream.linear.scatter [tilespmem:s23], [sflag:$0x3], $0x80, $0x38;
	[tilespmem:$0x1F300] =	vst v63  }
0x49: {  	_ =	swait.ge [sflag:s24], $0x80  }
0x4a: {  	[sflag:s24] =	ssyncset.done $0x0  }
0x4b: {  	s12 =	rddreg [dreg:$0xa];
	[sflag:s24] =	ssyncadd.s32 $0xFFFFFF80  }
0x4c: {  	[spmem:s12] =	stream.linear.scatter [tilespmem:s23], [sflag:$0x3], $0x80, $0x38;
	[tilespmem:$0x1F300] =	vst v63  }
0x4d: {  	_ =	swait.ge [sflag:s24], $0x80  }
0x4e: {  	[sflag:s24] =	ssyncset.done $0x0  }
0x4f: {  	s13 =	rddreg [dreg:$0xb];
	[sflag:s24] =	ssyncadd.s32 $0xFFFFFF80  }
0x50: {  	[spmem:s13] =	stream.linear.scatter [tilespmem:s23], [sflag:$0x3], $0x80, $0x38;
	[tilespmem:$0x1F300] =	vst v63  }
0x51: {  	_ =	swait.ge [sflag:s24], $0x80  }
0x52: {  	[sflag:s24] =	ssyncset.done $0x0  }
0x53: {  	[sflag:s24] =	ssyncadd.s32 $0xFFFFFF80  }
0x54: {  	[spmem:s15] =	stream.linear.scatter [tilespmem:s23], [sflag:$0x3], $0x80, $0x38;
	[tilespmem:$0x1F300] =	vst v63  }
0x55: {  	_ =	swait.ge [sflag:s24], $0x80  }
0x56: {  	[sflag:s24] =	ssyncset.done $0x0  }
0x57: {  	[sflag:s24] =	ssyncadd.s32 $0xFFFFFF80  }
0x58: {  	[tilespmem:$0x1F000] =	vst v1  }
0x59: {  	[tilespmem:$0x1F010] =	vst v1  }
0x5a: {  	[tilespmem:$0x1F020] =	vst v1  }
0x5b: {  	[tilespmem:$0x1F030] =	vst v1  }
0x5c: {  	[tilespmem:$0x1F040] =	vst v1  }
0x5d: {  	[tilespmem:$0x1F050] =	vst v1  }
0x5e: {  	[tilespmem:$0x1F060] =	vst v1  }
0x5f: {  	[tilespmem:$0x1F070] =	vst v1  }
0x60: {  	[bflag:$0x0] =	sbarrier.arrive $0xFFFF  }
0x61: {  	[tilespmem:s5], [sflag:$0x3] =	stream.linear.gather [hbm4b:s16+s5], $0x1800, $0x38;
	[tilespmem:$0x1F300] =	vst v63  }
0x62: {  	_ =	swait.ge [sflag:s24], $0x1800  }
0x63: {  	[sflag:s24] =	ssyncset.done $0x0  }
0x64: {  	[sflag:s24] =	ssyncadd.s32 $0xFFFFE800  }
0x65: {  	[tilespmem:s25], [sflag:$0x3] =	stream.linear.gather [hbm4b:s17+s5], $0x1800, $0x38;
	[tilespmem:$0x1F300] =	vst v63  }
0x66: {  	_ =	swait.ge [sflag:s24], $0x1800  }
0x67: {  	[sflag:s24] =	ssyncset.done $0x0  }
0x68: {  	[sflag:s24] =	ssyncadd.s32 $0xFFFFE800  }
0x69: {  	[tilespmem:s23], [sflag:$0x1] =	stream.indirect.gather [hbm4b:s1+s26], $0x80, s5, s26, $0xb8;
	[tilespmem:$0x1F300] =	vst v63  }
0x6a: {  	s12 =	simm.s32 $0xC00  }
0x6b: {  	[tilespmem:s29], [sflag:$0x2] =	stream.indirect.gather [hbm4b:s1+s26], $0x80, s12, s26, $0xb8;
	[tilespmem:$0x1F300] =	vst v63  }
0x6c: {  	_ =	swait.ge [sflag:s30], $0x4000  }
0x6d: {  	[sflag:s30] =	ssyncset.done $0x0  }
0x6e: {  	s13 =	simm.s32 $0x1800;
	[sflag:s30] =	ssyncadd.s32 $0xFFFFC000  }
0x6f: {  	[spmem:s2] =	stream.indirect.scatter.add.f32 [tilespmem:s23], [sflag:$0x3], $0x80, s13, s26, $0xb8;
	[tilespmem:$0x1F300] =	vst v63  }
0x70: {  	_ =	swait.ge [sflag:s24], $0x4000  }
0x71: {  	[sflag:s24] =	ssyncset.done $0x0  }
0x72: {  	[sflag:s24] =	ssyncadd.s32 $0xFFFFC000  }
0x73: {  	[spmem:s3] =	stream.indirect.scatter.add.f32 [tilespmem:s31], [sflag:$0x3], $0x1, s13, s26, $0xb8;
	[tilespmem:$0x1F300] =	vst v63  }
0x74: {  	_ =	swait.ge [sflag:s24], $0x80  }
0x75: {  	[sflag:s24] =	ssyncset.done $0x0  }
0x76: {  	s12 =	simm.s32 $0x80;
	[sflag:s24] =	ssyncadd.s32 $0xFFFFFF80  }
0x77: {  	[tilespmem:s23], [sflag:$0x1] =	stream.indirect.gather [hbm4b:s1+s26], $0x80, s12, s26, $0xb8;
	[tilespmem:$0x1F300] =	vst v63  }
0x78: {  	_ =	swait.ge [sflag:s0], $0x4000  }
0x79: {  	[sflag:s0] =	ssyncset.done $0x0  }
0x7a: {  	s13 =	simm.s32 $0x2400;
	[sflag:s0] =	ssyncadd.s32 $0xFFFFC000  }
0x7b: {  	[spmem:s2] =	stream.indirect.scatter.add.f32 [tilespmem:s29], [sflag:$0x3], $0x80, s13, s26, $0xb8;
	[tilespmem:$0x1F300] =	vst v63  }
0x7c: {  	_ =	swait.ge [sflag:s24], $0x4000  }
0x7d: {  	[sflag:s24] =	ssyncset.done $0x0  }
0x7e: {  	[sflag:s24] =	ssyncadd.s32 $0xFFFFC000  }
0x7f: {  	[spmem:s3] =	stream.indirect.scatter.add.f32 [tilespmem:s31], [sflag:$0x3], $0x1, s13, s26, $0xb8;
	[tilespmem:$0x1F300] =	vst v63  }
0x80: {  	_ =	swait.ge [sflag:s24], $0x80  }
0x81: {  	[sflag:s24] =	ssyncset.done $0x0  }
0x82: {  	s10 =	simm.s32 $0x400;
	s12 =	simm.s32 $0xC80;
	[sflag:s24] =	ssyncadd.s32 $0xFFFFFF80  }
.LBB2_4:
0x83: {  	[tilespmem:s29], [sflag:$0x2] =	stream.indirect.gather [hbm4b:s1+s26], $0x80, s12, s26, $0xb8;
	[tilespmem:$0x1F300] =	vst v63  }
0x84: {  	s12 =	smov.u32 s10  }
0x85: {  	p0 =	sne.s32 s10, $0x2E00;
	s10 =	sadd.s32 $0x200, s10;
	_ =	swait.ge [sflag:s30], $0x4000  }
0x86: {  	s12 =	sshra.s32 s12, $0x2;
	[sflag:s30] =	ssyncset.done $0x0  }
0x87: {  	s13 =	sadd.s32 $0x1780, s12;
	[sflag:s30] =	ssyncadd.s32 $0xFFFFC000  }
0x88: {  	[spmem:s2] =	stream.indirect.scatter.add.f32 [tilespmem:s23], [sflag:$0x3], $0x80, s13, s26, $0xb8;
	[tilespmem:$0x1F300] =	vst v63  }
0x89: {  	_ =	swait.ge [sflag:s24], $0x4000  }
0x8a: {  	[sflag:s24] =	ssyncset.done $0x0  }
0x8b: {  	[sflag:s24] =	ssyncadd.s32 $0xFFFFC000  }
0x8c: {  	[spmem:s3] =	stream.indirect.scatter.add.f32 [tilespmem:s31], [sflag:$0x3], $0x1, s13, s26, $0xb8;
	[tilespmem:$0x1F300] =	vst v63  }
0x8d: {  	_ =	swait.ge [sflag:s24], $0x80  }
0x8e: {  	[sflag:s24] =	ssyncset.done $0x0  }
0x8f: {  	[sflag:s24] =	ssyncadd.s32 $0xFFFFFF80  }
0x90: {  	[tilespmem:s23], [sflag:$0x1] =	stream.indirect.gather [hbm4b:s1+s26], $0x80, s12, s26, $0xb8;
	[tilespmem:$0x1F300] =	vst v63  }
0x91: {  	_ =	swait.ge [sflag:s0], $0x4000  }
0x92: {  	[sflag:s0] =	ssyncset.done $0x0  }
0x93: {  	s13 =	sadd.s32 $0x2380, s12;
	[sflag:s0] =	ssyncadd.s32 $0xFFFFC000  }
0x94: {  	[spmem:s2] =	stream.indirect.scatter.add.f32 [tilespmem:s29], [sflag:$0x3], $0x80, s13, s26, $0xb8;
	[tilespmem:$0x1F300] =	vst v63  }
0x95: {  	_ =	swait.ge [sflag:s24], $0x4000  }
0x96: {  	[sflag:s24] =	ssyncset.done $0x0  }
.Ltmp1:
0x97: {  	[sflag:s24] =	ssyncadd.s32 $0xFFFFC000;
	(pc) =	sbr.rel @p0 .LBB2_4-.Ltmp1, $4  }
0x98: {  	[spmem:s3] =	stream.indirect.scatter.add.f32 [tilespmem:s31], [sflag:$0x3], $0x1, s13, s26, $0xb8;
	[tilespmem:$0x1F300] =	vst v63  }
0x99: {  	_ =	swait.ge [sflag:s24], $0x80  }
0x9a: {  	[sflag:s24] =	ssyncset.done $0x0  }
0x9b: {  	s12 =	sadd.s32 $0xC00, s12;
	[sflag:s24] =	ssyncadd.s32 $0xFFFFFF80  }
0x9c: {  	[tilespmem:s29], [sflag:$0x2] =	stream.indirect.gather [hbm4b:s1+s26], $0x80, s12, s26, $0xb8;
	[tilespmem:$0x1F300] =	vst v63  }
0x9d: {  	_ =	swait.ge [sflag:s30], $0x4000  }
0x9e: {  	[sflag:s30] =	ssyncset.done $0x0  }
0x9f: {  	[sflag:s30] =	ssyncadd.s32 $0xFFFFC000  }
0xa0: {  	[spmem:s2] =	stream.indirect.scatter.add.f32 [tilespmem:s23], [sflag:$0x3], $0x80, s28, s26, $0xb8;
	[tilespmem:$0x1F300] =	vst v63  }
0xa1: {  	_ =	swait.ge [sflag:s24], $0x4000  }
0xa2: {  	[sflag:s24] =	ssyncset.done $0x0  }
0xa3: {  	[sflag:s24] =	ssyncadd.s32 $0xFFFFC000  }
0xa4: {  	[spmem:s3] =	stream.indirect.scatter.add.f32 [tilespmem:s31], [sflag:$0x3], $0x1, s28, s26, $0xb8;
	[tilespmem:$0x1F300] =	vst v63  }
0xa5: {  	_ =	swait.ge [sflag:s24], $0x80  }
0xa6: {  	[sflag:s24] =	ssyncset.done $0x0  }
0xa7: {  	[sflag:s24] =	ssyncadd.s32 $0xFFFFFF80  }
0xa8: {  	_ =	swait.ge [sflag:s0], $0x4000  }
0xa9: {  	[sflag:s0] =	ssyncset.done $0x0  }
0xaa: {  	[sflag:s0] =	ssyncadd.s32 $0xFFFFC000  }
0xab: {  	[spmem:s2] =	stream.indirect.scatter.add.f32 [tilespmem:s29], [sflag:$0x3], $0x80, s4, s26, $0xb8;
	[tilespmem:$0x1F300] =	vst v63  }
0xac: {  	_ =	swait.ge [sflag:s24], $0x4000  }
0xad: {  	[sflag:s24] =	ssyncset.done $0x0  }
0xae: {  	[sflag:s24] =	ssyncadd.s32 $0xFFFFC000  }
0xaf: {  	[spmem:s3] =	stream.indirect.scatter.add.f32 [tilespmem:s31], [sflag:$0x3], $0x1, s4, s26, $0xb8;
	[tilespmem:$0x1F300] =	vst v63  }
0xb0: {  	_ =	swait.ge [sflag:s24], $0x80  }
0xb1: {  	[sflag:s24] =	ssyncset.done $0x0  }
0xb2: {  	[sflag:s24] =	ssyncadd.s32 $0xFFFFFF80  }
0xb3: {  	[tilespmem:s5], [sflag:$0x3] =	stream.linear.gather [hbm4b:s18+s5], $0x1800, $0x38;
	[tilespmem:$0x1F300] =	vst v63  }
0xb4: {  	_ =	swait.ge [sflag:s24], $0x1800  }
0xb5: {  	[sflag:s24] =	ssyncset.done $0x0  }
0xb6: {  	[sflag:s24] =	ssyncadd.s32 $0xFFFFE800  }
0xb7: {  	[tilespmem:s25], [sflag:$0x3] =	stream.linear.gather [hbm4b:s19+s5], $0x1800, $0x38;
	[tilespmem:$0x1F300] =	vst v63  }
0xb8: {  	_ =	swait.ge [sflag:s24], $0x1800  }
0xb9: {  	[sflag:s24] =	ssyncset.done $0x0  }
0xba: {  	[sflag:s24] =	ssyncadd.s32 $0xFFFFE800  }
0xbb: {  	[tilespmem:s23], [sflag:$0x1] =	stream.indirect.gather [hbm4b:s1+s26], $0x80, s5, s26, $0xb8;
	[tilespmem:$0x1F300] =	vst v63  }
0xbc: {  	s10 =	simm.s32 $0x800  }
0xbd: {  	[tilespmem:s29], [sflag:$0x2] =	stream.indirect.gather [hbm4b:s1+s26], $0x80, s10, s26, $0xb8;
	[tilespmem:$0x1F300] =	vst v63  }
0xbe: {  	_ =	swait.ge [sflag:s30], $0x4000  }
0xbf: {  	[sflag:s30] =	ssyncset.done $0x0  }
0xc0: {  	s13 =	simm.s32 $0x1800;
	[sflag:s30] =	ssyncadd.s32 $0xFFFFC000  }
0xc1: {  	[spmem:s2] =	stream.indirect.scatter.add.f32 [tilespmem:s23], [sflag:$0x3], $0x80, s13, s26, $0xb8;
	[tilespmem:$0x1F300] =	vst v63  }
0xc2: {  	_ =	swait.ge [sflag:s24], $0x4000  }
0xc3: {  	[sflag:s24] =	ssyncset.done $0x0  }
0xc4: {  	[sflag:s24] =	ssyncadd.s32 $0xFFFFC000  }
0xc5: {  	[spmem:s3] =	stream.indirect.scatter.add.f32 [tilespmem:s31], [sflag:$0x3], $0x1, s13, s26, $0xb8;
	[tilespmem:$0x1F300] =	vst v63  }
0xc6: {  	_ =	swait.ge [sflag:s24], $0x80  }
0xc7: {  	[sflag:s24] =	ssyncset.done $0x0  }
0xc8: {  	s12 =	simm.s32 $0x80;
	[sflag:s24] =	ssyncadd.s32 $0xFFFFFF80  }
0xc9: {  	[tilespmem:s23], [sflag:$0x1] =	stream.indirect.gather [hbm4b:s1+s26], $0x80, s12, s26, $0xb8;
	[tilespmem:$0x1F300] =	vst v63  }
0xca: {  	_ =	swait.ge [sflag:s0], $0x4000  }
0xcb: {  	[sflag:s0] =	ssyncset.done $0x0  }
0xcc: {  	s13 =	simm.s32 $0x2000;
	[sflag:s0] =	ssyncadd.s32 $0xFFFFC000  }
0xcd: {  	[spmem:s2] =	stream.indirect.scatter.add.f32 [tilespmem:s29], [sflag:$0x3], $0x80, s13, s26, $0xb8;
	[tilespmem:$0x1F300] =	vst v63  }
0xce: {  	_ =	swait.ge [sflag:s24], $0x4000  }
0xcf: {  	[sflag:s24] =	ssyncset.done $0x0  }
0xd0: {  	[sflag:s24] =	ssyncadd.s32 $0xFFFFC000  }
0xd1: {  	[spmem:s3] =	stream.indirect.scatter.add.f32 [tilespmem:s31], [sflag:$0x3], $0x1, s13, s26, $0xb8;
	[tilespmem:$0x1F300] =	vst v63  }
0xd2: {  	_ =	swait.ge [sflag:s24], $0x80  }
0xd3: {  	[sflag:s24] =	ssyncset.done $0x0  }
0xd4: {  	s10 =	simm.s32 $0x400;
	s12 =	simm.s32 $0x880;
	[sflag:s24] =	ssyncadd.s32 $0xFFFFFF80  }
.LBB2_6:
0xd5: {  	[tilespmem:s29], [sflag:$0x2] =	stream.indirect.gather [hbm4b:s1+s26], $0x80, s12, s26, $0xb8;
	[tilespmem:$0x1F300] =	vst v63  }
0xd6: {  	s12 =	smov.u32 s10  }
0xd7: {  	p0 =	sne.s32 s10, $0x1E00;
	s10 =	sadd.s32 $0x200, s10;
	_ =	swait.ge [sflag:s30], $0x4000  }
0xd8: {  	s12 =	sshra.s32 s12, $0x2;
	[sflag:s30] =	ssyncset.done $0x0  }
0xd9: {  	s13 =	sadd.s32 $0x1780, s12;
	[sflag:s30] =	ssyncadd.s32 $0xFFFFC000  }
0xda: {  	[spmem:s2] =	stream.indirect.scatter.add.f32 [tilespmem:s23], [sflag:$0x3], $0x80, s13, s26, $0xb8;
	[tilespmem:$0x1F300] =	vst v63  }
0xdb: {  	_ =	swait.ge [sflag:s24], $0x4000  }
0xdc: {  	[sflag:s24] =	ssyncset.done $0x0  }
0xdd: {  	[sflag:s24] =	ssyncadd.s32 $0xFFFFC000  }
0xde: {  	[spmem:s3] =	stream.indirect.scatter.add.f32 [tilespmem:s31], [sflag:$0x3], $0x1, s13, s26, $0xb8;
	[tilespmem:$0x1F300] =	vst v63  }
0xdf: {  	_ =	swait.ge [sflag:s24], $0x80  }
0xe0: {  	[sflag:s24] =	ssyncset.done $0x0  }
0xe1: {  	[sflag:s24] =	ssyncadd.s32 $0xFFFFFF80  }
0xe2: {  	[tilespmem:s23], [sflag:$0x1] =	stream.indirect.gather [hbm4b:s1+s26], $0x80, s12, s26, $0xb8;
	[tilespmem:$0x1F300] =	vst v63  }
0xe3: {  	_ =	swait.ge [sflag:s0], $0x4000  }
0xe4: {  	[sflag:s0] =	ssyncset.done $0x0  }
0xe5: {  	s13 =	sadd.s32 $0x1F80, s12;
	[sflag:s0] =	ssyncadd.s32 $0xFFFFC000  }
0xe6: {  	[spmem:s2] =	stream.indirect.scatter.add.f32 [tilespmem:s29], [sflag:$0x3], $0x80, s13, s26, $0xb8;
	[tilespmem:$0x1F300] =	vst v63  }
0xe7: {  	_ =	swait.ge [sflag:s24], $0x4000  }
0xe8: {  	[sflag:s24] =	ssyncset.done $0x0  }
.Ltmp2:
0xe9: {  	[sflag:s24] =	ssyncadd.s32 $0xFFFFC000;
	(pc) =	sbr.rel @p0 .LBB2_6-.Ltmp2, $4  }
0xea: {  	[spmem:s3] =	stream.indirect.scatter.add.f32 [tilespmem:s31], [sflag:$0x3], $0x1, s13, s26, $0xb8;
	[tilespmem:$0x1F300] =	vst v63  }
0xeb: {  	_ =	swait.ge [sflag:s24], $0x80  }
0xec: {  	[sflag:s24] =	ssyncset.done $0x0  }
0xed: {  	s12 =	sadd.s32 $0x800, s12;
	[sflag:s24] =	ssyncadd.s32 $0xFFFFFF80  }
0xee: {  	[tilespmem:s29], [sflag:$0x2] =	stream.indirect.gather [hbm4b:s1+s26], $0x80, s12, s26, $0xb8;
	[tilespmem:$0x1F300] =	vst v63  }
0xef: {  	_ =	swait.ge [sflag:s30], $0x4000  }
0xf0: {  	[sflag:s30] =	ssyncset.done $0x0  }
0xf1: {  	[sflag:s30] =	ssyncadd.s32 $0xFFFFC000  }
0xf2: {  	[spmem:s2] =	stream.indirect.scatter.add.f32 [tilespmem:s23], [sflag:$0x3], $0x80, s7, s26, $0xb8;
	[tilespmem:$0x1F300] =	vst v63  }
0xf3: {  	_ =	swait.ge [sflag:s24], $0x4000  }
0xf4: {  	[sflag:s24] =	ssyncset.done $0x0  }
0xf5: {  	[sflag:s24] =	ssyncadd.s32 $0xFFFFC000  }
0xf6: {  	[spmem:s3] =	stream.indirect.scatter.add.f32 [tilespmem:s31], [sflag:$0x3], $0x1, s7, s26, $0xb8;
	[tilespmem:$0x1F300] =	vst v63  }
0xf7: {  	_ =	swait.ge [sflag:s24], $0x80  }
0xf8: {  	[sflag:s24] =	ssyncset.done $0x0  }
0xf9: {  	[sflag:s24] =	ssyncadd.s32 $0xFFFFFF80  }
0xfa: {  	_ =	swait.ge [sflag:s0], $0x4000  }
0xfb: {  	[sflag:s0] =	ssyncset.done $0x0  }
0xfc: {  	[sflag:s0] =	ssyncadd.s32 $0xFFFFC000  }
0xfd: {  	[spmem:s2] =	stream.indirect.scatter.add.f32 [tilespmem:s29], [sflag:$0x3], $0x80, s8, s26, $0xb8;
	[tilespmem:$0x1F300] =	vst v63  }
0xfe: {  	_ =	swait.ge [sflag:s24], $0x4000  }
0xff: {  	[sflag:s24] =	ssyncset.done $0x0  }
0x100: {  	[sflag:s24] =	ssyncadd.s32 $0xFFFFC000  }
0x101: {  	[spmem:s3] =	stream.indirect.scatter.add.f32 [tilespmem:s31], [sflag:$0x3], $0x1, s8, s26, $0xb8;
	[tilespmem:$0x1F300] =	vst v63  }
0x102: {  	_ =	swait.ge [sflag:s24], $0x80  }
0x103: {  	s10 =	stileid.u32;
	[sflag:s24] =	ssyncset.done $0x0  }
0x104: {  	s10 =	sshll.u32 s10, $0x6;
	[sflag:s24] =	ssyncadd.s32 $0xFFFFFF80  }
0x105: {  	s13 =	sshrl.u32 s6, $0x3;
	s10 =	sor.u32 $0x1C03, s10;
	[bflag:$0x0] =	sbarrier.arrive $0xFFFF  }
0x106: {  	[hbm:s20], [sflag:s10] =	dma.local [spmem:s13], $0x2800  }
0x107: {  	s9 =	sadd.s32 $0x1, s9;
	_ =	swait.ge [sflag:s24], $0x2800  }
0x108: {  	s12 =	sshrl.u32 s11, $0x3;
	p0 =	sne.s32 s9, s22;
	[sflag:s24] =	ssyncset.done $0x0  }
.Ltmp3:
0x109: {  	s13 =	simm.s32 $0x20;
	[sflag:s24] =	ssyncadd.s32 $0xFFFFD800;
	(pc) =	sbr.rel @p0 .LBB2_1-.Ltmp3, $4  }
0x10a: {  	[hbm:s21@s13], [sflag:s10] =	dma.strided [spmem:s12@s14], $0x50, s30, $0x10   }
0x10b: {  	_ =	swait.ge [sflag:s24], $0x50  }
0x10c: {  	[sflag:s24] =	ssyncset.done $0x0  }
0x10d: {  	[sflag:s24] =	ssyncadd.s32 $0xFFFFFFB0  }
0x10e: {  	_ =	sfence.sel $0x180000  }
0x10f: {  	[bflag:$0x0] =	sbarrier.arrive $0xFFFF  }
0x110: {  	_ =	strace $0x90000047  }
0x111: {  	s0 =	stileid.u32;
	[bflag:$0x2] =	sbarrier.arrive $0xFFFF  }
0x112: {  	p0 =	sne.s32 s0, $0x0;
	s0 =	rddreg [dreg:$0x4]  }
0x113: {  	s0 =	sadd.s32 @!p0 $0x100000, s0  }
0x114: {  	[sflag:s0] =	ssyncadd.tile.s32 @!p0 $0x1;
	_ =	shalt  }
.Lfunc_end2:
_tile_overlayer_lowered:
.L_overlay_start_2:
0x115: {  	(tag) =	ssettag $0x2  }
0x116: {  	s0 =	rddreg [dreg:$0x0];
	s2 =	stileid.u32  }
0x117: {  	s1 =	rddreg [dreg:$0x1];
	p0 =	sne.s32 s2, $0x0  }
0x118: {  	s3 =	rddreg [dreg:$0x2];
	[bflag:$0x3] =	sbarrier.arrive $0xFFFF;
	s2 =	simm.s32 @!p0 $0x1C03  }
0x119: {  	[timem:s3], [sflag:s2] =	dma.local @!p0 [hbm:s0], s1  }
0x11a: {  	s0 =	simm.s32 @!p0 $0x3  }
0x11b: {  	_ =	swait.ge @!p0 [sflag:s0], s1  }
0x11c: {  	s1 =	ssub.s32 @!p0 $0x0, s1;
	[sflag:s0] =	ssyncset.done @!p0 $0x0  }
0x11d: {  	[sflag:s0] =	ssyncadd.s32 @!p0 s1  }
0x11e: {  	[bflag:$0x3] =	sbarrier.arrive $0xFFFF  }
0x11f: {  	_ =	shalt  }

</sc_bundles>
